<compile_context>
chip_gen: v7x
topology: tpu7x:2x2x1
jax: 0.10.2.dev20260603
libtpu: 0.0.44.dev20260713+nightly
codegen_flags: <defaults>
</compile_context>

<pallas_src>
import functools

import jax
import jax.numpy as jnp
from jax import lax
from jax.experimental import pallas as pl
from jax.experimental.pallas import tpu as pltpu
from jax.experimental.pallas import tpu_sc as plsc

F32 = jnp.float32

_NC = 2
_NS = 16
_NW = _NC * _NS
_K = 128


def _pad_nodes(n):
    unit = _NS * 8
    return ((n + 1 + unit - 1) // unit) * unit


def _worker_id():
    return lax.axis_index("s") * _NC + lax.axis_index("c")


def _core_id():
    return lax.axis_index("c")


def _subcore_id():
    return lax.axis_index("s")


def _make_deg_kernel(n_pad, d, nchunk):
    epw = nchunk * _K
    rows_per_sub = n_pad // _NS
    mesh = plsc.VectorSubcoreMesh(core_axis_name="c", subcore_axis_name="s")

    @functools.partial(
        pl.kernel,
        out_type=jax.ShapeDtypeStruct((_NC, n_pad, d), F32),
        mesh=mesh,
        scratch_types=[
            pltpu.VMEM((_K,), jnp.int32),
            pltpu.VMEM((_K, d), F32),
            pltpu.VMEM_SHARED((n_pad, d), F32),
        ],
    )
    def deg_kernel(dst_hbm, ones_hbm, zeros_hbm, out_hbm, idx_v, ones_v,
                   acc):
        c = _core_id()
        s = _subcore_id()
        wid = _worker_id()
        r0 = s * rows_per_sub
        pltpu.sync_copy(zeros_hbm.at[pl.ds(r0, rows_per_sub)],
                        acc.at[pl.ds(r0, rows_per_sub)])
        pltpu.sync_copy(ones_hbm, ones_v)
        plsc.subcore_barrier()

        base = wid * epw

        def body(j, _):
            pltpu.sync_copy(dst_hbm.at[pl.ds(base + j * _K, _K)], idx_v)
            pltpu.sync_copy(ones_v, acc.at[idx_v], add=True)
            return 0

        lax.fori_loop(0, nchunk, body, 0)
        plsc.subcore_barrier()
        pltpu.sync_copy(acc.at[pl.ds(r0, rows_per_sub)],
                        out_hbm.at[c, pl.ds(r0, rows_per_sub)])

    return deg_kernel


_IDXD = 4


def _make_prop_kernel(n_pad, d, nchunk):
    epw = nchunk * _K
    rows_per_sub = n_pad // _NS
    mesh = plsc.VectorSubcoreMesh(core_axis_name="c", subcore_axis_name="s")

    @functools.partial(
        pl.kernel,
        out_type=jax.ShapeDtypeStruct((_NC, n_pad, d), F32),
        mesh=mesh,
        scratch_types=[
            pltpu.VMEM((_K,), jnp.int32),
            pltpu.VMEM((_K,), jnp.int32),
            pltpu.VMEM((_K, d), F32),
            pltpu.VMEM_SHARED((n_pad, d), F32),
            pltpu.SemaphoreType.DMA,
        ],
    )
    def prop_kernel(hp_hbm, src_hbm, dst_hbm, zeros_hbm, out_hbm,
                    idx_s, idx_d, rows_v, acc, sem):
        c = _core_id()
        s = _subcore_id()
        wid = _worker_id()
        r0 = s * rows_per_sub
        pltpu.sync_copy(zeros_hbm.at[pl.ds(r0, rows_per_sub)],
                        acc.at[pl.ds(r0, rows_per_sub)])
        plsc.subcore_barrier()

        base = wid * epw

        def body(j, _):
            pltpu.sync_copy(src_hbm.at[pl.ds(base + j * _K, _K)], idx_s)
            pltpu.sync_copy(dst_hbm.at[pl.ds(base + j * _K, _K)], idx_d)
            pltpu.async_copy(hp_hbm.at[idx_s], rows_v, sem).wait()
            pltpu.sync_copy(rows_v, acc.at[idx_d], add=True)
            return 0

        lax.fori_loop(0, nchunk, body, 0)
        plsc.subcore_barrier()
        pltpu.sync_copy(acc.at[pl.ds(r0, rows_per_sub)],
                        out_hbm.at[c, pl.ds(r0, rows_per_sub)])

    return prop_kernel


def _dinv_from(degp_ref):
    deg = 1.0 + degp_ref[0, :, 0] + degp_ref[1, :, 0]
    return lax.rsqrt(deg)[:, None]


def _dot(a, b):
    return jnp.dot(a, b, preferred_element_type=F32)


def _row_spec(bm, d):
    return pl.BlockSpec((bm, d), lambda i: (i, 0))


def _part_spec(bm, d):
    return pl.BlockSpec((_NC, bm, d), lambda i: (0, i, 0))


def _full_spec(shape):
    nd = len(shape)
    return pl.BlockSpec(shape, lambda i: (0,) * nd)


def kernel(x, edge_index, W1, b1, W21, b21, W22, b22, W31, b31, W32, b32,
           W33, b33, Wl, bl):
    n, d_in = x.shape
    d_out = W1.shape[1]
    e = edge_index.shape[1]

    src = edge_index[0].astype(jnp.int32)
    dst = edge_index[1].astype(jnp.int32)

    unit = _NW * _K
    e_pad = ((e + unit - 1) // unit) * unit
    n_pad_rows = _pad_nodes(n)
    if e_pad != e:
        pad = e_pad - e
        src = jnp.concatenate([src, jnp.zeros((pad,), jnp.int32)])
        dst = jnp.concatenate([dst, jnp.full((pad,), n, jnp.int32)])
    nchunk = e_pad // (_NW * _K)

    n_pad = n_pad_rows
    zeros_d = jnp.zeros((n_pad, d_out), F32)
    ones_k = jnp.ones((_K, d_out), F32)

    deg_kernel = _make_deg_kernel(n_pad, d_out, nchunk)
    prop_kernel = _make_prop_kernel(n_pad, d_out, nchunk)

    degp = deg_kernel(dst, ones_k, zeros_d)

    def prop(hp):
        return prop_kernel(hp, src, dst, zeros_d)

    bm = 400
    grid = (n // bm,)

    b1r = b1.reshape(1, -1)
    b21r = b21.reshape(1, -1)
    b22r = b22.reshape(1, -1)
    b31r = b31.reshape(1, -1)
    b32r = b32.reshape(1, -1)
    b33r = b33.reshape(1, -1)
    blr = bl.reshape(1, -1)

    def tc1_body(x_ref, degp_ref, w1_ref, w2_ref, w3_ref,
                 u1_ref, u2_ref, u3_ref):
        dinv = _dinv_from(degp_ref)
        xb = x_ref[...]
        u1_ref[...] = dinv * _dot(xb, w1_ref[...])
        u2_ref[...] = dinv * _dot(xb, w2_ref[...])
        u3_ref[...] = dinv * _dot(xb, w3_ref[...])

    u1p, u2p, u3p = pl.pallas_call(
        tc1_body,
        grid=grid,
        in_specs=[_row_spec(bm, d_in), _part_spec(bm, d_out),
                  _full_spec(W1.shape), _full_spec(W21.shape),
                  _full_spec(W31.shape)],
        out_specs=[_row_spec(bm, d_out)] * 3,
        out_shape=[jax.ShapeDtypeStruct((n, d_out), F32)] * 3,
    )(x, degp, W1, W21, W31)

    p1 = prop(u1p)
    p2 = prop(u2p)
    p3 = prop(u3p)

    def tc2_body(degp_ref, p1_ref, p2_ref, p3_ref, u1_ref, u2_ref, u3_ref,
                 b1_ref, b21_ref, b31_ref, w22_ref, w32_ref,
                 h1_ref, v2_ref, v3_ref):
        dinv = _dinv_from(degp_ref)
        s1 = p1_ref[0] + p1_ref[1] + u1_ref[...]
        h1_ref[...] = jnp.maximum(dinv * s1 + b1_ref[...], 0.0)
        s2 = p2_ref[0] + p2_ref[1] + u2_ref[...]
        t2 = jnp.maximum(dinv * s2 + b21_ref[...], 0.0)
        v2_ref[...] = dinv * _dot(t2, w22_ref[...])
        s3 = p3_ref[0] + p3_ref[1] + u3_ref[...]
        t3 = jnp.maximum(dinv * s3 + b31_ref[...], 0.0)
        v3_ref[...] = dinv * _dot(t3, w32_ref[...])

    h1, v2p, v3p = pl.pallas_call(
        tc2_body,
        grid=grid,
        in_specs=[_part_spec(bm, d_out)] + [_part_spec(bm, d_out)] * 3 +
                 [_row_spec(bm, d_out)] * 3 +
                 [_full_spec((1, d_out))] * 3 +
                 [_full_spec(W22.shape), _full_spec(W32.shape)],
        out_specs=[_row_spec(bm, d_out)] * 3,
        out_shape=[jax.ShapeDtypeStruct((n, d_out), F32)] * 3,
    )(degp, p1, p2, p3, u1p, u2p, u3p, b1r, b21r, b31r, W22, W32)

    q2 = prop(v2p)
    q3 = prop(v3p)

    def tc3_body(degp_ref, q2_ref, q3_ref, v2_ref, v3_ref,
                 b22_ref, b32_ref, w33_ref, h2_ref, z_ref):
        dinv = _dinv_from(degp_ref)
        s2 = q2_ref[0] + q2_ref[1] + v2_ref[...]
        h2_ref[...] = jnp.maximum(dinv * s2 + b22_ref[...], 0.0)
        s3 = q3_ref[0] + q3_ref[1] + v3_ref[...]
        t3 = jnp.maximum(dinv * s3 + b32_ref[...], 0.0)
        z_ref[...] = dinv * _dot(t3, w33_ref[...])

    h2, zp = pl.pallas_call(
        tc3_body,
        grid=grid,
        in_specs=[_part_spec(bm, d_out)] + [_part_spec(bm, d_out)] * 2 +
                 [_row_spec(bm, d_out)] * 2 +
                 [_full_spec((1, d_out))] * 2 + [_full_spec(W33.shape)],
        out_specs=[_row_spec(bm, d_out)] * 2,
        out_shape=[jax.ShapeDtypeStruct((n, d_out), F32)] * 2,
    )(degp, q2, q3, v2p, v3p, b22r, b32r, W33)

    r3 = prop(zp)

    def tc4_body(degp_ref, r3_ref, z_ref, b33_ref, h1_ref, h2_ref, wl_ref,
                 c_ref):
        dinv = _dinv_from(degp_ref)
        s3 = r3_ref[0] + r3_ref[1] + z_ref[...]
        h3 = jnp.maximum(dinv * s3 + b33_ref[...], 0.0)
        wl = wl_ref[...]
        acc = _dot(h1_ref[...], wl[0:d_out])
        acc = acc + _dot(h2_ref[...], wl[d_out:2 * d_out])
        acc = acc + _dot(h3, wl[2 * d_out:3 * d_out])
        c_ref[...] = dinv * acc

    cp = pl.pallas_call(
        tc4_body,
        grid=grid,
        in_specs=[_part_spec(bm, d_out), _part_spec(bm, d_out),
                  _row_spec(bm, d_out), _full_spec((1, d_out)),
                  _row_spec(bm, d_out), _row_spec(bm, d_out),
                  _full_spec(Wl.shape)],
        out_specs=_row_spec(bm, d_out),
        out_shape=jax.ShapeDtypeStruct((n, d_out), F32),
    )(degp, r3, zp, b33r, h1, h2, Wl)

    pc = prop(cp)

    def tc5_body(degp_ref, pc_ref, c_ref, bl_ref, out_ref):
        dinv = _dinv_from(degp_ref)
        s = pc_ref[0] + pc_ref[1] + c_ref[...]
        out_ref[...] = dinv * s + bl_ref[...]

    out = pl.pallas_call(
        tc5_body,
        grid=grid,
        in_specs=[_part_spec(bm, d_out), _part_spec(bm, d_out),
                  _row_spec(bm, d_out), _full_spec((1, d_out))],
        out_specs=_row_spec(bm, d_out),
        out_shape=jax.ShapeDtypeStruct((n, d_out), F32),
    )(degp, pc, cp, blr)

    return out

# --- scband reference (transcript-rebuilt; emitter-appended) ---
"""Pipeline reference for scband-incep-gcnblock-66812511257313 (READ-ONLY COPY).

The authoritative reference and input builder live on the scoring server;
editing this copy changes nothing except your own understanding.
"""

import jax, jax.numpy as jnp
import numpy as np

N_NODES = 10000
N_EDGES = 320000
D_IN = 128
D_OUT = 128


def gcn_conv(x, src, dst, W, b):
    # Faithful GCNConv: add self-loops, symmetric deg^{-1/2} normalization,
    # linear transform, scatter-add aggregation, bias.
    N = x.shape[0]
    loop = jnp.arange(N, dtype=src.dtype)
    src2 = jnp.concatenate([src, loop])
    dst2 = jnp.concatenate([dst, loop])
    ew = jnp.ones(src2.shape[0], dtype=x.dtype)
    deg = jnp.zeros(N, dtype=x.dtype).at[dst2].add(ew)
    dinv = jnp.where(deg > 0, 1.0 / jnp.sqrt(deg), 0.0)
    norm = dinv[src2] * ew * dinv[dst2]
    h = x @ W
    msg = h[src2] * norm[:, None]
    out = jnp.zeros((N, W.shape[1]), dtype=x.dtype).at[dst2].add(msg)
    return out + b


def setup_inputs(seed: int = 0) -> dict:
    key = jax.random.key(seed)
    ks = jax.random.split(key, 16)
    x = jax.random.normal(ks[0], (N_NODES, D_IN), dtype=jnp.float32)
    edge_index = jax.random.randint(ks[1], (2, N_EDGES), 0, N_NODES, dtype=jnp.int64) if jax.config.jax_enable_x64 else jax.random.randint(ks[1], (2, N_EDGES), 0, N_NODES).astype(jnp.int32)
    def mk_w(k, din, dout):
        return jax.random.normal(k, (din, dout), dtype=jnp.float32) * 0.05
    params = {
        'W1': mk_w(ks[2], D_IN, D_OUT), 'b1': jnp.zeros((D_OUT,), jnp.float32),
        'W21': mk_w(ks[3], D_IN, D_OUT), 'b21': jnp.zeros((D_OUT,), jnp.float32),
        'W22': mk_w(ks[4], D_OUT, D_OUT), 'b22': jnp.zeros((D_OUT,), jnp.float32),
        'W31': mk_w(ks[5], D_IN, D_OUT), 'b31': jnp.zeros((D_OUT,), jnp.float32),
        'W32': mk_w(ks[6], D_OUT, D_OUT), 'b32': jnp.zeros((D_OUT,), jnp.float32),
        'W33': mk_w(ks[7], D_OUT, D_OUT), 'b33': jnp.zeros((D_OUT,), jnp.float32),
        'Wl': mk_w(ks[8], 3 * D_OUT, D_OUT), 'bl': jnp.zeros((D_OUT,), jnp.float32),
    }
    return {'x': x, 'edge_index': edge_index, **params}


def reference(x, edge_index, W1, b1, W21, b21, W22, b22, W31, b31, W32, b32, W33, b33, Wl, bl):
    src = edge_index[0]
    dst = edge_index[1]
    # branch 1 (dropout=0.0 -> no dropout)
    h1 = jax.nn.relu(gcn_conv(x, src, dst, W1, b1))
    # branch 2
    h2 = jax.nn.relu(gcn_conv(x, src, dst, W21, b21))
    h2 = jax.nn.relu(gcn_conv(h2, src, dst, W22, b22))
    # branch 3
    h3 = jax.nn.relu(gcn_conv(x, src, dst, W31, b31))
    h3 = jax.nn.relu(gcn_conv(h3, src, dst, W32, b32))
    h3 = jax.nn.relu(gcn_conv(h3, src, dst, W33, b33))
    cat = jnp.concatenate([h1, h2, h3], axis=1)
    out = gcn_conv(cat, src, dst, Wl, bl)
    return out


if False:  # reference __main__ guard neutralized (emitter)
    inp = setup_inputs()
    out = reference(**inp)
    print(out.shape)

if __name__ == "__main__":
    import jax
    _d = setup_inputs()
    print(jax.jit(kernel)(*tuple(_d.values())))

</pallas_src>

<mosaic_0001>
#map = affine_map<(d0, d1) -> (0, 0)>
#map1 = affine_map<(d0, d1) -> (0)>
#map2 = affine_map<(d0, d1) -> (0, 0, 0)>
module attributes {stable_mosaic.version = 14 : i64} {
  func.func @prop_kernel(%arg0: i32, %arg1: i32, %arg2: memref<10000x128xf32, #tpu.memory_space<hbm>>, %arg3: memref<323584xi32, #tpu.memory_space<hbm>>, %arg4: memref<323584xi32, #tpu.memory_space<hbm>>, %arg5: memref<10112x128xf32, #tpu.memory_space<hbm>>, %arg6: memref<2x10112x128xf32, #tpu.memory_space<hbm>>, %arg7: memref<128xi32, #tpu.memory_space<vmem>>, %arg8: memref<128xi32, #tpu.memory_space<vmem>>, %arg9: memref<128x128xf32, #tpu.memory_space<vmem>>, %arg10: memref<10112x128xf32, #tpu.memory_space<vmem_shared>>, %arg11: memref<!tpu.dma_semaphore, #tpu.memory_space<semaphore_mem>>) attributes {dimension_semantics = [#tpu.dimension_semantics<core_parallel>, #tpu.dimension_semantics<subcore_parallel>], iteration_bounds = array<i64: 2, 16>, scalar_prefetch = 0 : i64, scratch_operands = 5 : i64, tpu.core_type = #tpu.core_type<sc_vector_subcore>, window_params = [{transform_indices = #map}, {transform_indices = #map1}, {transform_indices = #map1}, {transform_indices = #map}, {transform_indices = #map2}]} {
    %mul3A = arith.constant 2 : i32
    %mul3A_0 = arith.muli %arg1, %mul3A : i32
    %add3A = arith.addi %mul3A_0, %arg0 : i32
    %mul3A_1 = arith.constant 632 : i32
    %mul3A_2 = arith.muli %arg1, %mul3A_1 : i32
    "tpu.region"() ({
      %run_scoped3A = tpu.sem_alloc : memref<!tpu.dma_semaphore, #tpu.memory_space<semaphore_mem>>
      %dma_start3A = arith.constant 0 : i32
      %dma_start3A_12 = tpu.memref_slice %arg10[%mul3A_2, %dma_start3A] : memref<10112x128xf32, #tpu.memory_space<vmem_shared>> -> memref<632x128xf32, #tpu.memory_space<vmem_shared>>
      %dma_start3A_13 = arith.constant 0 : i32
      %dma_start3A_14 = tpu.memref_slice %arg5[%mul3A_2, %dma_start3A_13] : memref<10112x128xf32, #tpu.memory_space<hbm>> -> memref<632x128xf32, #tpu.memory_space<hbm>>
      tpu.enqueue_dma source(%dma_start3A_14 : memref<632x128xf32, #tpu.memory_space<hbm>>) target(%dma_start3A_12 : memref<632x128xf32, #tpu.memory_space<vmem_shared>>) target_semaphore(%run_scoped3A : memref<!tpu.dma_semaphore, #tpu.memory_space<semaphore_mem>>)
      %dma_wait3A = arith.constant 0 : i32
      %dma_wait3A_15 = tpu.memref_slice %arg10[%mul3A_2, %dma_wait3A] : memref<10112x128xf32, #tpu.memory_space<vmem_shared>> -> memref<632x128xf32, #tpu.memory_space<vmem_shared>>
      %dma_wait3A_16 = arith.constant 0 : i32
      %dma_wait3A_17 = tpu.memref_slice %arg5[%mul3A_2, %dma_wait3A_16] : memref<10112x128xf32, #tpu.memory_space<hbm>> -> memref<632x128xf32, #tpu.memory_space<hbm>>
      tpu.wait_dma2 semaphore(%run_scoped3A : memref<!tpu.dma_semaphore, #tpu.memory_space<semaphore_mem>>) src(%dma_wait3A_17 : memref<632x128xf32, #tpu.memory_space<hbm>>) dst(%dma_wait3A_15 : memref<632x128xf32, #tpu.memory_space<vmem_shared>>)
      tpu.yield
    }) : () -> ()
    %barrier3A = arith.constant 0 : index
    tpu.barrier barrier_id(%barrier3A)
    %mul3A_3 = arith.constant 10112 : i32
    %mul3A_4 = arith.muli %add3A, %mul3A_3 : i32
    %scan3A = arith.constant 0 : i32
    %scan3A_5 = arith.constant 0 : i32
    %scan3A_6 = arith.constant 79 : i32
    %scan3A_7 = arith.addi %scan3A_5, %scan3A_6 : i32
    %scan3A_8 = arith.constant 1 : i32
    %scan3A_9 = scf.for %scan3A_12 = %scan3A_5 to %scan3A_7 step %scan3A_8 iter_args(%scan3A_13 = %scan3A) -> (i32)  : i32 {
      %mul3A_14 = arith.constant 128 : i32
      %mul3A_15 = arith.muli %scan3A_12, %mul3A_14 : i32
      %add3A_16 = arith.addi %mul3A_4, %mul3A_15 : i32
      "tpu.region"() ({
        %run_scoped3A = tpu.sem_alloc : memref<!tpu.dma_semaphore, #tpu.memory_space<semaphore_mem>>
        %dma_start3A_25 = tpu.memref_slice %arg3[%add3A_16] : memref<323584xi32, #tpu.memory_space<hbm>> -> memref<128xi32, #tpu.memory_space<hbm>>
        %dma_start3A_26 = tpu.memref_slice %arg3[%add3A_16] : memref<323584xi32, #tpu.memory_space<hbm>> -> memref<128xi32, #tpu.memory_space<hbm>>
        tpu.enqueue_dma source(%dma_start3A_26 : memref<128xi32, #tpu.memory_space<hbm>>) target(%arg7 : memref<128xi32, #tpu.memory_space<vmem>>) target_semaphore(%run_scoped3A : memref<!tpu.dma_semaphore, #tpu.memory_space<semaphore_mem>>)
        %dma_wait3A_27 = tpu.memref_slice %arg3[%add3A_16] : memref<323584xi32, #tpu.memory_space<hbm>> -> memref<128xi32, #tpu.memory_space<hbm>>
        %dma_wait3A_28 = tpu.memref_slice %arg3[%add3A_16] : memref<323584xi32, #tpu.memory_space<hbm>> -> memref<128xi32, #tpu.memory_space<hbm>>
        tpu.wait_dma2 semaphore(%run_scoped3A : memref<!tpu.dma_semaphore, #tpu.memory_space<semaphore_mem>>) src(%dma_wait3A_28 : memref<128xi32, #tpu.memory_space<hbm>>) dst(%arg7 : memref<128xi32, #tpu.memory_space<vmem>>)
        tpu.yield
      }) : () -> ()
      %mul3A_17 = arith.constant 128 : i32
      %mul3A_18 = arith.muli %scan3A_12, %mul3A_17 : i32
      %add3A_19 = arith.addi %mul3A_4, %mul3A_18 : i32
      "tpu.region"() ({
        %run_scoped3A = tpu.sem_alloc : memref<!tpu.dma_semaphore, #tpu.memory_space<semaphore_mem>>
        %dma_start3A_25 = tpu.memref_slice %arg4[%add3A_19] : memref<323584xi32, #tpu.memory_space<hbm>> -> memref<128xi32, #tpu.memory_space<hbm>>
        %dma_start3A_26 = tpu.memref_slice %arg4[%add3A_19] : memref<323584xi32, #tpu.memory_space<hbm>> -> memref<128xi32, #tpu.memory_space<hbm>>
        tpu.enqueue_dma source(%dma_start3A_26 : memref<128xi32, #tpu.memory_space<hbm>>) target(%arg8 : memref<128xi32, #tpu.memory_space<vmem>>) target_semaphore(%run_scoped3A : memref<!tpu.dma_semaphore, #tpu.memory_space<semaphore_mem>>)
        %dma_wait3A_27 = tpu.memref_slice %arg4[%add3A_19] : memref<323584xi32, #tpu.memory_space<hbm>> -> memref<128xi32, #tpu.memory_space<hbm>>
        %dma_wait3A_28 = tpu.memref_slice %arg4[%add3A_19] : memref<323584xi32, #tpu.memory_space<hbm>> -> memref<128xi32, #tpu.memory_space<hbm>>
        tpu.wait_dma2 semaphore(%run_scoped3A : memref<!tpu.dma_semaphore, #tpu.memory_space<semaphore_mem>>) src(%dma_wait3A_28 : memref<128xi32, #tpu.memory_space<hbm>>) dst(%arg8 : memref<128xi32, #tpu.memory_space<vmem>>)
        tpu.yield
      }) : () -> ()
      %dma_start3A = arith.constant 0 : i32
      %dma_start3A_20 = arith.constant 0 : i32
      %dma_start3A_21 = tpu.memref_slice %arg2[%dma_start3A, %dma_start3A_20] : memref<10000x128xf32, #tpu.memory_space<hbm>> -> memref<10000x128xf32, #tpu.memory_space<hbm>>
      tpu.enqueue_indirect_dma source(%dma_start3A_21 : memref<10000x128xf32, #tpu.memory_space<hbm>>) target(%arg9 : memref<128x128xf32, #tpu.memory_space<vmem>>) offsets(%arg7 : memref<128xi32, #tpu.memory_space<vmem>>) semaphore(%arg11 : memref<!tpu.dma_semaphore, #tpu.memory_space<semaphore_mem>>)
      %dma_wait3A = arith.constant 0 : i32
      %dma_wait3A_22 = arith.constant 0 : i32
      %dma_wait3A_23 = tpu.memref_slice %arg2[%dma_wait3A, %dma_wait3A_22] : memref<10000x128xf32, #tpu.memory_space<hbm>> -> memref<10000x128xf32, #tpu.memory_space<hbm>>
      tpu.wait_indirect_dma semaphore(%arg11 : memref<!tpu.dma_semaphore, #tpu.memory_space<semaphore_mem>>) src(%dma_wait3A_23 : memref<10000x128xf32, #tpu.memory_space<hbm>>) dst(%arg9 : memref<128x128xf32, #tpu.memory_space<vmem>>)
      "tpu.region"() ({
        %run_scoped3A = tpu.sem_alloc : memref<!tpu.dma_semaphore, #tpu.memory_space<semaphore_mem>>
        %dma_start3A_25 = arith.constant 0 : i32
        %dma_start3A_26 = arith.constant 0 : i32
        %dma_start3A_27 = tpu.memref_slice %arg10[%dma_start3A_25, %dma_start3A_26] : memref<10112x128xf32, #tpu.memory_space<vmem_shared>> -> memref<10112x128xf32, #tpu.memory_space<vmem_shared>>
        tpu.enqueue_indirect_dma source(%arg9 : memref<128x128xf32, #tpu.memory_space<vmem>>) target(%dma_start3A_27 : memref<10112x128xf32, #tpu.memory_space<vmem_shared>>) offsets(%arg8 : memref<128xi32, #tpu.memory_space<vmem>>) semaphore(%run_scoped3A : memref<!tpu.dma_semaphore, #tpu.memory_space<semaphore_mem>>) {add = true}
        %dma_wait3A_28 = arith.constant 0 : i32
        %dma_wait3A_29 = arith.constant 0 : i32
        %dma_wait3A_30 = tpu.memref_slice %arg10[%dma_wait3A_28, %dma_wait3A_29] : memref<10112x128xf32, #tpu.memory_space<vmem_shared>> -> memref<10112x128xf32, #tpu.memory_space<vmem_shared>>
        tpu.wait_indirect_dma semaphore(%run_scoped3A : memref<!tpu.dma_semaphore, #tpu.memory_space<semaphore_mem>>) src(%arg9 : memref<128x128xf32, #tpu.memory_space<vmem>>) dst(%dma_wait3A_30 : memref<10112x128xf32, #tpu.memory_space<vmem_shared>>)
        tpu.yield
      }) : () -> ()
      %scan3A_24 = arith.constant 0 : i32
      scf.yield %scan3A_24 : i32
    }
    %scan3A_10 = arith.constant 79 : i32
    %barrier3A_11 = arith.constant 0 : index
    tpu.barrier barrier_id(%barrier3A_11)
    "tpu.region"() ({
      %run_scoped3A = tpu.sem_alloc : memref<!tpu.dma_semaphore, #tpu.memory_space<semaphore_mem>>
      %dma_start3A = arith.constant 0 : i32
      %dma_start3A_12 = tpu.memref_slice %arg6[%arg0, %mul3A_2, %dma_start3A] : memref<2x10112x128xf32, #tpu.memory_space<hbm>> -> memref<1x632x128xf32, #tpu.memory_space<hbm>>
      %dma_start3A_13 = tpu.memref_squeeze %dma_start3A_12 : memref<1x632x128xf32, #tpu.memory_space<hbm>> -> memref<632x128xf32, #tpu.memory_space<hbm>>
      %dma_start3A_14 = arith.constant 0 : i32
      %dma_start3A_15 = tpu.memref_slice %arg10[%mul3A_2, %dma_start3A_14] : memref<10112x128xf32, #tpu.memory_space<vmem_shared>> -> memref<632x128xf32, #tpu.memory_space<vmem_shared>>
      tpu.enqueue_dma source(%dma_start3A_15 : memref<632x128xf32, #tpu.memory_space<vmem_shared>>) target(%dma_start3A_13 : memref<632x128xf32, #tpu.memory_space<hbm>>) target_semaphore(%run_scoped3A : memref<!tpu.dma_semaphore, #tpu.memory_space<semaphore_mem>>)
      %dma_wait3A = arith.constant 0 : i32
      %dma_wait3A_16 = tpu.memref_slice %arg6[%arg0, %mul3A_2, %dma_wait3A] : memref<2x10112x128xf32, #tpu.memory_space<hbm>> -> memref<1x632x128xf32, #tpu.memory_space<hbm>>
      %dma_wait3A_17 = tpu.memref_squeeze %dma_wait3A_16 : memref<1x632x128xf32, #tpu.memory_space<hbm>> -> memref<632x128xf32, #tpu.memory_space<hbm>>
      %dma_wait3A_18 = arith.constant 0 : i32
      %dma_wait3A_19 = tpu.memref_slice %arg10[%mul3A_2, %dma_wait3A_18] : memref<10112x128xf32, #tpu.memory_space<vmem_shared>> -> memref<632x128xf32, #tpu.memory_space<vmem_shared>>
      tpu.wait_dma2 semaphore(%run_scoped3A : memref<!tpu.dma_semaphore, #tpu.memory_space<semaphore_mem>>) src(%dma_wait3A_19 : memref<632x128xf32, #tpu.memory_space<vmem_shared>>) dst(%dma_wait3A_17 : memref<632x128xf32, #tpu.memory_space<hbm>>)
      tpu.yield
    }) : () -> ()
    return
  }
}

#map = affine_map<(d0, d1) -> (0, 0)>
#map1 = affine_map<(d0, d1) -> (0)>
#map2 = affine_map<(d0, d1) -> (0, 0, 0)>
module attributes {stable_mosaic.version = 14 : i64} {
  func.func @prop_kernel(%arg0: i32, %arg1: i32, %arg2: memref<10000x128xf32, #tpu.memory_space<hbm>>, %arg3: memref<323584xi32, #tpu.memory_space<hbm>>, %arg4: memref<323584xi32, #tpu.memory_space<hbm>>, %arg5: memref<10112x128xf32, #tpu.memory_space<hbm>>, %arg6: memref<2x10112x128xf32, #tpu.memory_space<hbm>>, %arg7: memref<128xi32, #tpu.memory_space<vmem>>, %arg8: memref<128xi32, #tpu.memory_space<vmem>>, %arg9: memref<128x128xf32, #tpu.memory_space<vmem>>, %arg10: memref<10112x128xf32, #tpu.memory_space<vmem_shared>>, %arg11: memref<!tpu.dma_semaphore, #tpu.memory_space<semaphore_mem>>) attributes {dimension_semantics = [#tpu.dimension_semantics<core_parallel>, #tpu.dimension_semantics<subcore_parallel>], iteration_bounds = array<i64: 2, 16>, scalar_prefetch = 0 : i64, scratch_operands = 5 : i64, tpu.core_type = #tpu.core_type<sc_vector_subcore>, window_params = [{transform_indices = #map}, {transform_indices = #map1}, {transform_indices = #map1}, {transform_indices = #map}, {transform_indices = #map2}]} {
    %mul3A = arith.constant 2 : i32
    %mul3A_0 = arith.muli %arg1, %mul3A : i32
    %add3A = arith.addi %mul3A_0, %arg0 : i32
    %mul3A_1 = arith.constant 632 : i32
    %mul3A_2 = arith.muli %arg1, %mul3A_1 : i32
    "tpu.region"() ({
      %run_scoped3A = tpu.sem_alloc : memref<!tpu.dma_semaphore, #tpu.memory_space<semaphore_mem>>
      %dma_start3A = arith.constant 0 : i32
      %dma_start3A_12 = tpu.memref_slice %arg10[%mul3A_2, %dma_start3A] : memref<10112x128xf32, #tpu.memory_space<vmem_shared>> -> memref<632x128xf32, #tpu.memory_space<vmem_shared>>
      %dma_start3A_13 = arith.constant 0 : i32
      %dma_start3A_14 = tpu.memref_slice %arg5[%mul3A_2, %dma_start3A_13] : memref<10112x128xf32, #tpu.memory_space<hbm>> -> memref<632x128xf32, #tpu.memory_space<hbm>>
      tpu.enqueue_dma source(%dma_start3A_14 : memref<632x128xf32, #tpu.memory_space<hbm>>) target(%dma_start3A_12 : memref<632x128xf32, #tpu.memory_space<vmem_shared>>) target_semaphore(%run_scoped3A : memref<!tpu.dma_semaphore, #tpu.memory_space<semaphore_mem>>)
      %dma_wait3A = arith.constant 0 : i32
      %dma_wait3A_15 = tpu.memref_slice %arg10[%mul3A_2, %dma_wait3A] : memref<10112x128xf32, #tpu.memory_space<vmem_shared>> -> memref<632x128xf32, #tpu.memory_space<vmem_shared>>
      %dma_wait3A_16 = arith.constant 0 : i32
      %dma_wait3A_17 = tpu.memref_slice %arg5[%mul3A_2, %dma_wait3A_16] : memref<10112x128xf32, #tpu.memory_space<hbm>> -> memref<632x128xf32, #tpu.memory_space<hbm>>
      tpu.wait_dma2 semaphore(%run_scoped3A : memref<!tpu.dma_semaphore, #tpu.memory_space<semaphore_mem>>) src(%dma_wait3A_17 : memref<632x128xf32, #tpu.memory_space<hbm>>) dst(%dma_wait3A_15 : memref<632x128xf32, #tpu.memory_space<vmem_shared>>)
      tpu.yield
    }) : () -> ()
    %barrier3A = arith.constant 0 : index
    tpu.barrier barrier_id(%barrier3A)
    %mul3A_3 = arith.constant 10112 : i32
    %mul3A_4 = arith.muli %add3A, %mul3A_3 : i32
    %scan3A = arith.constant 0 : i32
    %scan3A_5 = arith.constant 0 : i32
    %scan3A_6 = arith.constant 79 : i32
    %scan3A_7 = arith.addi %scan3A_5, %scan3A_6 : i32
    %scan3A_8 = arith.constant 1 : i32
    %scan3A_9 = scf.for %scan3A_12 = %scan3A_5 to %scan3A_7 step %scan3A_8 iter_args(%scan3A_13 = %scan3A) -> (i32)  : i32 {
      %mul3A_14 = arith.constant 128 : i32
      %mul3A_15 = arith.muli %scan3A_12, %mul3A_14 : i32
      %add3A_16 = arith.addi %mul3A_4, %mul3A_15 : i32
      "tpu.region"() ({
        %run_scoped3A = tpu.sem_alloc : memref<!tpu.dma_semaphore, #tpu.memory_space<semaphore_mem>>
        %dma_start3A_25 = tpu.memref_slice %arg3[%add3A_16] : memref<323584xi32, #tpu.memory_space<hbm>> -> memref<128xi32, #tpu.memory_space<hbm>>
        %dma_start3A_26 = tpu.memref_slice %arg3[%add3A_16] : memref<323584xi32, #tpu.memory_space<hbm>> -> memref<128xi32, #tpu.memory_space<hbm>>
        tpu.enqueue_dma source(%dma_start3A_26 : memref<128xi32, #tpu.memory_space<hbm>>) target(%arg7 : memref<128xi32, #tpu.memory_space<vmem>>) target_semaphore(%run_scoped3A : memref<!tpu.dma_semaphore, #tpu.memory_space<semaphore_mem>>)
        %dma_wait3A_27 = tpu.memref_slice %arg3[%add3A_16] : memref<323584xi32, #tpu.memory_space<hbm>> -> memref<128xi32, #tpu.memory_space<hbm>>
        %dma_wait3A_28 = tpu.memref_slice %arg3[%add3A_16] : memref<323584xi32, #tpu.memory_space<hbm>> -> memref<128xi32, #tpu.memory_space<hbm>>
        tpu.wait_dma2 semaphore(%run_scoped3A : memref<!tpu.dma_semaphore, #tpu.memory_space<semaphore_mem>>) src(%dma_wait3A_28 : memref<128xi32, #tpu.memory_space<hbm>>) dst(%arg7 : memref<128xi32, #tpu.memory_space<vmem>>)
        tpu.yield
      }) : () -> ()
      %mul3A_17 = arith.constant 128 : i32
      %mul3A_18 = arith.muli %scan3A_12, %mul3A_17 : i32
      %add3A_19 = arith.addi %mul3A_4, %mul3A_18 : i32
      "tpu.region"() ({
        %run_scoped3A = tpu.sem_alloc : memref<!tpu.dma_semaphore, #tpu.memory_space<semaphore_mem>>
        %dma_start3A_25 = tpu.memref_slice %arg4[%add3A_19] : memref<323584xi32, #tpu.memory_space<hbm>> -> memref<128xi32, #tpu.memory_space<hbm>>
        %dma_start3A_26 = tpu.memref_slice %arg4[%add3A_19] : memref<323584xi32, #tpu.memory_space<hbm>> -> memref<128xi32, #tpu.memory_space<hbm>>
        tpu.enqueue_dma source(%dma_start3A_26 : memref<128xi32, #tpu.memory_space<hbm>>) target(%arg8 : memref<128xi32, #tpu.memory_space<vmem>>) target_semaphore(%run_scoped3A : memref<!tpu.dma_semaphore, #tpu.memory_space<semaphore_mem>>)
        %dma_wait3A_27 = tpu.memref_slice %arg4[%add3A_19] : memref<323584xi32, #tpu.memory_space<hbm>> -> memref<128xi32, #tpu.memory_space<hbm>>
        %dma_wait3A_28 = tpu.memref_slice %arg4[%add3A_19] : memref<323584xi32, #tpu.memory_space<hbm>> -> memref<128xi32, #tpu.memory_space<hbm>>
        tpu.wait_dma2 semaphore(%run_scoped3A : memref<!tpu.dma_semaphore, #tpu.memory_space<semaphore_mem>>) src(%dma_wait3A_28 : memref<128xi32, #tpu.memory_space<hbm>>) dst(%arg8 : memref<128xi32, #tpu.memory_space<vmem>>)
        tpu.yield
      }) : () -> ()
      %dma_start3A = arith.constant 0 : i32
      %dma_start3A_20 = arith.constant 0 : i32
      %dma_start3A_21 = tpu.memref_slice %arg2[%dma_start3A, %dma_start3A_20] : memref<10000x128xf32, #tpu.memory_space<hbm>> -> memref<10000x128xf32, #tpu.memory_space<hbm>>
      tpu.enqueue_indirect_dma source(%dma_start3A_21 : memref<10000x128xf32, #tpu.memory_space<hbm>>) target(%arg9 : memref<128x128xf32, #tpu.memory_space<vmem>>) offsets(%arg7 : memref<128xi32, #tpu.memory_space<vmem>>) semaphore(%arg11 : memref<!tpu.dma_semaphore, #tpu.memory_space<semaphore_mem>>)
      %dma_wait3A = arith.constant 0 : i32
      %dma_wait3A_22 = arith.constant 0 : i32
      %dma_wait3A_23 = tpu.memref_slice %arg2[%dma_wait3A, %dma_wait3A_22] : memref<10000x128xf32, #tpu.memory_space<hbm>> -> memref<10000x128xf32, #tpu.memory_space<hbm>>
      tpu.wait_indirect_dma semaphore(%arg11 : memref<!tpu.dma_semaphore, #tpu.memory_space<semaphore_mem>>) src(%dma_wait3A_23 : memref<10000x128xf32, #tpu.memory_space<hbm>>) dst(%arg9 : memref<128x128xf32, #tpu.memory_space<vmem>>)
      "tpu.region"() ({
        %run_scoped3A = tpu.sem_alloc : memref<!tpu.dma_semaphore, #tpu.memory_space<semaphore_mem>>
        %dma_start3A_25 = arith.constant 0 : i32
        %dma_start3A_26 = arith.constant 0 : i32
        %dma_start3A_27 = tpu.memref_slice %arg10[%dma_start3A_25, %dma_start3A_26] : memref<10112x128xf32, #tpu.memory_space<vmem_shared>> -> memref<10112x128xf32, #tpu.memory_space<vmem_shared>>
        tpu.enqueue_indirect_dma source(%arg9 : memref<128x128xf32, #tpu.memory_space<vmem>>) target(%dma_start3A_27 : memref<10112x128xf32, #tpu.memory_space<vmem_shared>>) offsets(%arg8 : memref<128xi32, #tpu.memory_space<vmem>>) semaphore(%run_scoped3A : memref<!tpu.dma_semaphore, #tpu.memory_space<semaphore_mem>>) {add = true}
        %dma_wait3A_28 = arith.constant 0 : i32
        %dma_wait3A_29 = arith.constant 0 : i32
        %dma_wait3A_30 = tpu.memref_slice %arg10[%dma_wait3A_28, %dma_wait3A_29] : memref<10112x128xf32, #tpu.memory_space<vmem_shared>> -> memref<10112x128xf32, #tpu.memory_space<vmem_shared>>
        tpu.wait_indirect_dma semaphore(%run_scoped3A : memref<!tpu.dma_semaphore, #tpu.memory_space<semaphore_mem>>) src(%arg9 : memref<128x128xf32, #tpu.memory_space<vmem>>) dst(%dma_wait3A_30 : memref<10112x128xf32, #tpu.memory_space<vmem_shared>>)
        tpu.yield
      }) : () -> ()
      %scan3A_24 = arith.constant 0 : i32
      scf.yield %scan3A_24 : i32
    }
    %scan3A_10 = arith.constant 79 : i32
    %barrier3A_11 = arith.constant 0 : index
    tpu.barrier barrier_id(%barrier3A_11)
    "tpu.region"() ({
      %run_scoped3A = tpu.sem_alloc : memref<!tpu.dma_semaphore, #tpu.memory_space<semaphore_mem>>
      %dma_start3A = arith.constant 0 : i32
      %dma_start3A_12 = tpu.memref_slice %arg6[%arg0, %mul3A_2, %dma_start3A] : memref<2x10112x128xf32, #tpu.memory_space<hbm>> -> memref<1x632x128xf32, #tpu.memory_space<hbm>>
      %dma_start3A_13 = tpu.memref_squeeze %dma_start3A_12 : memref<1x632x128xf32, #tpu.memory_space<hbm>> -> memref<632x128xf32, #tpu.memory_space<hbm>>
      %dma_start3A_14 = arith.constant 0 : i32
      %dma_start3A_15 = tpu.memref_slice %arg10[%mul3A_2, %dma_start3A_14] : memref<10112x128xf32, #tpu.memory_space<vmem_shared>> -> memref<632x128xf32, #tpu.memory_space<vmem_shared>>
      tpu.enqueue_dma source(%dma_start3A_15 : memref<632x128xf32, #tpu.memory_space<vmem_shared>>) target(%dma_start3A_13 : memref<632x128xf32, #tpu.memory_space<hbm>>) target_semaphore(%run_scoped3A : memref<!tpu.dma_semaphore, #tpu.memory_space<semaphore_mem>>)
      %dma_wait3A = arith.constant 0 : i32
      %dma_wait3A_16 = tpu.memref_slice %arg6[%arg0, %mul3A_2, %dma_wait3A] : memref<2x10112x128xf32, #tpu.memory_space<hbm>> -> memref<1x632x128xf32, #tpu.memory_space<hbm>>
      %dma_wait3A_17 = tpu.memref_squeeze %dma_wait3A_16 : memref<1x632x128xf32, #tpu.memory_space<hbm>> -> memref<632x128xf32, #tpu.memory_space<hbm>>
      %dma_wait3A_18 = arith.constant 0 : i32
      %dma_wait3A_19 = tpu.memref_slice %arg10[%mul3A_2, %dma_wait3A_18] : memref<10112x128xf32, #tpu.memory_space<vmem_shared>> -> memref<632x128xf32, #tpu.memory_space<vmem_shared>>
      tpu.wait_dma2 semaphore(%run_scoped3A : memref<!tpu.dma_semaphore, #tpu.memory_space<semaphore_mem>>) src(%dma_wait3A_19 : memref<632x128xf32, #tpu.memory_space<vmem_shared>>) dst(%dma_wait3A_17 : memref<632x128xf32, #tpu.memory_space<hbm>>)
      tpu.yield
    }) : () -> ()
    return
  }
}

#map = affine_map<(d0, d1) -> (0, 0)>
#map1 = affine_map<(d0, d1) -> (0)>
#map2 = affine_map<(d0, d1) -> (0, 0, 0)>
module attributes {stable_mosaic.version = 14 : i64} {
  func.func @prop_kernel(%arg0: i32, %arg1: i32, %arg2: memref<10000x128xf32, #tpu.memory_space<hbm>>, %arg3: memref<323584xi32, #tpu.memory_space<hbm>>, %arg4: memref<323584xi32, #tpu.memory_space<hbm>>, %arg5: memref<10112x128xf32, #tpu.memory_space<hbm>>, %arg6: memref<2x10112x128xf32, #tpu.memory_space<hbm>>, %arg7: memref<128xi32, #tpu.memory_space<vmem>>, %arg8: memref<128xi32, #tpu.memory_space<vmem>>, %arg9: memref<128x128xf32, #tpu.memory_space<vmem>>, %arg10: memref<10112x128xf32, #tpu.memory_space<vmem_shared>>, %arg11: memref<!tpu.dma_semaphore, #tpu.memory_space<semaphore_mem>>) attributes {dimension_semantics = [#tpu.dimension_semantics<core_parallel>, #tpu.dimension_semantics<subcore_parallel>], iteration_bounds = array<i64: 2, 16>, scalar_prefetch = 0 : i64, scratch_operands = 5 : i64, tpu.core_type = #tpu.core_type<sc_vector_subcore>, window_params = [{transform_indices = #map}, {transform_indices = #map1}, {transform_indices = #map1}, {transform_indices = #map}, {transform_indices = #map2}]} {
    %mul3A = arith.constant 2 : i32
    %mul3A_0 = arith.muli %arg1, %mul3A : i32
    %add3A = arith.addi %mul3A_0, %arg0 : i32
    %mul3A_1 = arith.constant 632 : i32
    %mul3A_2 = arith.muli %arg1, %mul3A_1 : i32
    "tpu.region"() ({
      %run_scoped3A = tpu.sem_alloc : memref<!tpu.dma_semaphore, #tpu.memory_space<semaphore_mem>>
      %dma_start3A = arith.constant 0 : i32
      %dma_start3A_12 = tpu.memref_slice %arg10[%mul3A_2, %dma_start3A] : memref<10112x128xf32, #tpu.memory_space<vmem_shared>> -> memref<632x128xf32, #tpu.memory_space<vmem_shared>>
      %dma_start3A_13 = arith.constant 0 : i32
      %dma_start3A_14 = tpu.memref_slice %arg5[%mul3A_2, %dma_start3A_13] : memref<10112x128xf32, #tpu.memory_space<hbm>> -> memref<632x128xf32, #tpu.memory_space<hbm>>
      tpu.enqueue_dma source(%dma_start3A_14 : memref<632x128xf32, #tpu.memory_space<hbm>>) target(%dma_start3A_12 : memref<632x128xf32, #tpu.memory_space<vmem_shared>>) target_semaphore(%run_scoped3A : memref<!tpu.dma_semaphore, #tpu.memory_space<semaphore_mem>>)
      %dma_wait3A = arith.constant 0 : i32
      %dma_wait3A_15 = tpu.memref_slice %arg10[%mul3A_2, %dma_wait3A] : memref<10112x128xf32, #tpu.memory_space<vmem_shared>> -> memref<632x128xf32, #tpu.memory_space<vmem_shared>>
      %dma_wait3A_16 = arith.constant 0 : i32
      %dma_wait3A_17 = tpu.memref_slice %arg5[%mul3A_2, %dma_wait3A_16] : memref<10112x128xf32, #tpu.memory_space<hbm>> -> memref<632x128xf32, #tpu.memory_space<hbm>>
      tpu.wait_dma2 semaphore(%run_scoped3A : memref<!tpu.dma_semaphore, #tpu.memory_space<semaphore_mem>>) src(%dma_wait3A_17 : memref<632x128xf32, #tpu.memory_space<hbm>>) dst(%dma_wait3A_15 : memref<632x128xf32, #tpu.memory_space<vmem_shared>>)
      tpu.yield
    }) : () -> ()
    %barrier3A = arith.constant 0 : index
    tpu.barrier barrier_id(%barrier3A)
    %mul3A_3 = arith.constant 10112 : i32
    %mul3A_4 = arith.muli %add3A, %mul3A_3 : i32
    %scan3A = arith.constant 0 : i32
    %scan3A_5 = arith.constant 0 : i32
    %scan3A_6 = arith.constant 79 : i32
    %scan3A_7 = arith.addi %scan3A_5, %scan3A_6 : i32
    %scan3A_8 = arith.constant 1 : i32
    %scan3A_9 = scf.for %scan3A_12 = %scan3A_5 to %scan3A_7 step %scan3A_8 iter_args(%scan3A_13 = %scan3A) -> (i32)  : i32 {
      %mul3A_14 = arith.constant 128 : i32
      %mul3A_15 = arith.muli %scan3A_12, %mul3A_14 : i32
      %add3A_16 = arith.addi %mul3A_4, %mul3A_15 : i32
      "tpu.region"() ({
        %run_scoped3A = tpu.sem_alloc : memref<!tpu.dma_semaphore, #tpu.memory_space<semaphore_mem>>
        %dma_start3A_25 = tpu.memref_slice %arg3[%add3A_16] : memref<323584xi32, #tpu.memory_space<hbm>> -> memref<128xi32, #tpu.memory_space<hbm>>
        %dma_start3A_26 = tpu.memref_slice %arg3[%add3A_16] : memref<323584xi32, #tpu.memory_space<hbm>> -> memref<128xi32, #tpu.memory_space<hbm>>
        tpu.enqueue_dma source(%dma_start3A_26 : memref<128xi32, #tpu.memory_space<hbm>>) target(%arg7 : memref<128xi32, #tpu.memory_space<vmem>>) target_semaphore(%run_scoped3A : memref<!tpu.dma_semaphore, #tpu.memory_space<semaphore_mem>>)
        %dma_wait3A_27 = tpu.memref_slice %arg3[%add3A_16] : memref<323584xi32, #tpu.memory_space<hbm>> -> memref<128xi32, #tpu.memory_space<hbm>>
        %dma_wait3A_28 = tpu.memref_slice %arg3[%add3A_16] : memref<323584xi32, #tpu.memory_space<hbm>> -> memref<128xi32, #tpu.memory_space<hbm>>
        tpu.wait_dma2 semaphore(%run_scoped3A : memref<!tpu.dma_semaphore, #tpu.memory_space<semaphore_mem>>) src(%dma_wait3A_28 : memref<128xi32, #tpu.memory_space<hbm>>) dst(%arg7 : memref<128xi32, #tpu.memory_space<vmem>>)
        tpu.yield
      }) : () -> ()
      %mul3A_17 = arith.constant 128 : i32
      %mul3A_18 = arith.muli %scan3A_12, %mul3A_17 : i32
      %add3A_19 = arith.addi %mul3A_4, %mul3A_18 : i32
      "tpu.region"() ({
        %run_scoped3A = tpu.sem_alloc : memref<!tpu.dma_semaphore, #tpu.memory_space<semaphore_mem>>
        %dma_start3A_25 = tpu.memref_slice %arg4[%add3A_19] : memref<323584xi32, #tpu.memory_space<hbm>> -> memref<128xi32, #tpu.memory_space<hbm>>
        %dma_start3A_26 = tpu.memref_slice %arg4[%add3A_19] : memref<323584xi32, #tpu.memory_space<hbm>> -> memref<128xi32, #tpu.memory_space<hbm>>
        tpu.enqueue_dma source(%dma_start3A_26 : memref<128xi32, #tpu.memory_space<hbm>>) target(%arg8 : memref<128xi32, #tpu.memory_space<vmem>>) target_semaphore(%run_scoped3A : memref<!tpu.dma_semaphore, #tpu.memory_space<semaphore_mem>>)
        %dma_wait3A_27 = tpu.memref_slice %arg4[%add3A_19] : memref<323584xi32, #tpu.memory_space<hbm>> -> memref<128xi32, #tpu.memory_space<hbm>>
        %dma_wait3A_28 = tpu.memref_slice %arg4[%add3A_19] : memref<323584xi32, #tpu.memory_space<hbm>> -> memref<128xi32, #tpu.memory_space<hbm>>
        tpu.wait_dma2 semaphore(%run_scoped3A : memref<!tpu.dma_semaphore, #tpu.memory_space<semaphore_mem>>) src(%dma_wait3A_28 : memref<128xi32, #tpu.memory_space<hbm>>) dst(%arg8 : memref<128xi32, #tpu.memory_space<vmem>>)
        tpu.yield
      }) : () -> ()
      %dma_start3A = arith.constant 0 : i32
      %dma_start3A_20 = arith.constant 0 : i32
      %dma_start3A_21 = tpu.memref_slice %arg2[%dma_start3A, %dma_start3A_20] : memref<10000x128xf32, #tpu.memory_space<hbm>> -> memref<10000x128xf32, #tpu.memory_space<hbm>>
      tpu.enqueue_indirect_dma source(%dma_start3A_21 : memref<10000x128xf32, #tpu.memory_space<hbm>>) target(%arg9 : memref<128x128xf32, #tpu.memory_space<vmem>>) offsets(%arg7 : memref<128xi32, #tpu.memory_space<vmem>>) semaphore(%arg11 : memref<!tpu.dma_semaphore, #tpu.memory_space<semaphore_mem>>)
      %dma_wait3A = arith.constant 0 : i32
      %dma_wait3A_22 = arith.constant 0 : i32
      %dma_wait3A_23 = tpu.memref_slice %arg2[%dma_wait3A, %dma_wait3A_22] : memref<10000x128xf32, #tpu.memory_space<hbm>> -> memref<10000x128xf32, #tpu.memory_space<hbm>>
      tpu.wait_indirect_dma semaphore(%arg11 : memref<!tpu.dma_semaphore, #tpu.memory_space<semaphore_mem>>) src(%dma_wait3A_23 : memref<10000x128xf32, #tpu.memory_space<hbm>>) dst(%arg9 : memref<128x128xf32, #tpu.memory_space<vmem>>)
      "tpu.region"() ({
        %run_scoped3A = tpu.sem_alloc : memref<!tpu.dma_semaphore, #tpu.memory_space<semaphore_mem>>
        %dma_start3A_25 = arith.constant 0 : i32
        %dma_start3A_26 = arith.constant 0 : i32
        %dma_start3A_27 = tpu.memref_slice %arg10[%dma_start3A_25, %dma_start3A_26] : memref<10112x128xf32, #tpu.memory_space<vmem_shared>> -> memref<10112x128xf32, #tpu.memory_space<vmem_shared>>
        tpu.enqueue_indirect_dma source(%arg9 : memref<128x128xf32, #tpu.memory_space<vmem>>) target(%dma_start3A_27 : memref<10112x128xf32, #tpu.memory_space<vmem_shared>>) offsets(%arg8 : memref<128xi32, #tpu.memory_space<vmem>>) semaphore(%run_scoped3A : memref<!tpu.dma_semaphore, #tpu.memory_space<semaphore_mem>>) {add = true}
        %dma_wait3A_28 = arith.constant 0 : i32
        %dma_wait3A_29 = arith.constant 0 : i32
        %dma_wait3A_30 = tpu.memref_slice %arg10[%dma_wait3A_28, %dma_wait3A_29] : memref<10112x128xf32, #tpu.memory_space<vmem_shared>> -> memref<10112x128xf32, #tpu.memory_space<vmem_shared>>
        tpu.wait_indirect_dma semaphore(%run_scoped3A : memref<!tpu.dma_semaphore, #tpu.memory_space<semaphore_mem>>) src(%arg9 : memref<128x128xf32, #tpu.memory_space<vmem>>) dst(%dma_wait3A_30 : memref<10112x128xf32, #tpu.memory_space<vmem_shared>>)
        tpu.yield
      }) : () -> ()
      %scan3A_24 = arith.constant 0 : i32
      scf.yield %scan3A_24 : i32
    }
    %scan3A_10 = arith.constant 79 : i32
    %barrier3A_11 = arith.constant 0 : index
    tpu.barrier barrier_id(%barrier3A_11)
    "tpu.region"() ({
      %run_scoped3A = tpu.sem_alloc : memref<!tpu.dma_semaphore, #tpu.memory_space<semaphore_mem>>
      %dma_start3A = arith.constant 0 : i32
      %dma_start3A_12 = tpu.memref_slice %arg6[%arg0, %mul3A_2, %dma_start3A] : memref<2x10112x128xf32, #tpu.memory_space<hbm>> -> memref<1x632x128xf32, #tpu.memory_space<hbm>>
      %dma_start3A_13 = tpu.memref_squeeze %dma_start3A_12 : memref<1x632x128xf32, #tpu.memory_space<hbm>> -> memref<632x128xf32, #tpu.memory_space<hbm>>
      %dma_start3A_14 = arith.constant 0 : i32
      %dma_start3A_15 = tpu.memref_slice %arg10[%mul3A_2, %dma_start3A_14] : memref<10112x128xf32, #tpu.memory_space<vmem_shared>> -> memref<632x128xf32, #tpu.memory_space<vmem_shared>>
      tpu.enqueue_dma source(%dma_start3A_15 : memref<632x128xf32, #tpu.memory_space<vmem_shared>>) target(%dma_start3A_13 : memref<632x128xf32, #tpu.memory_space<hbm>>) target_semaphore(%run_scoped3A : memref<!tpu.dma_semaphore, #tpu.memory_space<semaphore_mem>>)
      %dma_wait3A = arith.constant 0 : i32
      %dma_wait3A_16 = tpu.memref_slice %arg6[%arg0, %mul3A_2, %dma_wait3A] : memref<2x10112x128xf32, #tpu.memory_space<hbm>> -> memref<1x632x128xf32, #tpu.memory_space<hbm>>
      %dma_wait3A_17 = tpu.memref_squeeze %dma_wait3A_16 : memref<1x632x128xf32, #tpu.memory_space<hbm>> -> memref<632x128xf32, #tpu.memory_space<hbm>>
      %dma_wait3A_18 = arith.constant 0 : i32
      %dma_wait3A_19 = tpu.memref_slice %arg10[%mul3A_2, %dma_wait3A_18] : memref<10112x128xf32, #tpu.memory_space<vmem_shared>> -> memref<632x128xf32, #tpu.memory_space<vmem_shared>>
      tpu.wait_dma2 semaphore(%run_scoped3A : memref<!tpu.dma_semaphore, #tpu.memory_space<semaphore_mem>>) src(%dma_wait3A_19 : memref<632x128xf32, #tpu.memory_space<vmem_shared>>) dst(%dma_wait3A_17 : memref<632x128xf32, #tpu.memory_space<hbm>>)
      tpu.yield
    }) : () -> ()
    return
  }
}

#map = affine_map<(d0, d1) -> (0)>
#map1 = affine_map<(d0, d1) -> (0, 0)>
#map2 = affine_map<(d0, d1) -> (0, 0, 0)>
module attributes {stable_mosaic.version = 14 : i64} {
  func.func @deg_kernel(%arg0: i32, %arg1: i32, %arg2: memref<323584xi32, #tpu.memory_space<hbm>>, %arg3: memref<128x128xf32, #tpu.memory_space<hbm>>, %arg4: memref<10112x128xf32, #tpu.memory_space<hbm>>, %arg5: memref<2x10112x128xf32, #tpu.memory_space<hbm>>, %arg6: memref<128xi32, #tpu.memory_space<vmem>>, %arg7: memref<128x128xf32, #tpu.memory_space<vmem>>, %arg8: memref<10112x128xf32, #tpu.memory_space<vmem_shared>>) attributes {dimension_semantics = [#tpu.dimension_semantics<core_parallel>, #tpu.dimension_semantics<subcore_parallel>], iteration_bounds = array<i64: 2, 16>, scalar_prefetch = 0 : i64, scratch_operands = 3 : i64, tpu.core_type = #tpu.core_type<sc_vector_subcore>, window_params = [{transform_indices = #map}, {transform_indices = #map1}, {transform_indices = #map1}, {transform_indices = #map2}]} {
    %mul3A = arith.constant 2 : i32
    %mul3A_0 = arith.muli %arg1, %mul3A : i32
    %add3A = arith.addi %mul3A_0, %arg0 : i32
    %mul3A_1 = arith.constant 632 : i32
    %mul3A_2 = arith.muli %arg1, %mul3A_1 : i32
    "tpu.region"() ({
      %run_scoped3A = tpu.sem_alloc : memref<!tpu.dma_semaphore, #tpu.memory_space<semaphore_mem>>
      %dma_start3A = arith.constant 0 : i32
      %dma_start3A_12 = tpu.memref_slice %arg8[%mul3A_2, %dma_start3A] : memref<10112x128xf32, #tpu.memory_space<vmem_shared>> -> memref<632x128xf32, #tpu.memory_space<vmem_shared>>
      %dma_start3A_13 = arith.constant 0 : i32
      %dma_start3A_14 = tpu.memref_slice %arg4[%mul3A_2, %dma_start3A_13] : memref<10112x128xf32, #tpu.memory_space<hbm>> -> memref<632x128xf32, #tpu.memory_space<hbm>>
      tpu.enqueue_dma source(%dma_start3A_14 : memref<632x128xf32, #tpu.memory_space<hbm>>) target(%dma_start3A_12 : memref<632x128xf32, #tpu.memory_space<vmem_shared>>) target_semaphore(%run_scoped3A : memref<!tpu.dma_semaphore, #tpu.memory_space<semaphore_mem>>)
      %dma_wait3A = arith.constant 0 : i32
      %dma_wait3A_15 = tpu.memref_slice %arg8[%mul3A_2, %dma_wait3A] : memref<10112x128xf32, #tpu.memory_space<vmem_shared>> -> memref<632x128xf32, #tpu.memory_space<vmem_shared>>
      %dma_wait3A_16 = arith.constant 0 : i32
      %dma_wait3A_17 = tpu.memref_slice %arg4[%mul3A_2, %dma_wait3A_16] : memref<10112x128xf32, #tpu.memory_space<hbm>> -> memref<632x128xf32, #tpu.memory_space<hbm>>
      tpu.wait_dma2 semaphore(%run_scoped3A : memref<!tpu.dma_semaphore, #tpu.memory_space<semaphore_mem>>) src(%dma_wait3A_17 : memref<632x128xf32, #tpu.memory_space<hbm>>) dst(%dma_wait3A_15 : memref<632x128xf32, #tpu.memory_space<vmem_shared>>)
      tpu.yield
    }) : () -> ()
    "tpu.region"() ({
      %run_scoped3A = tpu.sem_alloc : memref<!tpu.dma_semaphore, #tpu.memory_space<semaphore_mem>>
      tpu.enqueue_dma source(%arg3 : memref<128x128xf32, #tpu.memory_space<hbm>>) target(%arg7 : memref<128x128xf32, #tpu.memory_space<vmem>>) target_semaphore(%run_scoped3A : memref<!tpu.dma_semaphore, #tpu.memory_space<semaphore_mem>>)
      tpu.wait_dma2 semaphore(%run_scoped3A : memref<!tpu.dma_semaphore, #tpu.memory_space<semaphore_mem>>) src(%arg3 : memref<128x128xf32, #tpu.memory_space<hbm>>) dst(%arg7 : memref<128x128xf32, #tpu.memory_space<vmem>>)
      tpu.yield
    }) : () -> ()
    %barrier3A = arith.constant 0 : index
    tpu.barrier barrier_id(%barrier3A)
    %mul3A_3 = arith.constant 10112 : i32
    %mul3A_4 = arith.muli %add3A, %mul3A_3 : i32
    %scan3A = arith.constant 0 : i32
    %scan3A_5 = arith.constant 0 : i32
    %scan3A_6 = arith.constant 79 : i32
    %scan3A_7 = arith.addi %scan3A_5, %scan3A_6 : i32
    %scan3A_8 = arith.constant 1 : i32
    %scan3A_9 = scf.for %scan3A_12 = %scan3A_5 to %scan3A_7 step %scan3A_8 iter_args(%scan3A_13 = %scan3A) -> (i32)  : i32 {
      %mul3A_14 = arith.constant 128 : i32
      %mul3A_15 = arith.muli %scan3A_12, %mul3A_14 : i32
      %add3A_16 = arith.addi %mul3A_4, %mul3A_15 : i32
      "tpu.region"() ({
        %run_scoped3A = tpu.sem_alloc : memref<!tpu.dma_semaphore, #tpu.memory_space<semaphore_mem>>
        %dma_start3A = tpu.memref_slice %arg2[%add3A_16] : memref<323584xi32, #tpu.memory_space<hbm>> -> memref<128xi32, #tpu.memory_space<hbm>>
        %dma_start3A_18 = tpu.memref_slice %arg2[%add3A_16] : memref<323584xi32, #tpu.memory_space<hbm>> -> memref<128xi32, #tpu.memory_space<hbm>>
        tpu.enqueue_dma source(%dma_start3A_18 : memref<128xi32, #tpu.memory_space<hbm>>) target(%arg6 : memref<128xi32, #tpu.memory_space<vmem>>) target_semaphore(%run_scoped3A : memref<!tpu.dma_semaphore, #tpu.memory_space<semaphore_mem>>)
        %dma_wait3A = tpu.memref_slice %arg2[%add3A_16] : memref<323584xi32, #tpu.memory_space<hbm>> -> memref<128xi32, #tpu.memory_space<hbm>>
        %dma_wait3A_19 = tpu.memref_slice %arg2[%add3A_16] : memref<323584xi32, #tpu.memory_space<hbm>> -> memref<128xi32, #tpu.memory_space<hbm>>
        tpu.wait_dma2 semaphore(%run_scoped3A : memref<!tpu.dma_semaphore, #tpu.memory_space<semaphore_mem>>) src(%dma_wait3A_19 : memref<128xi32, #tpu.memory_space<hbm>>) dst(%arg6 : memref<128xi32, #tpu.memory_space<vmem>>)
        tpu.yield
      }) : () -> ()
      "tpu.region"() ({
        %run_scoped3A = tpu.sem_alloc : memref<!tpu.dma_semaphore, #tpu.memory_space<semaphore_mem>>
        %dma_start3A = arith.constant 0 : i32
        %dma_start3A_18 = arith.constant 0 : i32
        %dma_start3A_19 = tpu.memref_slice %arg8[%dma_start3A, %dma_start3A_18] : memref<10112x128xf32, #tpu.memory_space<vmem_shared>> -> memref<10112x128xf32, #tpu.memory_space<vmem_shared>>
        tpu.enqueue_indirect_dma source(%arg7 : memref<128x128xf32, #tpu.memory_space<vmem>>) target(%dma_start3A_19 : memref<10112x128xf32, #tpu.memory_space<vmem_shared>>) offsets(%arg6 : memref<128xi32, #tpu.memory_space<vmem>>) semaphore(%run_scoped3A : memref<!tpu.dma_semaphore, #tpu.memory_space<semaphore_mem>>) {add = true}
        %dma_wait3A = arith.constant 0 : i32
        %dma_wait3A_20 = arith.constant 0 : i32
        %dma_wait3A_21 = tpu.memref_slice %arg8[%dma_wait3A, %dma_wait3A_20] : memref<10112x128xf32, #tpu.memory_space<vmem_shared>> -> memref<10112x128xf32, #tpu.memory_space<vmem_shared>>
        tpu.wait_indirect_dma semaphore(%run_scoped3A : memref<!tpu.dma_semaphore, #tpu.memory_space<semaphore_mem>>) src(%arg7 : memref<128x128xf32, #tpu.memory_space<vmem>>) dst(%dma_wait3A_21 : memref<10112x128xf32, #tpu.memory_space<vmem_shared>>)
        tpu.yield
      }) : () -> ()
      %scan3A_17 = arith.constant 0 : i32
      scf.yield %scan3A_17 : i32
    }
    %scan3A_10 = arith.constant 79 : i32
    %barrier3A_11 = arith.constant 0 : index
    tpu.barrier barrier_id(%barrier3A_11)
    "tpu.region"() ({
      %run_scoped3A = tpu.sem_alloc : memref<!tpu.dma_semaphore, #tpu.memory_space<semaphore_mem>>
      %dma_start3A = arith.constant 0 : i32
      %dma_start3A_12 = tpu.memref_slice %arg5[%arg0, %mul3A_2, %dma_start3A] : memref<2x10112x128xf32, #tpu.memory_space<hbm>> -> memref<1x632x128xf32, #tpu.memory_space<hbm>>
      %dma_start3A_13 = tpu.memref_squeeze %dma_start3A_12 : memref<1x632x128xf32, #tpu.memory_space<hbm>> -> memref<632x128xf32, #tpu.memory_space<hbm>>
      %dma_start3A_14 = arith.constant 0 : i32
      %dma_start3A_15 = tpu.memref_slice %arg8[%mul3A_2, %dma_start3A_14] : memref<10112x128xf32, #tpu.memory_space<vmem_shared>> -> memref<632x128xf32, #tpu.memory_space<vmem_shared>>
      tpu.enqueue_dma source(%dma_start3A_15 : memref<632x128xf32, #tpu.memory_space<vmem_shared>>) target(%dma_start3A_13 : memref<632x128xf32, #tpu.memory_space<hbm>>) target_semaphore(%run_scoped3A : memref<!tpu.dma_semaphore, #tpu.memory_space<semaphore_mem>>)
      %dma_wait3A = arith.constant 0 : i32
      %dma_wait3A_16 = tpu.memref_slice %arg5[%arg0, %mul3A_2, %dma_wait3A] : memref<2x10112x128xf32, #tpu.memory_space<hbm>> -> memref<1x632x128xf32, #tpu.memory_space<hbm>>
      %dma_wait3A_17 = tpu.memref_squeeze %dma_wait3A_16 : memref<1x632x128xf32, #tpu.memory_space<hbm>> -> memref<632x128xf32, #tpu.memory_space<hbm>>
      %dma_wait3A_18 = arith.constant 0 : i32
      %dma_wait3A_19 = tpu.memref_slice %arg8[%mul3A_2, %dma_wait3A_18] : memref<10112x128xf32, #tpu.memory_space<vmem_shared>> -> memref<632x128xf32, #tpu.memory_space<vmem_shared>>
      tpu.wait_dma2 semaphore(%run_scoped3A : memref<!tpu.dma_semaphore, #tpu.memory_space<semaphore_mem>>) src(%dma_wait3A_19 : memref<632x128xf32, #tpu.memory_space<vmem_shared>>) dst(%dma_wait3A_17 : memref<632x128xf32, #tpu.memory_space<hbm>>)
      tpu.yield
    }) : () -> ()
    return
  }
}

#map = affine_map<(d0, d1) -> (0, 0)>
#map1 = affine_map<(d0, d1) -> (0)>
#map2 = affine_map<(d0, d1) -> (0, 0, 0)>
module attributes {stable_mosaic.version = 14 : i64} {
  func.func @prop_kernel(%arg0: i32, %arg1: i32, %arg2: memref<10000x128xf32, #tpu.memory_space<hbm>>, %arg3: memref<323584xi32, #tpu.memory_space<hbm>>, %arg4: memref<323584xi32, #tpu.memory_space<hbm>>, %arg5: memref<10112x128xf32, #tpu.memory_space<hbm>>, %arg6: memref<2x10112x128xf32, #tpu.memory_space<hbm>>, %arg7: memref<128xi32, #tpu.memory_space<vmem>>, %arg8: memref<128xi32, #tpu.memory_space<vmem>>, %arg9: memref<128x128xf32, #tpu.memory_space<vmem>>, %arg10: memref<10112x128xf32, #tpu.memory_space<vmem_shared>>, %arg11: memref<!tpu.dma_semaphore, #tpu.memory_space<semaphore_mem>>) attributes {dimension_semantics = [#tpu.dimension_semantics<core_parallel>, #tpu.dimension_semantics<subcore_parallel>], iteration_bounds = array<i64: 2, 16>, scalar_prefetch = 0 : i64, scratch_operands = 5 : i64, tpu.core_type = #tpu.core_type<sc_vector_subcore>, window_params = [{transform_indices = #map}, {transform_indices = #map1}, {transform_indices = #map1}, {transform_indices = #map}, {transform_indices = #map2}]} {
    %mul3A = arith.constant 2 : i32
    %mul3A_0 = arith.muli %arg1, %mul3A : i32
    %add3A = arith.addi %mul3A_0, %arg0 : i32
    %mul3A_1 = arith.constant 632 : i32
    %mul3A_2 = arith.muli %arg1, %mul3A_1 : i32
    "tpu.region"() ({
      %run_scoped3A = tpu.sem_alloc : memref<!tpu.dma_semaphore, #tpu.memory_space<semaphore_mem>>
      %dma_start3A = arith.constant 0 : i32
      %dma_start3A_12 = tpu.memref_slice %arg10[%mul3A_2, %dma_start3A] : memref<10112x128xf32, #tpu.memory_space<vmem_shared>> -> memref<632x128xf32, #tpu.memory_space<vmem_shared>>
      %dma_start3A_13 = arith.constant 0 : i32
      %dma_start3A_14 = tpu.memref_slice %arg5[%mul3A_2, %dma_start3A_13] : memref<10112x128xf32, #tpu.memory_space<hbm>> -> memref<632x128xf32, #tpu.memory_space<hbm>>
      tpu.enqueue_dma source(%dma_start3A_14 : memref<632x128xf32, #tpu.memory_space<hbm>>) target(%dma_start3A_12 : memref<632x128xf32, #tpu.memory_space<vmem_shared>>) target_semaphore(%run_scoped3A : memref<!tpu.dma_semaphore, #tpu.memory_space<semaphore_mem>>)
      %dma_wait3A = arith.constant 0 : i32
      %dma_wait3A_15 = tpu.memref_slice %arg10[%mul3A_2, %dma_wait3A] : memref<10112x128xf32, #tpu.memory_space<vmem_shared>> -> memref<632x128xf32, #tpu.memory_space<vmem_shared>>
      %dma_wait3A_16 = arith.constant 0 : i32
      %dma_wait3A_17 = tpu.memref_slice %arg5[%mul3A_2, %dma_wait3A_16] : memref<10112x128xf32, #tpu.memory_space<hbm>> -> memref<632x128xf32, #tpu.memory_space<hbm>>
      tpu.wait_dma2 semaphore(%run_scoped3A : memref<!tpu.dma_semaphore, #tpu.memory_space<semaphore_mem>>) src(%dma_wait3A_17 : memref<632x128xf32, #tpu.memory_space<hbm>>) dst(%dma_wait3A_15 : memref<632x128xf32, #tpu.memory_space<vmem_shared>>)
      tpu.yield
    }) : () -> ()
    %barrier3A = arith.constant 0 : index
    tpu.barrier barrier_id(%barrier3A)
    %mul3A_3 = arith.constant 10112 : i32
    %mul3A_4 = arith.muli %add3A, %mul3A_3 : i32
    %scan3A = arith.constant 0 : i32
    %scan3A_5 = arith.constant 0 : i32
    %scan3A_6 = arith.constant 79 : i32
    %scan3A_7 = arith.addi %scan3A_5, %scan3A_6 : i32
    %scan3A_8 = arith.constant 1 : i32
    %scan3A_9 = scf.for %scan3A_12 = %scan3A_5 to %scan3A_7 step %scan3A_8 iter_args(%scan3A_13 = %scan3A) -> (i32)  : i32 {
      %mul3A_14 = arith.constant 128 : i32
      %mul3A_15 = arith.muli %scan3A_12, %mul3A_14 : i32
      %add3A_16 = arith.addi %mul3A_4, %mul3A_15 : i32
      "tpu.region"() ({
        %run_scoped3A = tpu.sem_alloc : memref<!tpu.dma_semaphore, #tpu.memory_space<semaphore_mem>>
        %dma_start3A_25 = tpu.memref_slice %arg3[%add3A_16] : memref<323584xi32, #tpu.memory_space<hbm>> -> memref<128xi32, #tpu.memory_space<hbm>>
        %dma_start3A_26 = tpu.memref_slice %arg3[%add3A_16] : memref<323584xi32, #tpu.memory_space<hbm>> -> memref<128xi32, #tpu.memory_space<hbm>>
        tpu.enqueue_dma source(%dma_start3A_26 : memref<128xi32, #tpu.memory_space<hbm>>) target(%arg7 : memref<128xi32, #tpu.memory_space<vmem>>) target_semaphore(%run_scoped3A : memref<!tpu.dma_semaphore, #tpu.memory_space<semaphore_mem>>)
        %dma_wait3A_27 = tpu.memref_slice %arg3[%add3A_16] : memref<323584xi32, #tpu.memory_space<hbm>> -> memref<128xi32, #tpu.memory_space<hbm>>
        %dma_wait3A_28 = tpu.memref_slice %arg3[%add3A_16] : memref<323584xi32, #tpu.memory_space<hbm>> -> memref<128xi32, #tpu.memory_space<hbm>>
        tpu.wait_dma2 semaphore(%run_scoped3A : memref<!tpu.dma_semaphore, #tpu.memory_space<semaphore_mem>>) src(%dma_wait3A_28 : memref<128xi32, #tpu.memory_space<hbm>>) dst(%arg7 : memref<128xi32, #tpu.memory_space<vmem>>)
        tpu.yield
      }) : () -> ()
      %mul3A_17 = arith.constant 128 : i32
      %mul3A_18 = arith.muli %scan3A_12, %mul3A_17 : i32
      %add3A_19 = arith.addi %mul3A_4, %mul3A_18 : i32
      "tpu.region"() ({
        %run_scoped3A = tpu.sem_alloc : memref<!tpu.dma_semaphore, #tpu.memory_space<semaphore_mem>>
        %dma_start3A_25 = tpu.memref_slice %arg4[%add3A_19] : memref<323584xi32, #tpu.memory_space<hbm>> -> memref<128xi32, #tpu.memory_space<hbm>>
        %dma_start3A_26 = tpu.memref_slice %arg4[%add3A_19] : memref<323584xi32, #tpu.memory_space<hbm>> -> memref<128xi32, #tpu.memory_space<hbm>>
        tpu.enqueue_dma source(%dma_start3A_26 : memref<128xi32, #tpu.memory_space<hbm>>) target(%arg8 : memref<128xi32, #tpu.memory_space<vmem>>) target_semaphore(%run_scoped3A : memref<!tpu.dma_semaphore, #tpu.memory_space<semaphore_mem>>)
        %dma_wait3A_27 = tpu.memref_slice %arg4[%add3A_19] : memref<323584xi32, #tpu.memory_space<hbm>> -> memref<128xi32, #tpu.memory_space<hbm>>
        %dma_wait3A_28 = tpu.memref_slice %arg4[%add3A_19] : memref<323584xi32, #tpu.memory_space<hbm>> -> memref<128xi32, #tpu.memory_space<hbm>>
        tpu.wait_dma2 semaphore(%run_scoped3A : memref<!tpu.dma_semaphore, #tpu.memory_space<semaphore_mem>>) src(%dma_wait3A_28 : memref<128xi32, #tpu.memory_space<hbm>>) dst(%arg8 : memref<128xi32, #tpu.memory_space<vmem>>)
        tpu.yield
      }) : () -> ()
      %dma_start3A = arith.constant 0 : i32
      %dma_start3A_20 = arith.constant 0 : i32
      %dma_start3A_21 = tpu.memref_slice %arg2[%dma_start3A, %dma_start3A_20] : memref<10000x128xf32, #tpu.memory_space<hbm>> -> memref<10000x128xf32, #tpu.memory_space<hbm>>
      tpu.enqueue_indirect_dma source(%dma_start3A_21 : memref<10000x128xf32, #tpu.memory_space<hbm>>) target(%arg9 : memref<128x128xf32, #tpu.memory_space<vmem>>) offsets(%arg7 : memref<128xi32, #tpu.memory_space<vmem>>) semaphore(%arg11 : memref<!tpu.dma_semaphore, #tpu.memory_space<semaphore_mem>>)
      %dma_wait3A = arith.constant 0 : i32
      %dma_wait3A_22 = arith.constant 0 : i32
      %dma_wait3A_23 = tpu.memref_slice %arg2[%dma_wait3A, %dma_wait3A_22] : memref<10000x128xf32, #tpu.memory_space<hbm>> -> memref<10000x128xf32, #tpu.memory_space<hbm>>
      tpu.wait_indirect_dma semaphore(%arg11 : memref<!tpu.dma_semaphore, #tpu.memory_space<semaphore_mem>>) src(%dma_wait3A_23 : memref<10000x128xf32, #tpu.memory_space<hbm>>) dst(%arg9 : memref<128x128xf32, #tpu.memory_space<vmem>>)
      "tpu.region"() ({
        %run_scoped3A = tpu.sem_alloc : memref<!tpu.dma_semaphore, #tpu.memory_space<semaphore_mem>>
        %dma_start3A_25 = arith.constant 0 : i32
        %dma_start3A_26 = arith.constant 0 : i32
        %dma_start3A_27 = tpu.memref_slice %arg10[%dma_start3A_25, %dma_start3A_26] : memref<10112x128xf32, #tpu.memory_space<vmem_shared>> -> memref<10112x128xf32, #tpu.memory_space<vmem_shared>>
        tpu.enqueue_indirect_dma source(%arg9 : memref<128x128xf32, #tpu.memory_space<vmem>>) target(%dma_start3A_27 : memref<10112x128xf32, #tpu.memory_space<vmem_shared>>) offsets(%arg8 : memref<128xi32, #tpu.memory_space<vmem>>) semaphore(%run_scoped3A : memref<!tpu.dma_semaphore, #tpu.memory_space<semaphore_mem>>) {add = true}
        %dma_wait3A_28 = arith.constant 0 : i32
        %dma_wait3A_29 = arith.constant 0 : i32
        %dma_wait3A_30 = tpu.memref_slice %arg10[%dma_wait3A_28, %dma_wait3A_29] : memref<10112x128xf32, #tpu.memory_space<vmem_shared>> -> memref<10112x128xf32, #tpu.memory_space<vmem_shared>>
        tpu.wait_indirect_dma semaphore(%run_scoped3A : memref<!tpu.dma_semaphore, #tpu.memory_space<semaphore_mem>>) src(%arg9 : memref<128x128xf32, #tpu.memory_space<vmem>>) dst(%dma_wait3A_30 : memref<10112x128xf32, #tpu.memory_space<vmem_shared>>)
        tpu.yield
      }) : () -> ()
      %scan3A_24 = arith.constant 0 : i32
      scf.yield %scan3A_24 : i32
    }
    %scan3A_10 = arith.constant 79 : i32
    %barrier3A_11 = arith.constant 0 : index
    tpu.barrier barrier_id(%barrier3A_11)
    "tpu.region"() ({
      %run_scoped3A = tpu.sem_alloc : memref<!tpu.dma_semaphore, #tpu.memory_space<semaphore_mem>>
      %dma_start3A = arith.constant 0 : i32
      %dma_start3A_12 = tpu.memref_slice %arg6[%arg0, %mul3A_2, %dma_start3A] : memref<2x10112x128xf32, #tpu.memory_space<hbm>> -> memref<1x632x128xf32, #tpu.memory_space<hbm>>
      %dma_start3A_13 = tpu.memref_squeeze %dma_start3A_12 : memref<1x632x128xf32, #tpu.memory_space<hbm>> -> memref<632x128xf32, #tpu.memory_space<hbm>>
      %dma_start3A_14 = arith.constant 0 : i32
      %dma_start3A_15 = tpu.memref_slice %arg10[%mul3A_2, %dma_start3A_14] : memref<10112x128xf32, #tpu.memory_space<vmem_shared>> -> memref<632x128xf32, #tpu.memory_space<vmem_shared>>
      tpu.enqueue_dma source(%dma_start3A_15 : memref<632x128xf32, #tpu.memory_space<vmem_shared>>) target(%dma_start3A_13 : memref<632x128xf32, #tpu.memory_space<hbm>>) target_semaphore(%run_scoped3A : memref<!tpu.dma_semaphore, #tpu.memory_space<semaphore_mem>>)
      %dma_wait3A = arith.constant 0 : i32
      %dma_wait3A_16 = tpu.memref_slice %arg6[%arg0, %mul3A_2, %dma_wait3A] : memref<2x10112x128xf32, #tpu.memory_space<hbm>> -> memref<1x632x128xf32, #tpu.memory_space<hbm>>
      %dma_wait3A_17 = tpu.memref_squeeze %dma_wait3A_16 : memref<1x632x128xf32, #tpu.memory_space<hbm>> -> memref<632x128xf32, #tpu.memory_space<hbm>>
      %dma_wait3A_18 = arith.constant 0 : i32
      %dma_wait3A_19 = tpu.memref_slice %arg10[%mul3A_2, %dma_wait3A_18] : memref<10112x128xf32, #tpu.memory_space<vmem_shared>> -> memref<632x128xf32, #tpu.memory_space<vmem_shared>>
      tpu.wait_dma2 semaphore(%run_scoped3A : memref<!tpu.dma_semaphore, #tpu.memory_space<semaphore_mem>>) src(%dma_wait3A_19 : memref<632x128xf32, #tpu.memory_space<vmem_shared>>) dst(%dma_wait3A_17 : memref<632x128xf32, #tpu.memory_space<hbm>>)
      tpu.yield
    }) : () -> ()
    return
  }
}

#map = affine_map<(d0, d1) -> (0, 0)>
#map1 = affine_map<(d0, d1) -> (0)>
#map2 = affine_map<(d0, d1) -> (0, 0, 0)>
module attributes {stable_mosaic.version = 14 : i64} {
  func.func @prop_kernel(%arg0: i32, %arg1: i32, %arg2: memref<10000x128xf32, #tpu.memory_space<hbm>>, %arg3: memref<323584xi32, #tpu.memory_space<hbm>>, %arg4: memref<323584xi32, #tpu.memory_space<hbm>>, %arg5: memref<10112x128xf32, #tpu.memory_space<hbm>>, %arg6: memref<2x10112x128xf32, #tpu.memory_space<hbm>>, %arg7: memref<128xi32, #tpu.memory_space<vmem>>, %arg8: memref<128xi32, #tpu.memory_space<vmem>>, %arg9: memref<128x128xf32, #tpu.memory_space<vmem>>, %arg10: memref<10112x128xf32, #tpu.memory_space<vmem_shared>>, %arg11: memref<!tpu.dma_semaphore, #tpu.memory_space<semaphore_mem>>) attributes {dimension_semantics = [#tpu.dimension_semantics<core_parallel>, #tpu.dimension_semantics<subcore_parallel>], iteration_bounds = array<i64: 2, 16>, scalar_prefetch = 0 : i64, scratch_operands = 5 : i64, tpu.core_type = #tpu.core_type<sc_vector_subcore>, window_params = [{transform_indices = #map}, {transform_indices = #map1}, {transform_indices = #map1}, {transform_indices = #map}, {transform_indices = #map2}]} {
    %mul3A = arith.constant 2 : i32
    %mul3A_0 = arith.muli %arg1, %mul3A : i32
    %add3A = arith.addi %mul3A_0, %arg0 : i32
    %mul3A_1 = arith.constant 632 : i32
    %mul3A_2 = arith.muli %arg1, %mul3A_1 : i32
    "tpu.region"() ({
      %run_scoped3A = tpu.sem_alloc : memref<!tpu.dma_semaphore, #tpu.memory_space<semaphore_mem>>
      %dma_start3A = arith.constant 0 : i32
      %dma_start3A_12 = tpu.memref_slice %arg10[%mul3A_2, %dma_start3A] : memref<10112x128xf32, #tpu.memory_space<vmem_shared>> -> memref<632x128xf32, #tpu.memory_space<vmem_shared>>
      %dma_start3A_13 = arith.constant 0 : i32
      %dma_start3A_14 = tpu.memref_slice %arg5[%mul3A_2, %dma_start3A_13] : memref<10112x128xf32, #tpu.memory_space<hbm>> -> memref<632x128xf32, #tpu.memory_space<hbm>>
      tpu.enqueue_dma source(%dma_start3A_14 : memref<632x128xf32, #tpu.memory_space<hbm>>) target(%dma_start3A_12 : memref<632x128xf32, #tpu.memory_space<vmem_shared>>) target_semaphore(%run_scoped3A : memref<!tpu.dma_semaphore, #tpu.memory_space<semaphore_mem>>)
      %dma_wait3A = arith.constant 0 : i32
      %dma_wait3A_15 = tpu.memref_slice %arg10[%mul3A_2, %dma_wait3A] : memref<10112x128xf32, #tpu.memory_space<vmem_shared>> -> memref<632x128xf32, #tpu.memory_space<vmem_shared>>
      %dma_wait3A_16 = arith.constant 0 : i32
      %dma_wait3A_17 = tpu.memref_slice %arg5[%mul3A_2, %dma_wait3A_16] : memref<10112x128xf32, #tpu.memory_space<hbm>> -> memref<632x128xf32, #tpu.memory_space<hbm>>
      tpu.wait_dma2 semaphore(%run_scoped3A : memref<!tpu.dma_semaphore, #tpu.memory_space<semaphore_mem>>) src(%dma_wait3A_17 : memref<632x128xf32, #tpu.memory_space<hbm>>) dst(%dma_wait3A_15 : memref<632x128xf32, #tpu.memory_space<vmem_shared>>)
      tpu.yield
    }) : () -> ()
    %barrier3A = arith.constant 0 : index
    tpu.barrier barrier_id(%barrier3A)
    %mul3A_3 = arith.constant 10112 : i32
    %mul3A_4 = arith.muli %add3A, %mul3A_3 : i32
    %scan3A = arith.constant 0 : i32
    %scan3A_5 = arith.constant 0 : i32
    %scan3A_6 = arith.constant 79 : i32
    %scan3A_7 = arith.addi %scan3A_5, %scan3A_6 : i32
    %scan3A_8 = arith.constant 1 : i32
    %scan3A_9 = scf.for %scan3A_12 = %scan3A_5 to %scan3A_7 step %scan3A_8 iter_args(%scan3A_13 = %scan3A) -> (i32)  : i32 {
      %mul3A_14 = arith.constant 128 : i32
      %mul3A_15 = arith.muli %scan3A_12, %mul3A_14 : i32
      %add3A_16 = arith.addi %mul3A_4, %mul3A_15 : i32
      "tpu.region"() ({
        %run_scoped3A = tpu.sem_alloc : memref<!tpu.dma_semaphore, #tpu.memory_space<semaphore_mem>>
        %dma_start3A_25 = tpu.memref_slice %arg3[%add3A_16] : memref<323584xi32, #tpu.memory_space<hbm>> -> memref<128xi32, #tpu.memory_space<hbm>>
        %dma_start3A_26 = tpu.memref_slice %arg3[%add3A_16] : memref<323584xi32, #tpu.memory_space<hbm>> -> memref<128xi32, #tpu.memory_space<hbm>>
        tpu.enqueue_dma source(%dma_start3A_26 : memref<128xi32, #tpu.memory_space<hbm>>) target(%arg7 : memref<128xi32, #tpu.memory_space<vmem>>) target_semaphore(%run_scoped3A : memref<!tpu.dma_semaphore, #tpu.memory_space<semaphore_mem>>)
        %dma_wait3A_27 = tpu.memref_slice %arg3[%add3A_16] : memref<323584xi32, #tpu.memory_space<hbm>> -> memref<128xi32, #tpu.memory_space<hbm>>
        %dma_wait3A_28 = tpu.memref_slice %arg3[%add3A_16] : memref<323584xi32, #tpu.memory_space<hbm>> -> memref<128xi32, #tpu.memory_space<hbm>>
        tpu.wait_dma2 semaphore(%run_scoped3A : memref<!tpu.dma_semaphore, #tpu.memory_space<semaphore_mem>>) src(%dma_wait3A_28 : memref<128xi32, #tpu.memory_space<hbm>>) dst(%arg7 : memref<128xi32, #tpu.memory_space<vmem>>)
        tpu.yield
      }) : () -> ()
      %mul3A_17 = arith.constant 128 : i32
      %mul3A_18 = arith.muli %scan3A_12, %mul3A_17 : i32
      %add3A_19 = arith.addi %mul3A_4, %mul3A_18 : i32
      "tpu.region"() ({
        %run_scoped3A = tpu.sem_alloc : memref<!tpu.dma_semaphore, #tpu.memory_space<semaphore_mem>>
        %dma_start3A_25 = tpu.memref_slice %arg4[%add3A_19] : memref<323584xi32, #tpu.memory_space<hbm>> -> memref<128xi32, #tpu.memory_space<hbm>>
        %dma_start3A_26 = tpu.memref_slice %arg4[%add3A_19] : memref<323584xi32, #tpu.memory_space<hbm>> -> memref<128xi32, #tpu.memory_space<hbm>>
        tpu.enqueue_dma source(%dma_start3A_26 : memref<128xi32, #tpu.memory_space<hbm>>) target(%arg8 : memref<128xi32, #tpu.memory_space<vmem>>) target_semaphore(%run_scoped3A : memref<!tpu.dma_semaphore, #tpu.memory_space<semaphore_mem>>)
        %dma_wait3A_27 = tpu.memref_slice %arg4[%add3A_19] : memref<323584xi32, #tpu.memory_space<hbm>> -> memref<128xi32, #tpu.memory_space<hbm>>
        %dma_wait3A_28 = tpu.memref_slice %arg4[%add3A_19] : memref<323584xi32, #tpu.memory_space<hbm>> -> memref<128xi32, #tpu.memory_space<hbm>>
        tpu.wait_dma2 semaphore(%run_scoped3A : memref<!tpu.dma_semaphore, #tpu.memory_space<semaphore_mem>>) src(%dma_wait3A_28 : memref<128xi32, #tpu.memory_space<hbm>>) dst(%arg8 : memref<128xi32, #tpu.memory_space<vmem>>)
        tpu.yield
      }) : () -> ()
      %dma_start3A = arith.constant 0 : i32
      %dma_start3A_20 = arith.constant 0 : i32
      %dma_start3A_21 = tpu.memref_slice %arg2[%dma_start3A, %dma_start3A_20] : memref<10000x128xf32, #tpu.memory_space<hbm>> -> memref<10000x128xf32, #tpu.memory_space<hbm>>
      tpu.enqueue_indirect_dma source(%dma_start3A_21 : memref<10000x128xf32, #tpu.memory_space<hbm>>) target(%arg9 : memref<128x128xf32, #tpu.memory_space<vmem>>) offsets(%arg7 : memref<128xi32, #tpu.memory_space<vmem>>) semaphore(%arg11 : memref<!tpu.dma_semaphore, #tpu.memory_space<semaphore_mem>>)
      %dma_wait3A = arith.constant 0 : i32
      %dma_wait3A_22 = arith.constant 0 : i32
      %dma_wait3A_23 = tpu.memref_slice %arg2[%dma_wait3A, %dma_wait3A_22] : memref<10000x128xf32, #tpu.memory_space<hbm>> -> memref<10000x128xf32, #tpu.memory_space<hbm>>
      tpu.wait_indirect_dma semaphore(%arg11 : memref<!tpu.dma_semaphore, #tpu.memory_space<semaphore_mem>>) src(%dma_wait3A_23 : memref<10000x128xf32, #tpu.memory_space<hbm>>) dst(%arg9 : memref<128x128xf32, #tpu.memory_space<vmem>>)
      "tpu.region"() ({
        %run_scoped3A = tpu.sem_alloc : memref<!tpu.dma_semaphore, #tpu.memory_space<semaphore_mem>>
        %dma_start3A_25 = arith.constant 0 : i32
        %dma_start3A_26 = arith.constant 0 : i32
        %dma_start3A_27 = tpu.memref_slice %arg10[%dma_start3A_25, %dma_start3A_26] : memref<10112x128xf32, #tpu.memory_space<vmem_shared>> -> memref<10112x128xf32, #tpu.memory_space<vmem_shared>>
        tpu.enqueue_indirect_dma source(%arg9 : memref<128x128xf32, #tpu.memory_space<vmem>>) target(%dma_start3A_27 : memref<10112x128xf32, #tpu.memory_space<vmem_shared>>) offsets(%arg8 : memref<128xi32, #tpu.memory_space<vmem>>) semaphore(%run_scoped3A : memref<!tpu.dma_semaphore, #tpu.memory_space<semaphore_mem>>) {add = true}
        %dma_wait3A_28 = arith.constant 0 : i32
        %dma_wait3A_29 = arith.constant 0 : i32
        %dma_wait3A_30 = tpu.memref_slice %arg10[%dma_wait3A_28, %dma_wait3A_29] : memref<10112x128xf32, #tpu.memory_space<vmem_shared>> -> memref<10112x128xf32, #tpu.memory_space<vmem_shared>>
        tpu.wait_indirect_dma semaphore(%run_scoped3A : memref<!tpu.dma_semaphore, #tpu.memory_space<semaphore_mem>>) src(%arg9 : memref<128x128xf32, #tpu.memory_space<vmem>>) dst(%dma_wait3A_30 : memref<10112x128xf32, #tpu.memory_space<vmem_shared>>)
        tpu.yield
      }) : () -> ()
      %scan3A_24 = arith.constant 0 : i32
      scf.yield %scan3A_24 : i32
    }
    %scan3A_10 = arith.constant 79 : i32
    %barrier3A_11 = arith.constant 0 : index
    tpu.barrier barrier_id(%barrier3A_11)
    "tpu.region"() ({
      %run_scoped3A = tpu.sem_alloc : memref<!tpu.dma_semaphore, #tpu.memory_space<semaphore_mem>>
      %dma_start3A = arith.constant 0 : i32
      %dma_start3A_12 = tpu.memref_slice %arg6[%arg0, %mul3A_2, %dma_start3A] : memref<2x10112x128xf32, #tpu.memory_space<hbm>> -> memref<1x632x128xf32, #tpu.memory_space<hbm>>
      %dma_start3A_13 = tpu.memref_squeeze %dma_start3A_12 : memref<1x632x128xf32, #tpu.memory_space<hbm>> -> memref<632x128xf32, #tpu.memory_space<hbm>>
      %dma_start3A_14 = arith.constant 0 : i32
      %dma_start3A_15 = tpu.memref_slice %arg10[%mul3A_2, %dma_start3A_14] : memref<10112x128xf32, #tpu.memory_space<vmem_shared>> -> memref<632x128xf32, #tpu.memory_space<vmem_shared>>
      tpu.enqueue_dma source(%dma_start3A_15 : memref<632x128xf32, #tpu.memory_space<vmem_shared>>) target(%dma_start3A_13 : memref<632x128xf32, #tpu.memory_space<hbm>>) target_semaphore(%run_scoped3A : memref<!tpu.dma_semaphore, #tpu.memory_space<semaphore_mem>>)
      %dma_wait3A = arith.constant 0 : i32
      %dma_wait3A_16 = tpu.memref_slice %arg6[%arg0, %mul3A_2, %dma_wait3A] : memref<2x10112x128xf32, #tpu.memory_space<hbm>> -> memref<1x632x128xf32, #tpu.memory_space<hbm>>
      %dma_wait3A_17 = tpu.memref_squeeze %dma_wait3A_16 : memref<1x632x128xf32, #tpu.memory_space<hbm>> -> memref<632x128xf32, #tpu.memory_space<hbm>>
      %dma_wait3A_18 = arith.constant 0 : i32
      %dma_wait3A_19 = tpu.memref_slice %arg10[%mul3A_2, %dma_wait3A_18] : memref<10112x128xf32, #tpu.memory_space<vmem_shared>> -> memref<632x128xf32, #tpu.memory_space<vmem_shared>>
      tpu.wait_dma2 semaphore(%run_scoped3A : memref<!tpu.dma_semaphore, #tpu.memory_space<semaphore_mem>>) src(%dma_wait3A_19 : memref<632x128xf32, #tpu.memory_space<vmem_shared>>) dst(%dma_wait3A_17 : memref<632x128xf32, #tpu.memory_space<hbm>>)
      tpu.yield
    }) : () -> ()
    return
  }
}

#map = affine_map<(d0, d1) -> (0, 0)>
#map1 = affine_map<(d0, d1) -> (0)>
#map2 = affine_map<(d0, d1) -> (0, 0, 0)>
module attributes {stable_mosaic.version = 14 : i64} {
  func.func @prop_kernel(%arg0: i32, %arg1: i32, %arg2: memref<10000x128xf32, #tpu.memory_space<hbm>>, %arg3: memref<323584xi32, #tpu.memory_space<hbm>>, %arg4: memref<323584xi32, #tpu.memory_space<hbm>>, %arg5: memref<10112x128xf32, #tpu.memory_space<hbm>>, %arg6: memref<2x10112x128xf32, #tpu.memory_space<hbm>>, %arg7: memref<128xi32, #tpu.memory_space<vmem>>, %arg8: memref<128xi32, #tpu.memory_space<vmem>>, %arg9: memref<128x128xf32, #tpu.memory_space<vmem>>, %arg10: memref<10112x128xf32, #tpu.memory_space<vmem_shared>>, %arg11: memref<!tpu.dma_semaphore, #tpu.memory_space<semaphore_mem>>) attributes {dimension_semantics = [#tpu.dimension_semantics<core_parallel>, #tpu.dimension_semantics<subcore_parallel>], iteration_bounds = array<i64: 2, 16>, scalar_prefetch = 0 : i64, scratch_operands = 5 : i64, tpu.core_type = #tpu.core_type<sc_vector_subcore>, window_params = [{transform_indices = #map}, {transform_indices = #map1}, {transform_indices = #map1}, {transform_indices = #map}, {transform_indices = #map2}]} {
    %mul3A = arith.constant 2 : i32
    %mul3A_0 = arith.muli %arg1, %mul3A : i32
    %add3A = arith.addi %mul3A_0, %arg0 : i32
    %mul3A_1 = arith.constant 632 : i32
    %mul3A_2 = arith.muli %arg1, %mul3A_1 : i32
    "tpu.region"() ({
      %run_scoped3A = tpu.sem_alloc : memref<!tpu.dma_semaphore, #tpu.memory_space<semaphore_mem>>
      %dma_start3A = arith.constant 0 : i32
      %dma_start3A_12 = tpu.memref_slice %arg10[%mul3A_2, %dma_start3A] : memref<10112x128xf32, #tpu.memory_space<vmem_shared>> -> memref<632x128xf32, #tpu.memory_space<vmem_shared>>
      %dma_start3A_13 = arith.constant 0 : i32
      %dma_start3A_14 = tpu.memref_slice %arg5[%mul3A_2, %dma_start3A_13] : memref<10112x128xf32, #tpu.memory_space<hbm>> -> memref<632x128xf32, #tpu.memory_space<hbm>>
      tpu.enqueue_dma source(%dma_start3A_14 : memref<632x128xf32, #tpu.memory_space<hbm>>) target(%dma_start3A_12 : memref<632x128xf32, #tpu.memory_space<vmem_shared>>) target_semaphore(%run_scoped3A : memref<!tpu.dma_semaphore, #tpu.memory_space<semaphore_mem>>)
      %dma_wait3A = arith.constant 0 : i32
      %dma_wait3A_15 = tpu.memref_slice %arg10[%mul3A_2, %dma_wait3A] : memref<10112x128xf32, #tpu.memory_space<vmem_shared>> -> memref<632x128xf32, #tpu.memory_space<vmem_shared>>
      %dma_wait3A_16 = arith.constant 0 : i32
      %dma_wait3A_17 = tpu.memref_slice %arg5[%mul3A_2, %dma_wait3A_16] : memref<10112x128xf32, #tpu.memory_space<hbm>> -> memref<632x128xf32, #tpu.memory_space<hbm>>
      tpu.wait_dma2 semaphore(%run_scoped3A : memref<!tpu.dma_semaphore, #tpu.memory_space<semaphore_mem>>) src(%dma_wait3A_17 : memref<632x128xf32, #tpu.memory_space<hbm>>) dst(%dma_wait3A_15 : memref<632x128xf32, #tpu.memory_space<vmem_shared>>)
      tpu.yield
    }) : () -> ()
    %barrier3A = arith.constant 0 : index
    tpu.barrier barrier_id(%barrier3A)
    %mul3A_3 = arith.constant 10112 : i32
    %mul3A_4 = arith.muli %add3A, %mul3A_3 : i32
    %scan3A = arith.constant 0 : i32
    %scan3A_5 = arith.constant 0 : i32
    %scan3A_6 = arith.constant 79 : i32
    %scan3A_7 = arith.addi %scan3A_5, %scan3A_6 : i32
    %scan3A_8 = arith.constant 1 : i32
    %scan3A_9 = scf.for %scan3A_12 = %scan3A_5 to %scan3A_7 step %scan3A_8 iter_args(%scan3A_13 = %scan3A) -> (i32)  : i32 {
      %mul3A_14 = arith.constant 128 : i32
      %mul3A_15 = arith.muli %scan3A_12, %mul3A_14 : i32
      %add3A_16 = arith.addi %mul3A_4, %mul3A_15 : i32
      "tpu.region"() ({
        %run_scoped3A = tpu.sem_alloc : memref<!tpu.dma_semaphore, #tpu.memory_space<semaphore_mem>>
        %dma_start3A_25 = tpu.memref_slice %arg3[%add3A_16] : memref<323584xi32, #tpu.memory_space<hbm>> -> memref<128xi32, #tpu.memory_space<hbm>>
        %dma_start3A_26 = tpu.memref_slice %arg3[%add3A_16] : memref<323584xi32, #tpu.memory_space<hbm>> -> memref<128xi32, #tpu.memory_space<hbm>>
        tpu.enqueue_dma source(%dma_start3A_26 : memref<128xi32, #tpu.memory_space<hbm>>) target(%arg7 : memref<128xi32, #tpu.memory_space<vmem>>) target_semaphore(%run_scoped3A : memref<!tpu.dma_semaphore, #tpu.memory_space<semaphore_mem>>)
        %dma_wait3A_27 = tpu.memref_slice %arg3[%add3A_16] : memref<323584xi32, #tpu.memory_space<hbm>> -> memref<128xi32, #tpu.memory_space<hbm>>
        %dma_wait3A_28 = tpu.memref_slice %arg3[%add3A_16] : memref<323584xi32, #tpu.memory_space<hbm>> -> memref<128xi32, #tpu.memory_space<hbm>>
        tpu.wait_dma2 semaphore(%run_scoped3A : memref<!tpu.dma_semaphore, #tpu.memory_space<semaphore_mem>>) src(%dma_wait3A_28 : memref<128xi32, #tpu.memory_space<hbm>>) dst(%arg7 : memref<128xi32, #tpu.memory_space<vmem>>)
        tpu.yield
      }) : () -> ()
      %mul3A_17 = arith.constant 128 : i32
      %mul3A_18 = arith.muli %scan3A_12, %mul3A_17 : i32
      %add3A_19 = arith.addi %mul3A_4, %mul3A_18 : i32
      "tpu.region"() ({
        %run_scoped3A = tpu.sem_alloc : memref<!tpu.dma_semaphore, #tpu.memory_space<semaphore_mem>>
        %dma_start3A_25 = tpu.memref_slice %arg4[%add3A_19] : memref<323584xi32, #tpu.memory_space<hbm>> -> memref<128xi32, #tpu.memory_space<hbm>>
        %dma_start3A_26 = tpu.memref_slice %arg4[%add3A_19] : memref<323584xi32, #tpu.memory_space<hbm>> -> memref<128xi32, #tpu.memory_space<hbm>>
        tpu.enqueue_dma source(%dma_start3A_26 : memref<128xi32, #tpu.memory_space<hbm>>) target(%arg8 : memref<128xi32, #tpu.memory_space<vmem>>) target_semaphore(%run_scoped3A : memref<!tpu.dma_semaphore, #tpu.memory_space<semaphore_mem>>)
        %dma_wait3A_27 = tpu.memref_slice %arg4[%add3A_19] : memref<323584xi32, #tpu.memory_space<hbm>> -> memref<128xi32, #tpu.memory_space<hbm>>
        %dma_wait3A_28 = tpu.memref_slice %arg4[%add3A_19] : memref<323584xi32, #tpu.memory_space<hbm>> -> memref<128xi32, #tpu.memory_space<hbm>>
        tpu.wait_dma2 semaphore(%run_scoped3A : memref<!tpu.dma_semaphore, #tpu.memory_space<semaphore_mem>>) src(%dma_wait3A_28 : memref<128xi32, #tpu.memory_space<hbm>>) dst(%arg8 : memref<128xi32, #tpu.memory_space<vmem>>)
        tpu.yield
      }) : () -> ()
      %dma_start3A = arith.constant 0 : i32
      %dma_start3A_20 = arith.constant 0 : i32
      %dma_start3A_21 = tpu.memref_slice %arg2[%dma_start3A, %dma_start3A_20] : memref<10000x128xf32, #tpu.memory_space<hbm>> -> memref<10000x128xf32, #tpu.memory_space<hbm>>
      tpu.enqueue_indirect_dma source(%dma_start3A_21 : memref<10000x128xf32, #tpu.memory_space<hbm>>) target(%arg9 : memref<128x128xf32, #tpu.memory_space<vmem>>) offsets(%arg7 : memref<128xi32, #tpu.memory_space<vmem>>) semaphore(%arg11 : memref<!tpu.dma_semaphore, #tpu.memory_space<semaphore_mem>>)
      %dma_wait3A = arith.constant 0 : i32
      %dma_wait3A_22 = arith.constant 0 : i32
      %dma_wait3A_23 = tpu.memref_slice %arg2[%dma_wait3A, %dma_wait3A_22] : memref<10000x128xf32, #tpu.memory_space<hbm>> -> memref<10000x128xf32, #tpu.memory_space<hbm>>
      tpu.wait_indirect_dma semaphore(%arg11 : memref<!tpu.dma_semaphore, #tpu.memory_space<semaphore_mem>>) src(%dma_wait3A_23 : memref<10000x128xf32, #tpu.memory_space<hbm>>) dst(%arg9 : memref<128x128xf32, #tpu.memory_space<vmem>>)
      "tpu.region"() ({
        %run_scoped3A = tpu.sem_alloc : memref<!tpu.dma_semaphore, #tpu.memory_space<semaphore_mem>>
        %dma_start3A_25 = arith.constant 0 : i32
        %dma_start3A_26 = arith.constant 0 : i32
        %dma_start3A_27 = tpu.memref_slice %arg10[%dma_start3A_25, %dma_start3A_26] : memref<10112x128xf32, #tpu.memory_space<vmem_shared>> -> memref<10112x128xf32, #tpu.memory_space<vmem_shared>>
        tpu.enqueue_indirect_dma source(%arg9 : memref<128x128xf32, #tpu.memory_space<vmem>>) target(%dma_start3A_27 : memref<10112x128xf32, #tpu.memory_space<vmem_shared>>) offsets(%arg8 : memref<128xi32, #tpu.memory_space<vmem>>) semaphore(%run_scoped3A : memref<!tpu.dma_semaphore, #tpu.memory_space<semaphore_mem>>) {add = true}
        %dma_wait3A_28 = arith.constant 0 : i32
        %dma_wait3A_29 = arith.constant 0 : i32
        %dma_wait3A_30 = tpu.memref_slice %arg10[%dma_wait3A_28, %dma_wait3A_29] : memref<10112x128xf32, #tpu.memory_space<vmem_shared>> -> memref<10112x128xf32, #tpu.memory_space<vmem_shared>>
        tpu.wait_indirect_dma semaphore(%run_scoped3A : memref<!tpu.dma_semaphore, #tpu.memory_space<semaphore_mem>>) src(%arg9 : memref<128x128xf32, #tpu.memory_space<vmem>>) dst(%dma_wait3A_30 : memref<10112x128xf32, #tpu.memory_space<vmem_shared>>)
        tpu.yield
      }) : () -> ()
      %scan3A_24 = arith.constant 0 : i32
      scf.yield %scan3A_24 : i32
    }
    %scan3A_10 = arith.constant 79 : i32
    %barrier3A_11 = arith.constant 0 : index
    tpu.barrier barrier_id(%barrier3A_11)
    "tpu.region"() ({
      %run_scoped3A = tpu.sem_alloc : memref<!tpu.dma_semaphore, #tpu.memory_space<semaphore_mem>>
      %dma_start3A = arith.constant 0 : i32
      %dma_start3A_12 = tpu.memref_slice %arg6[%arg0, %mul3A_2, %dma_start3A] : memref<2x10112x128xf32, #tpu.memory_space<hbm>> -> memref<1x632x128xf32, #tpu.memory_space<hbm>>
      %dma_start3A_13 = tpu.memref_squeeze %dma_start3A_12 : memref<1x632x128xf32, #tpu.memory_space<hbm>> -> memref<632x128xf32, #tpu.memory_space<hbm>>
      %dma_start3A_14 = arith.constant 0 : i32
      %dma_start3A_15 = tpu.memref_slice %arg10[%mul3A_2, %dma_start3A_14] : memref<10112x128xf32, #tpu.memory_space<vmem_shared>> -> memref<632x128xf32, #tpu.memory_space<vmem_shared>>
      tpu.enqueue_dma source(%dma_start3A_15 : memref<632x128xf32, #tpu.memory_space<vmem_shared>>) target(%dma_start3A_13 : memref<632x128xf32, #tpu.memory_space<hbm>>) target_semaphore(%run_scoped3A : memref<!tpu.dma_semaphore, #tpu.memory_space<semaphore_mem>>)
      %dma_wait3A = arith.constant 0 : i32
      %dma_wait3A_16 = tpu.memref_slice %arg6[%arg0, %mul3A_2, %dma_wait3A] : memref<2x10112x128xf32, #tpu.memory_space<hbm>> -> memref<1x632x128xf32, #tpu.memory_space<hbm>>
      %dma_wait3A_17 = tpu.memref_squeeze %dma_wait3A_16 : memref<1x632x128xf32, #tpu.memory_space<hbm>> -> memref<632x128xf32, #tpu.memory_space<hbm>>
      %dma_wait3A_18 = arith.constant 0 : i32
      %dma_wait3A_19 = tpu.memref_slice %arg10[%mul3A_2, %dma_wait3A_18] : memref<10112x128xf32, #tpu.memory_space<vmem_shared>> -> memref<632x128xf32, #tpu.memory_space<vmem_shared>>
      tpu.wait_dma2 semaphore(%run_scoped3A : memref<!tpu.dma_semaphore, #tpu.memory_space<semaphore_mem>>) src(%dma_wait3A_19 : memref<632x128xf32, #tpu.memory_space<vmem_shared>>) dst(%dma_wait3A_17 : memref<632x128xf32, #tpu.memory_space<hbm>>)
      tpu.yield
    }) : () -> ()
    return
  }
}

#map = affine_map<(d0, d1) -> (0, 0)>
#map1 = affine_map<(d0, d1) -> (0)>
#map2 = affine_map<(d0, d1) -> (0, 0, 0)>
module attributes {stable_mosaic.version = 14 : i64} {
  func.func @prop_kernel(%arg0: i32, %arg1: i32, %arg2: memref<10000x128xf32, #tpu.memory_space<hbm>>, %arg3: memref<323584xi32, #tpu.memory_space<hbm>>, %arg4: memref<323584xi32, #tpu.memory_space<hbm>>, %arg5: memref<10112x128xf32, #tpu.memory_space<hbm>>, %arg6: memref<2x10112x128xf32, #tpu.memory_space<hbm>>, %arg7: memref<128xi32, #tpu.memory_space<vmem>>, %arg8: memref<128xi32, #tpu.memory_space<vmem>>, %arg9: memref<128x128xf32, #tpu.memory_space<vmem>>, %arg10: memref<10112x128xf32, #tpu.memory_space<vmem_shared>>, %arg11: memref<!tpu.dma_semaphore, #tpu.memory_space<semaphore_mem>>) attributes {dimension_semantics = [#tpu.dimension_semantics<core_parallel>, #tpu.dimension_semantics<subcore_parallel>], iteration_bounds = array<i64: 2, 16>, scalar_prefetch = 0 : i64, scratch_operands = 5 : i64, tpu.core_type = #tpu.core_type<sc_vector_subcore>, window_params = [{transform_indices = #map}, {transform_indices = #map1}, {transform_indices = #map1}, {transform_indices = #map}, {transform_indices = #map2}]} {
    %mul3A = arith.constant 2 : i32
    %mul3A_0 = arith.muli %arg1, %mul3A : i32
    %add3A = arith.addi %mul3A_0, %arg0 : i32
    %mul3A_1 = arith.constant 632 : i32
    %mul3A_2 = arith.muli %arg1, %mul3A_1 : i32
    "tpu.region"() ({
      %run_scoped3A = tpu.sem_alloc : memref<!tpu.dma_semaphore, #tpu.memory_space<semaphore_mem>>
      %dma_start3A = arith.constant 0 : i32
      %dma_start3A_12 = tpu.memref_slice %arg10[%mul3A_2, %dma_start3A] : memref<10112x128xf32, #tpu.memory_space<vmem_shared>> -> memref<632x128xf32, #tpu.memory_space<vmem_shared>>
      %dma_start3A_13 = arith.constant 0 : i32
      %dma_start3A_14 = tpu.memref_slice %arg5[%mul3A_2, %dma_start3A_13] : memref<10112x128xf32, #tpu.memory_space<hbm>> -> memref<632x128xf32, #tpu.memory_space<hbm>>
      tpu.enqueue_dma source(%dma_start3A_14 : memref<632x128xf32, #tpu.memory_space<hbm>>) target(%dma_start3A_12 : memref<632x128xf32, #tpu.memory_space<vmem_shared>>) target_semaphore(%run_scoped3A : memref<!tpu.dma_semaphore, #tpu.memory_space<semaphore_mem>>)
      %dma_wait3A = arith.constant 0 : i32
      %dma_wait3A_15 = tpu.memref_slice %arg10[%mul3A_2, %dma_wait3A] : memref<10112x128xf32, #tpu.memory_space<vmem_shared>> -> memref<632x128xf32, #tpu.memory_space<vmem_shared>>
      %dma_wait3A_16 = arith.constant 0 : i32
      %dma_wait3A_17 = tpu.memref_slice %arg5[%mul3A_2, %dma_wait3A_16] : memref<10112x128xf32, #tpu.memory_space<hbm>> -> memref<632x128xf32, #tpu.memory_space<hbm>>
      tpu.wait_dma2 semaphore(%run_scoped3A : memref<!tpu.dma_semaphore, #tpu.memory_space<semaphore_mem>>) src(%dma_wait3A_17 : memref<632x128xf32, #tpu.memory_space<hbm>>) dst(%dma_wait3A_15 : memref<632x128xf32, #tpu.memory_space<vmem_shared>>)
      tpu.yield
    }) : () -> ()
    %barrier3A = arith.constant 0 : index
    tpu.barrier barrier_id(%barrier3A)
    %mul3A_3 = arith.constant 10112 : i32
    %mul3A_4 = arith.muli %add3A, %mul3A_3 : i32
    %scan3A = arith.constant 0 : i32
    %scan3A_5 = arith.constant 0 : i32
    %scan3A_6 = arith.constant 79 : i32
    %scan3A_7 = arith.addi %scan3A_5, %scan3A_6 : i32
    %scan3A_8 = arith.constant 1 : i32
    %scan3A_9 = scf.for %scan3A_12 = %scan3A_5 to %scan3A_7 step %scan3A_8 iter_args(%scan3A_13 = %scan3A) -> (i32)  : i32 {
      %mul3A_14 = arith.constant 128 : i32
      %mul3A_15 = arith.muli %scan3A_12, %mul3A_14 : i32
      %add3A_16 = arith.addi %mul3A_4, %mul3A_15 : i32
      "tpu.region"() ({
        %run_scoped3A = tpu.sem_alloc : memref<!tpu.dma_semaphore, #tpu.memory_space<semaphore_mem>>
        %dma_start3A_25 = tpu.memref_slice %arg3[%add3A_16] : memref<323584xi32, #tpu.memory_space<hbm>> -> memref<128xi32, #tpu.memory_space<hbm>>
        %dma_start3A_26 = tpu.memref_slice %arg3[%add3A_16] : memref<323584xi32, #tpu.memory_space<hbm>> -> memref<128xi32, #tpu.memory_space<hbm>>
        tpu.enqueue_dma source(%dma_start3A_26 : memref<128xi32, #tpu.memory_space<hbm>>) target(%arg7 : memref<128xi32, #tpu.memory_space<vmem>>) target_semaphore(%run_scoped3A : memref<!tpu.dma_semaphore, #tpu.memory_space<semaphore_mem>>)
        %dma_wait3A_27 = tpu.memref_slice %arg3[%add3A_16] : memref<323584xi32, #tpu.memory_space<hbm>> -> memref<128xi32, #tpu.memory_space<hbm>>
        %dma_wait3A_28 = tpu.memref_slice %arg3[%add3A_16] : memref<323584xi32, #tpu.memory_space<hbm>> -> memref<128xi32, #tpu.memory_space<hbm>>
        tpu.wait_dma2 semaphore(%run_scoped3A : memref<!tpu.dma_semaphore, #tpu.memory_space<semaphore_mem>>) src(%dma_wait3A_28 : memref<128xi32, #tpu.memory_space<hbm>>) dst(%arg7 : memref<128xi32, #tpu.memory_space<vmem>>)
        tpu.yield
      }) : () -> ()
      %mul3A_17 = arith.constant 128 : i32
      %mul3A_18 = arith.muli %scan3A_12, %mul3A_17 : i32
      %add3A_19 = arith.addi %mul3A_4, %mul3A_18 : i32
      "tpu.region"() ({
        %run_scoped3A = tpu.sem_alloc : memref<!tpu.dma_semaphore, #tpu.memory_space<semaphore_mem>>
        %dma_start3A_25 = tpu.memref_slice %arg4[%add3A_19] : memref<323584xi32, #tpu.memory_space<hbm>> -> memref<128xi32, #tpu.memory_space<hbm>>
        %dma_start3A_26 = tpu.memref_slice %arg4[%add3A_19] : memref<323584xi32, #tpu.memory_space<hbm>> -> memref<128xi32, #tpu.memory_space<hbm>>
        tpu.enqueue_dma source(%dma_start3A_26 : memref<128xi32, #tpu.memory_space<hbm>>) target(%arg8 : memref<128xi32, #tpu.memory_space<vmem>>) target_semaphore(%run_scoped3A : memref<!tpu.dma_semaphore, #tpu.memory_space<semaphore_mem>>)
        %dma_wait3A_27 = tpu.memref_slice %arg4[%add3A_19] : memref<323584xi32, #tpu.memory_space<hbm>> -> memref<128xi32, #tpu.memory_space<hbm>>
        %dma_wait3A_28 = tpu.memref_slice %arg4[%add3A_19] : memref<323584xi32, #tpu.memory_space<hbm>> -> memref<128xi32, #tpu.memory_space<hbm>>
        tpu.wait_dma2 semaphore(%run_scoped3A : memref<!tpu.dma_semaphore, #tpu.memory_space<semaphore_mem>>) src(%dma_wait3A_28 : memref<128xi32, #tpu.memory_space<hbm>>) dst(%arg8 : memref<128xi32, #tpu.memory_space<vmem>>)
        tpu.yield
      }) : () -> ()
      %dma_start3A = arith.constant 0 : i32
      %dma_start3A_20 = arith.constant 0 : i32
      %dma_start3A_21 = tpu.memref_slice %arg2[%dma_start3A, %dma_start3A_20] : memref<10000x128xf32, #tpu.memory_space<hbm>> -> memref<10000x128xf32, #tpu.memory_space<hbm>>
      tpu.enqueue_indirect_dma source(%dma_start3A_21 : memref<10000x128xf32, #tpu.memory_space<hbm>>) target(%arg9 : memref<128x128xf32, #tpu.memory_space<vmem>>) offsets(%arg7 : memref<128xi32, #tpu.memory_space<vmem>>) semaphore(%arg11 : memref<!tpu.dma_semaphore, #tpu.memory_space<semaphore_mem>>)
      %dma_wait3A = arith.constant 0 : i32
      %dma_wait3A_22 = arith.constant 0 : i32
      %dma_wait3A_23 = tpu.memref_slice %arg2[%dma_wait3A, %dma_wait3A_22] : memref<10000x128xf32, #tpu.memory_space<hbm>> -> memref<10000x128xf32, #tpu.memory_space<hbm>>
      tpu.wait_indirect_dma semaphore(%arg11 : memref<!tpu.dma_semaphore, #tpu.memory_space<semaphore_mem>>) src(%dma_wait3A_23 : memref<10000x128xf32, #tpu.memory_space<hbm>>) dst(%arg9 : memref<128x128xf32, #tpu.memory_space<vmem>>)
      "tpu.region"() ({
        %run_scoped3A = tpu.sem_alloc : memref<!tpu.dma_semaphore, #tpu.memory_space<semaphore_mem>>
        %dma_start3A_25 = arith.constant 0 : i32
        %dma_start3A_26 = arith.constant 0 : i32
        %dma_start3A_27 = tpu.memref_slice %arg10[%dma_start3A_25, %dma_start3A_26] : memref<10112x128xf32, #tpu.memory_space<vmem_shared>> -> memref<10112x128xf32, #tpu.memory_space<vmem_shared>>
        tpu.enqueue_indirect_dma source(%arg9 : memref<128x128xf32, #tpu.memory_space<vmem>>) target(%dma_start3A_27 : memref<10112x128xf32, #tpu.memory_space<vmem_shared>>) offsets(%arg8 : memref<128xi32, #tpu.memory_space<vmem>>) semaphore(%run_scoped3A : memref<!tpu.dma_semaphore, #tpu.memory_space<semaphore_mem>>) {add = true}
        %dma_wait3A_28 = arith.constant 0 : i32
        %dma_wait3A_29 = arith.constant 0 : i32
        %dma_wait3A_30 = tpu.memref_slice %arg10[%dma_wait3A_28, %dma_wait3A_29] : memref<10112x128xf32, #tpu.memory_space<vmem_shared>> -> memref<10112x128xf32, #tpu.memory_space<vmem_shared>>
        tpu.wait_indirect_dma semaphore(%run_scoped3A : memref<!tpu.dma_semaphore, #tpu.memory_space<semaphore_mem>>) src(%arg9 : memref<128x128xf32, #tpu.memory_space<vmem>>) dst(%dma_wait3A_30 : memref<10112x128xf32, #tpu.memory_space<vmem_shared>>)
        tpu.yield
      }) : () -> ()
      %scan3A_24 = arith.constant 0 : i32
      scf.yield %scan3A_24 : i32
    }
    %scan3A_10 = arith.constant 79 : i32
    %barrier3A_11 = arith.constant 0 : index
    tpu.barrier barrier_id(%barrier3A_11)
    "tpu.region"() ({
      %run_scoped3A = tpu.sem_alloc : memref<!tpu.dma_semaphore, #tpu.memory_space<semaphore_mem>>
      %dma_start3A = arith.constant 0 : i32
      %dma_start3A_12 = tpu.memref_slice %arg6[%arg0, %mul3A_2, %dma_start3A] : memref<2x10112x128xf32, #tpu.memory_space<hbm>> -> memref<1x632x128xf32, #tpu.memory_space<hbm>>
      %dma_start3A_13 = tpu.memref_squeeze %dma_start3A_12 : memref<1x632x128xf32, #tpu.memory_space<hbm>> -> memref<632x128xf32, #tpu.memory_space<hbm>>
      %dma_start3A_14 = arith.constant 0 : i32
      %dma_start3A_15 = tpu.memref_slice %arg10[%mul3A_2, %dma_start3A_14] : memref<10112x128xf32, #tpu.memory_space<vmem_shared>> -> memref<632x128xf32, #tpu.memory_space<vmem_shared>>
      tpu.enqueue_dma source(%dma_start3A_15 : memref<632x128xf32, #tpu.memory_space<vmem_shared>>) target(%dma_start3A_13 : memref<632x128xf32, #tpu.memory_space<hbm>>) target_semaphore(%run_scoped3A : memref<!tpu.dma_semaphore, #tpu.memory_space<semaphore_mem>>)
      %dma_wait3A = arith.constant 0 : i32
      %dma_wait3A_16 = tpu.memref_slice %arg6[%arg0, %mul3A_2, %dma_wait3A] : memref<2x10112x128xf32, #tpu.memory_space<hbm>> -> memref<1x632x128xf32, #tpu.memory_space<hbm>>
      %dma_wait3A_17 = tpu.memref_squeeze %dma_wait3A_16 : memref<1x632x128xf32, #tpu.memory_space<hbm>> -> memref<632x128xf32, #tpu.memory_space<hbm>>
      %dma_wait3A_18 = arith.constant 0 : i32
      %dma_wait3A_19 = tpu.memref_slice %arg10[%mul3A_2, %dma_wait3A_18] : memref<10112x128xf32, #tpu.memory_space<vmem_shared>> -> memref<632x128xf32, #tpu.memory_space<vmem_shared>>
      tpu.wait_dma2 semaphore(%run_scoped3A : memref<!tpu.dma_semaphore, #tpu.memory_space<semaphore_mem>>) src(%dma_wait3A_19 : memref<632x128xf32, #tpu.memory_space<vmem_shared>>) dst(%dma_wait3A_17 : memref<632x128xf32, #tpu.memory_space<hbm>>)
      tpu.yield
    }) : () -> ()
    return
  }
}

module attributes {stable_mosaic.version = 14 : i64} {
  func.func @tc1_body(%arg0: i32, %arg1: memref<400x128xf32, #tpu.memory_space<vmem>>, %arg2: memref<2x400x128xf32, #tpu.memory_space<vmem>>, %arg3: memref<128x128xf32, #tpu.memory_space<vmem>>, %arg4: memref<128x128xf32, #tpu.memory_space<vmem>>, %arg5: memref<128x128xf32, #tpu.memory_space<vmem>>, %arg6: memref<400x128xf32, #tpu.memory_space<vmem>>, %arg7: memref<400x128xf32, #tpu.memory_space<vmem>>, %arg8: memref<400x128xf32, #tpu.memory_space<vmem>>) attributes {dimension_semantics = [#tpu.dimension_semantics<arbitrary>], iteration_bounds = array<i64: 25>, scalar_prefetch = 0 : i64, scratch_operands = 0 : i64, tpu.core_type = #tpu.core_type<tc>, window_params = [{transform_indices = @transform_0, window_bounds = array<i64: 400, 128>}, {transform_indices = @transform_1, window_bounds = array<i64: 2, 400, 128>}, {pipeline_mode = #tpu.pipeline_mode<synchronous>, transform_indices = @transform_2, window_bounds = array<i64: 128, 128>}, {pipeline_mode = #tpu.pipeline_mode<synchronous>, transform_indices = @transform_3, window_bounds = array<i64: 128, 128>}, {pipeline_mode = #tpu.pipeline_mode<synchronous>, transform_indices = @transform_4, window_bounds = array<i64: 128, 128>}, {transform_indices = @transform_5, window_bounds = array<i64: 400, 128>}, {transform_indices = @transform_6, window_bounds = array<i64: 400, 128>}, {transform_indices = @transform_7, window_bounds = array<i64: 400, 128>}]} {
    %get3A = arith.constant 0 : index
    %get3A_0 = arith.constant 0 : index
    %get3A_1 = arith.constant 0 : index
    %get3A_2 = vector.load %arg2[%get3A, %get3A_0, %get3A_1] : memref<2x400x128xf32, #tpu.memory_space<vmem>>, vector<1x400x1xf32>
    %get3A_3 = vector.shape_cast %get3A_2 : vector<1x400x1xf32> to vector<400xf32>
    %add3A = arith.constant 1.000000e+00 : f32
    %add3A_4 = vector.broadcast %add3A : f32 to vector<400xf32>
    %add3A_5 = arith.addf %add3A_4, %get3A_3 : vector<400xf32>
    %get3A_6 = arith.constant 1 : index
    %get3A_7 = arith.constant 0 : index
    %get3A_8 = arith.constant 0 : index
    %get3A_9 = vector.load %arg2[%get3A_6, %get3A_7, %get3A_8] : memref<2x400x128xf32, #tpu.memory_space<vmem>>, vector<1x400x1xf32>
    %get3A_10 = vector.shape_cast %get3A_9 : vector<1x400x1xf32> to vector<400xf32>
    %add3A_11 = arith.addf %add3A_5, %get3A_10 : vector<400xf32>
    %rsqrt3A = math.rsqrt %add3A_11 : vector<400xf32>
    %broadcast_in_dim3A = vector.shape_cast %rsqrt3A : vector<400xf32> to vector<400x1xf32>
    %get3A_12 = arith.constant 0 : index
    %get3A_13 = arith.constant 0 : index
    %get3A_14 = vector.load %arg1[%get3A_12, %get3A_13] : memref<400x128xf32, #tpu.memory_space<vmem>>, vector<400x128xf32>
    %get3A_15 = arith.constant 0 : index
    %get3A_16 = arith.constant 0 : index
    %get3A_17 = vector.load %arg3[%get3A_15, %get3A_16] : memref<128x128xf32, #tpu.memory_space<vmem>>, vector<128x128xf32>
    %dot_general3A = arith.constant dense<0.000000e+00> : vector<400x128xf32>
    %dot_general3A_18 = tpu.matmul %get3A_14, %get3A_17, %dot_general3A {dimension_numbers = #tpu.dot_dimension_numbers<[1], [0], [0], [1], [0, 0, 1, 1], [], []>, transpose_lhs_hint = false} : vector<400x128xf32>, vector<128x128xf32>, vector<400x128xf32> -> vector<400x128xf32>
    %mul3A = vector.broadcast %broadcast_in_dim3A : vector<400x1xf32> to vector<400x128xf32>
    %mul3A_19 = arith.mulf %mul3A, %dot_general3A_18 : vector<400x128xf32>
    %swap3A = arith.constant 0 : index
    %swap3A_20 = arith.constant 0 : index
    %swap3A_21 = vector.load %arg6[%swap3A, %swap3A_20] : memref<400x128xf32, #tpu.memory_space<vmem>>, vector<400x128xf32>
    tpu.vector_store %arg6[%swap3A, %swap3A_20], %mul3A_19 {strides = array<i32>} : memref<400x128xf32, #tpu.memory_space<vmem>>, vector<400x128xf32>,
    %get3A_22 = arith.constant 0 : index
    %get3A_23 = arith.constant 0 : index
    %get3A_24 = vector.load %arg4[%get3A_22, %get3A_23] : memref<128x128xf32, #tpu.memory_space<vmem>>, vector<128x128xf32>
    %dot_general3A_25 = arith.constant dense<0.000000e+00> : vector<400x128xf32>
    %dot_general3A_26 = tpu.matmul %get3A_14, %get3A_24, %dot_general3A_25 {dimension_numbers = #tpu.dot_dimension_numbers<[1], [0], [0], [1], [0, 0, 1, 1], [], []>, transpose_lhs_hint = false} : vector<400x128xf32>, vector<128x128xf32>, vector<400x128xf32> -> vector<400x128xf32>
    %mul3A_27 = vector.broadcast %broadcast_in_dim3A : vector<400x1xf32> to vector<400x128xf32>
    %mul3A_28 = arith.mulf %mul3A_27, %dot_general3A_26 : vector<400x128xf32>
    %swap3A_29 = arith.constant 0 : index
    %swap3A_30 = arith.constant 0 : index
    %swap3A_31 = vector.load %arg7[%swap3A_29, %swap3A_30] : memref<400x128xf32, #tpu.memory_space<vmem>>, vector<400x128xf32>
    tpu.vector_store %arg7[%swap3A_29, %swap3A_30], %mul3A_28 {strides = array<i32>} : memref<400x128xf32, #tpu.memory_space<vmem>>, vector<400x128xf32>,
    %get3A_32 = arith.constant 0 : index
    %get3A_33 = arith.constant 0 : index
    %get3A_34 = vector.load %arg5[%get3A_32, %get3A_33] : memref<128x128xf32, #tpu.memory_space<vmem>>, vector<128x128xf32>
    %dot_general3A_35 = arith.constant dense<0.000000e+00> : vector<400x128xf32>
    %dot_general3A_36 = tpu.matmul %get3A_14, %get3A_34, %dot_general3A_35 {dimension_numbers = #tpu.dot_dimension_numbers<[1], [0], [0], [1], [0, 0, 1, 1], [], []>, transpose_lhs_hint = false} : vector<400x128xf32>, vector<128x128xf32>, vector<400x128xf32> -> vector<400x128xf32>
    %mul3A_37 = vector.broadcast %broadcast_in_dim3A : vector<400x1xf32> to vector<400x128xf32>
    %mul3A_38 = arith.mulf %mul3A_37, %dot_general3A_36 : vector<400x128xf32>
    %swap3A_39 = arith.constant 0 : index
    %swap3A_40 = arith.constant 0 : index
    %swap3A_41 = vector.load %arg8[%swap3A_39, %swap3A_40] : memref<400x128xf32, #tpu.memory_space<vmem>>, vector<400x128xf32>
    tpu.vector_store %arg8[%swap3A_39, %swap3A_40], %mul3A_38 {strides = array<i32>} : memref<400x128xf32, #tpu.memory_space<vmem>>, vector<400x128xf32>,
    return
  }
  func.func @transform_0(%arg0: i32) -> (i32, i32) {
    %c0_i32 = arith.constant 0 : i32
    %c0_i32_0 = arith.constant 0 : i32
    return %arg0, %c0_i32 : i32, i32
  }
  func.func @transform_1(%arg0: i32) -> (i32, i32, i32) {
    %c0_i32 = arith.constant 0 : i32
    %c0_i32_0 = arith.constant 0 : i32
    %c0_i32_1 = arith.constant 0 : i32
    return %c0_i32, %arg0, %c0_i32_0 : i32, i32, i32
  }
  func.func @transform_2(%arg0: i32) -> (i32, i32) {
    %c0_i32 = arith.constant 0 : i32
    %c0_i32_0 = arith.constant 0 : i32
    %c0_i32_1 = arith.constant 0 : i32
    return %c0_i32, %c0_i32_0 : i32, i32
  }
  func.func @transform_3(%arg0: i32) -> (i32, i32) {
    %c0_i32 = arith.constant 0 : i32
    %c0_i32_0 = arith.constant 0 : i32
    %c0_i32_1 = arith.constant 0 : i32
    return %c0_i32, %c0_i32_0 : i32, i32
  }
  func.func @transform_4(%arg0: i32) -> (i32, i32) {
    %c0_i32 = arith.constant 0 : i32
    %c0_i32_0 = arith.constant 0 : i32
    %c0_i32_1 = arith.constant 0 : i32
    return %c0_i32, %c0_i32_0 : i32, i32
  }
  func.func @transform_5(%arg0: i32) -> (i32, i32) {
    %c0_i32 = arith.constant 0 : i32
    %c0_i32_0 = arith.constant 0 : i32
    return %arg0, %c0_i32 : i32, i32
  }
  func.func @transform_6(%arg0: i32) -> (i32, i32) {
    %c0_i32 = arith.constant 0 : i32
    %c0_i32_0 = arith.constant 0 : i32
    return %arg0, %c0_i32 : i32, i32
  }
  func.func @transform_7(%arg0: i32) -> (i32, i32) {
    %c0_i32 = arith.constant 0 : i32
    %c0_i32_0 = arith.constant 0 : i32
    return %arg0, %c0_i32 : i32, i32
  }
}

module attributes {stable_mosaic.version = 14 : i64} {
  func.func @tc2_body(%arg0: i32, %arg1: memref<2x400x128xf32, #tpu.memory_space<vmem>>, %arg2: memref<2x400x128xf32, #tpu.memory_space<vmem>>, %arg3: memref<2x400x128xf32, #tpu.memory_space<vmem>>, %arg4: memref<2x400x128xf32, #tpu.memory_space<vmem>>, %arg5: memref<400x128xf32, #tpu.memory_space<vmem>>, %arg6: memref<400x128xf32, #tpu.memory_space<vmem>>, %arg7: memref<400x128xf32, #tpu.memory_space<vmem>>, %arg8: memref<1x128xf32, #tpu.memory_space<vmem>>, %arg9: memref<1x128xf32, #tpu.memory_space<vmem>>, %arg10: memref<1x128xf32, #tpu.memory_space<vmem>>, %arg11: memref<128x128xf32, #tpu.memory_space<vmem>>, %arg12: memref<128x128xf32, #tpu.memory_space<vmem>>, %arg13: memref<400x128xf32, #tpu.memory_space<vmem>>, %arg14: memref<400x128xf32, #tpu.memory_space<vmem>>, %arg15: memref<400x128xf32, #tpu.memory_space<vmem>>) attributes {dimension_semantics = [#tpu.dimension_semantics<arbitrary>], iteration_bounds = array<i64: 25>, scalar_prefetch = 0 : i64, scratch_operands = 0 : i64, tpu.core_type = #tpu.core_type<tc>, window_params = [{transform_indices = @transform_0, window_bounds = array<i64: 2, 400, 128>}, {transform_indices = @transform_1, window_bounds = array<i64: 2, 400, 128>}, {transform_indices = @transform_2, window_bounds = array<i64: 2, 400, 128>}, {transform_indices = @transform_3, window_bounds = array<i64: 2, 400, 128>}, {transform_indices = @transform_4, window_bounds = array<i64: 400, 128>}, {transform_indices = @transform_5, window_bounds = array<i64: 400, 128>}, {transform_indices = @transform_6, window_bounds = array<i64: 400, 128>}, {pipeline_mode = #tpu.pipeline_mode<synchronous>, transform_indices = @transform_7, window_bounds = array<i64: 1, 128>}, {pipeline_mode = #tpu.pipeline_mode<synchronous>, transform_indices = @transform_8, window_bounds = array<i64: 1, 128>}, {pipeline_mode = #tpu.pipeline_mode<synchronous>, transform_indices = @transform_9, window_bounds = array<i64: 1, 128>}, {pipeline_mode = #tpu.pipeline_mode<synchronous>, transform_indices = @transform_10, window_bounds = array<i64: 128, 128>}, {pipeline_mode = #tpu.pipeline_mode<synchronous>, transform_indices = @transform_11, window_bounds = array<i64: 128, 128>}, {transform_indices = @transform_12, window_bounds = array<i64: 400, 128>}, {transform_indices = @transform_13, window_bounds = array<i64: 400, 128>}, {transform_indices = @transform_14, window_bounds = array<i64: 400, 128>}]} {
    %get3A = arith.constant 0 : index
    %get3A_0 = arith.constant 0 : index
    %get3A_1 = arith.constant 0 : index
    %get3A_2 = vector.load %arg1[%get3A, %get3A_0, %get3A_1] : memref<2x400x128xf32, #tpu.memory_space<vmem>>, vector<1x400x1xf32>
    %get3A_3 = vector.shape_cast %get3A_2 : vector<1x400x1xf32> to vector<400xf32>
    %add3A = arith.constant 1.000000e+00 : f32
    %add3A_4 = vector.broadcast %add3A : f32 to vector<400xf32>
    %add3A_5 = arith.addf %add3A_4, %get3A_3 : vector<400xf32>
    %get3A_6 = arith.constant 1 : index
    %get3A_7 = arith.constant 0 : index
    %get3A_8 = arith.constant 0 : index
    %get3A_9 = vector.load %arg1[%get3A_6, %get3A_7, %get3A_8] : memref<2x400x128xf32, #tpu.memory_space<vmem>>, vector<1x400x1xf32>
    %get3A_10 = vector.shape_cast %get3A_9 : vector<1x400x1xf32> to vector<400xf32>
    %add3A_11 = arith.addf %add3A_5, %get3A_10 : vector<400xf32>
    %rsqrt3A = math.rsqrt %add3A_11 : vector<400xf32>
    %broadcast_in_dim3A = vector.shape_cast %rsqrt3A : vector<400xf32> to vector<400x1xf32>
    %get3A_12 = arith.constant 0 : index
    %get3A_13 = arith.constant 0 : index
    %get3A_14 = arith.constant 0 : index
    %get3A_15 = vector.load %arg2[%get3A_12, %get3A_13, %get3A_14] : memref<2x400x128xf32, #tpu.memory_space<vmem>>, vector<1x400x128xf32>
    %get3A_16 = vector.shape_cast %get3A_15 : vector<1x400x128xf32> to vector<400x128xf32>
    %get3A_17 = arith.constant 1 : index
    %get3A_18 = arith.constant 0 : index
    %get3A_19 = arith.constant 0 : index
    %get3A_20 = vector.load %arg2[%get3A_17, %get3A_18, %get3A_19] : memref<2x400x128xf32, #tpu.memory_space<vmem>>, vector<1x400x128xf32>
    %get3A_21 = vector.shape_cast %get3A_20 : vector<1x400x128xf32> to vector<400x128xf32>
    %add3A_22 = arith.addf %get3A_16, %get3A_21 : vector<400x128xf32>
    %get3A_23 = arith.constant 0 : index
    %get3A_24 = arith.constant 0 : index
    %get3A_25 = vector.load %arg5[%get3A_23, %get3A_24] : memref<400x128xf32, #tpu.memory_space<vmem>>, vector<400x128xf32>
    %add3A_26 = arith.addf %add3A_22, %get3A_25 : vector<400x128xf32>
    %mul3A = vector.broadcast %broadcast_in_dim3A : vector<400x1xf32> to vector<400x128xf32>
    %mul3A_27 = arith.mulf %mul3A, %add3A_26 : vector<400x128xf32>
    %get3A_28 = arith.constant 0 : index
    %get3A_29 = arith.constant 0 : index
    %get3A_30 = vector.load %arg8[%get3A_28, %get3A_29] : memref<1x128xf32, #tpu.memory_space<vmem>>, vector<1x128xf32>
    %add3A_31 = vector.broadcast %get3A_30 : vector<1x128xf32> to vector<400x128xf32>
    %add3A_32 = arith.addf %mul3A_27, %add3A_31 : vector<400x128xf32>
    %max3A = arith.constant 0.000000e+00 : f32
    %max3A_33 = vector.broadcast %max3A : f32 to vector<400x128xf32>
    %max3A_34 = arith.maximumf %add3A_32, %max3A_33 : vector<400x128xf32>
    %swap3A = arith.constant 0 : index
    %swap3A_35 = arith.constant 0 : index
    %swap3A_36 = vector.load %arg13[%swap3A, %swap3A_35] : memref<400x128xf32, #tpu.memory_space<vmem>>, vector<400x128xf32>
    tpu.vector_store %arg13[%swap3A, %swap3A_35], %max3A_34 {strides = array<i32>} : memref<400x128xf32, #tpu.memory_space<vmem>>, vector<400x128xf32>,
    %get3A_37 = arith.constant 0 : index
    %get3A_38 = arith.constant 0 : index
    %get3A_39 = arith.constant 0 : index
    %get3A_40 = vector.load %arg3[%get3A_37, %get3A_38, %get3A_39] : memref<2x400x128xf32, #tpu.memory_space<vmem>>, vector<1x400x128xf32>
    %get3A_41 = vector.shape_cast %get3A_40 : vector<1x400x128xf32> to vector<400x128xf32>
    %get3A_42 = arith.constant 1 : index
    %get3A_43 = arith.constant 0 : index
    %get3A_44 = arith.constant 0 : index
    %get3A_45 = vector.load %arg3[%get3A_42, %get3A_43, %get3A_44] : memref<2x400x128xf32, #tpu.memory_space<vmem>>, vector<1x400x128xf32>
    %get3A_46 = vector.shape_cast %get3A_45 : vector<1x400x128xf32> to vector<400x128xf32>
    %add3A_47 = arith.addf %get3A_41, %get3A_46 : vector<400x128xf32>
    %get3A_48 = arith.constant 0 : index
    %get3A_49 = arith.constant 0 : index
    %get3A_50 = vector.load %arg6[%get3A_48, %get3A_49] : memref<400x128xf32, #tpu.memory_space<vmem>>, vector<400x128xf32>
    %add3A_51 = arith.addf %add3A_47, %get3A_50 : vector<400x128xf32>
    %mul3A_52 = vector.broadcast %broadcast_in_dim3A : vector<400x1xf32> to vector<400x128xf32>
    %mul3A_53 = arith.mulf %mul3A_52, %add3A_51 : vector<400x128xf32>
    %get3A_54 = arith.constant 0 : index
    %get3A_55 = arith.constant 0 : index
    %get3A_56 = vector.load %arg9[%get3A_54, %get3A_55] : memref<1x128xf32, #tpu.memory_space<vmem>>, vector<1x128xf32>
    %add3A_57 = vector.broadcast %get3A_56 : vector<1x128xf32> to vector<400x128xf32>
    %add3A_58 = arith.addf %mul3A_53, %add3A_57 : vector<400x128xf32>
    %max3A_59 = arith.constant 0.000000e+00 : f32
    %max3A_60 = vector.broadcast %max3A_59 : f32 to vector<400x128xf32>
    %max3A_61 = arith.maximumf %add3A_58, %max3A_60 : vector<400x128xf32>
    %get3A_62 = arith.constant 0 : index
    %get3A_63 = arith.constant 0 : index
    %get3A_64 = vector.load %arg11[%get3A_62, %get3A_63] : memref<128x128xf32, #tpu.memory_space<vmem>>, vector<128x128xf32>
    %dot_general3A = arith.constant dense<0.000000e+00> : vector<400x128xf32>
    %dot_general3A_65 = tpu.matmul %max3A_61, %get3A_64, %dot_general3A {dimension_numbers = #tpu.dot_dimension_numbers<[1], [0], [0], [1], [0, 0, 1, 1], [], []>, transpose_lhs_hint = false} : vector<400x128xf32>, vector<128x128xf32>, vector<400x128xf32> -> vector<400x128xf32>
    %mul3A_66 = vector.broadcast %broadcast_in_dim3A : vector<400x1xf32> to vector<400x128xf32>
    %mul3A_67 = arith.mulf %mul3A_66, %dot_general3A_65 : vector<400x128xf32>
    %swap3A_68 = arith.constant 0 : index
    %swap3A_69 = arith.constant 0 : index
    %swap3A_70 = vector.load %arg14[%swap3A_68, %swap3A_69] : memref<400x128xf32, #tpu.memory_space<vmem>>, vector<400x128xf32>
    tpu.vector_store %arg14[%swap3A_68, %swap3A_69], %mul3A_67 {strides = array<i32>} : memref<400x128xf32, #tpu.memory_space<vmem>>, vector<400x128xf32>,
    %get3A_71 = arith.constant 0 : index
    %get3A_72 = arith.constant 0 : index
    %get3A_73 = arith.constant 0 : index
    %get3A_74 = vector.load %arg4[%get3A_71, %get3A_72, %get3A_73] : memref<2x400x128xf32, #tpu.memory_space<vmem>>, vector<1x400x128xf32>
    %get3A_75 = vector.shape_cast %get3A_74 : vector<1x400x128xf32> to vector<400x128xf32>
    %get3A_76 = arith.constant 1 : index
    %get3A_77 = arith.constant 0 : index
    %get3A_78 = arith.constant 0 : index
    %get3A_79 = vector.load %arg4[%get3A_76, %get3A_77, %get3A_78] : memref<2x400x128xf32, #tpu.memory_space<vmem>>, vector<1x400x128xf32>
    %get3A_80 = vector.shape_cast %get3A_79 : vector<1x400x128xf32> to vector<400x128xf32>
    %add3A_81 = arith.addf %get3A_75, %get3A_80 : vector<400x128xf32>
    %get3A_82 = arith.constant 0 : index
    %get3A_83 = arith.constant 0 : index
    %get3A_84 = vector.load %arg7[%get3A_82, %get3A_83] : memref<400x128xf32, #tpu.memory_space<vmem>>, vector<400x128xf32>
    %add3A_85 = arith.addf %add3A_81, %get3A_84 : vector<400x128xf32>
    %mul3A_86 = vector.broadcast %broadcast_in_dim3A : vector<400x1xf32> to vector<400x128xf32>
    %mul3A_87 = arith.mulf %mul3A_86, %add3A_85 : vector<400x128xf32>
    %get3A_88 = arith.constant 0 : index
    %get3A_89 = arith.constant 0 : index
    %get3A_90 = vector.load %arg10[%get3A_88, %get3A_89] : memref<1x128xf32, #tpu.memory_space<vmem>>, vector<1x128xf32>
    %add3A_91 = vector.broadcast %get3A_90 : vector<1x128xf32> to vector<400x128xf32>
    %add3A_92 = arith.addf %mul3A_87, %add3A_91 : vector<400x128xf32>
    %max3A_93 = arith.constant 0.000000e+00 : f32
    %max3A_94 = vector.broadcast %max3A_93 : f32 to vector<400x128xf32>
    %max3A_95 = arith.maximumf %add3A_92, %max3A_94 : vector<400x128xf32>
    %get3A_96 = arith.constant 0 : index
    %get3A_97 = arith.constant 0 : index
    %get3A_98 = vector.load %arg12[%get3A_96, %get3A_97] : memref<128x128xf32, #tpu.memory_space<vmem>>, vector<128x128xf32>
    %dot_general3A_99 = arith.constant dense<0.000000e+00> : vector<400x128xf32>
    %dot_general3A_100 = tpu.matmul %max3A_95, %get3A_98, %dot_general3A_99 {dimension_numbers = #tpu.dot_dimension_numbers<[1], [0], [0], [1], [0, 0, 1, 1], [], []>, transpose_lhs_hint = false} : vector<400x128xf32>, vector<128x128xf32>, vector<400x128xf32> -> vector<400x128xf32>
    %mul3A_101 = vector.broadcast %broadcast_in_dim3A : vector<400x1xf32> to vector<400x128xf32>
    %mul3A_102 = arith.mulf %mul3A_101, %dot_general3A_100 : vector<400x128xf32>
    %swap3A_103 = arith.constant 0 : index
    %swap3A_104 = arith.constant 0 : index
    %swap3A_105 = vector.load %arg15[%swap3A_103, %swap3A_104] : memref<400x128xf32, #tpu.memory_space<vmem>>, vector<400x128xf32>
    tpu.vector_store %arg15[%swap3A_103, %swap3A_104], %mul3A_102 {strides = array<i32>} : memref<400x128xf32, #tpu.memory_space<vmem>>, vector<400x128xf32>,
    return
  }
  func.func @transform_0(%arg0: i32) -> (i32, i32, i32) {
    %c0_i32 = arith.constant 0 : i32
    %c0_i32_0 = arith.constant 0 : i32
    %c0_i32_1 = arith.constant 0 : i32
    return %c0_i32, %arg0, %c0_i32_0 : i32, i32, i32
  }
  func.func @transform_1(%arg0: i32) -> (i32, i32, i32) {
    %c0_i32 = arith.constant 0 : i32
    %c0_i32_0 = arith.constant 0 : i32
    %c0_i32_1 = arith.constant 0 : i32
    return %c0_i32, %arg0, %c0_i32_0 : i32, i32, i32
  }
  func.func @transform_2(%arg0: i32) -> (i32, i32, i32) {
    %c0_i32 = arith.constant 0 : i32
    %c0_i32_0 = arith.constant 0 : i32
    %c0_i32_1 = arith.constant 0 : i32
    return %c0_i32, %arg0, %c0_i32_0 : i32, i32, i32
  }
  func.func @transform_3(%arg0: i32) -> (i32, i32, i32) {
    %c0_i32 = arith.constant 0 : i32
    %c0_i32_0 = arith.constant 0 : i32
    %c0_i32_1 = arith.constant 0 : i32
    return %c0_i32, %arg0, %c0_i32_0 : i32, i32, i32
  }
  func.func @transform_4(%arg0: i32) -> (i32, i32) {
    %c0_i32 = arith.constant 0 : i32
    %c0_i32_0 = arith.constant 0 : i32
    return %arg0, %c0_i32 : i32, i32
  }
  func.func @transform_5(%arg0: i32) -> (i32, i32) {
    %c0_i32 = arith.constant 0 : i32
    %c0_i32_0 = arith.constant 0 : i32
    return %arg0, %c0_i32 : i32, i32
  }
  func.func @transform_6(%arg0: i32) -> (i32, i32) {
    %c0_i32 = arith.constant 0 : i32
    %c0_i32_0 = arith.constant 0 : i32
    return %arg0, %c0_i32 : i32, i32
  }
  func.func @transform_7(%arg0: i32) -> (i32, i32) {
    %c0_i32 = arith.constant 0 : i32
    %c0_i32_0 = arith.constant 0 : i32
    %c0_i32_1 = arith.constant 0 : i32
    return %c0_i32, %c0_i32_0 : i32, i32
  }
  func.func @transform_8(%arg0: i32) -> (i32, i32) {
    %c0_i32 = arith.constant 0 : i32
    %c0_i32_0 = arith.constant 0 : i32
    %c0_i32_1 = arith.constant 0 : i32
    return %c0_i32, %c0_i32_0 : i32, i32
  }
  func.func @transform_9(%arg0: i32) -> (i32, i32) {
    %c0_i32 = arith.constant 0 : i32
    %c0_i32_0 = arith.constant 0 : i32
    %c0_i32_1 = arith.constant 0 : i32
    return %c0_i32, %c0_i32_0 : i32, i32
  }
  func.func @transform_10(%arg0: i32) -> (i32, i32) {
    %c0_i32 = arith.constant 0 : i32
    %c0_i32_0 = arith.constant 0 : i32
    %c0_i32_1 = arith.constant 0 : i32
    return %c0_i32, %c0_i32_0 : i32, i32
  }
  func.func @transform_11(%arg0: i32) -> (i32, i32) {
    %c0_i32 = arith.constant 0 : i32
    %c0_i32_0 = arith.constant 0 : i32
    %c0_i32_1 = arith.constant 0 : i32
    return %c0_i32, %c0_i32_0 : i32, i32
  }
  func.func @transform_12(%arg0: i32) -> (i32, i32) {
    %c0_i32 = arith.constant 0 : i32
    %c0_i32_0 = arith.constant 0 : i32
    return %arg0, %c0_i32 : i32, i32
  }
  func.func @transform_13(%arg0: i32) -> (i32, i32) {
    %c0_i32 = arith.constant 0 : i32
    %c0_i32_0 = arith.constant 0 : i32
    return %arg0, %c0_i32 : i32, i32
  }
  func.func @transform_14(%arg0: i32) -> (i32, i32) {
    %c0_i32 = arith.constant 0 : i32
    %c0_i32_0 = arith.constant 0 : i32
    return %arg0, %c0_i32 : i32, i32
  }
}

module attributes {stable_mosaic.version = 14 : i64} {
  func.func @tc3_body(%arg0: i32, %arg1: memref<2x400x128xf32, #tpu.memory_space<vmem>>, %arg2: memref<2x400x128xf32, #tpu.memory_space<vmem>>, %arg3: memref<2x400x128xf32, #tpu.memory_space<vmem>>, %arg4: memref<400x128xf32, #tpu.memory_space<vmem>>, %arg5: memref<400x128xf32, #tpu.memory_space<vmem>>, %arg6: memref<1x128xf32, #tpu.memory_space<vmem>>, %arg7: memref<1x128xf32, #tpu.memory_space<vmem>>, %arg8: memref<128x128xf32, #tpu.memory_space<vmem>>, %arg9: memref<400x128xf32, #tpu.memory_space<vmem>>, %arg10: memref<400x128xf32, #tpu.memory_space<vmem>>) attributes {dimension_semantics = [#tpu.dimension_semantics<arbitrary>], iteration_bounds = array<i64: 25>, scalar_prefetch = 0 : i64, scratch_operands = 0 : i64, tpu.core_type = #tpu.core_type<tc>, window_params = [{transform_indices = @transform_0, window_bounds = array<i64: 2, 400, 128>}, {transform_indices = @transform_1, window_bounds = array<i64: 2, 400, 128>}, {transform_indices = @transform_2, window_bounds = array<i64: 2, 400, 128>}, {transform_indices = @transform_3, window_bounds = array<i64: 400, 128>}, {transform_indices = @transform_4, window_bounds = array<i64: 400, 128>}, {pipeline_mode = #tpu.pipeline_mode<synchronous>, transform_indices = @transform_5, window_bounds = array<i64: 1, 128>}, {pipeline_mode = #tpu.pipeline_mode<synchronous>, transform_indices = @transform_6, window_bounds = array<i64: 1, 128>}, {pipeline_mode = #tpu.pipeline_mode<synchronous>, transform_indices = @transform_7, window_bounds = array<i64: 128, 128>}, {transform_indices = @transform_8, window_bounds = array<i64: 400, 128>}, {transform_indices = @transform_9, window_bounds = array<i64: 400, 128>}]} {
    %get3A = arith.constant 0 : index
    %get3A_0 = arith.constant 0 : index
    %get3A_1 = arith.constant 0 : index
    %get3A_2 = vector.load %arg1[%get3A, %get3A_0, %get3A_1] : memref<2x400x128xf32, #tpu.memory_space<vmem>>, vector<1x400x1xf32>
    %get3A_3 = vector.shape_cast %get3A_2 : vector<1x400x1xf32> to vector<400xf32>
    %add3A = arith.constant 1.000000e+00 : f32
    %add3A_4 = vector.broadcast %add3A : f32 to vector<400xf32>
    %add3A_5 = arith.addf %add3A_4, %get3A_3 : vector<400xf32>
    %get3A_6 = arith.constant 1 : index
    %get3A_7 = arith.constant 0 : index
    %get3A_8 = arith.constant 0 : index
    %get3A_9 = vector.load %arg1[%get3A_6, %get3A_7, %get3A_8] : memref<2x400x128xf32, #tpu.memory_space<vmem>>, vector<1x400x1xf32>
    %get3A_10 = vector.shape_cast %get3A_9 : vector<1x400x1xf32> to vector<400xf32>
    %add3A_11 = arith.addf %add3A_5, %get3A_10 : vector<400xf32>
    %rsqrt3A = math.rsqrt %add3A_11 : vector<400xf32>
    %broadcast_in_dim3A = vector.shape_cast %rsqrt3A : vector<400xf32> to vector<400x1xf32>
    %get3A_12 = arith.constant 0 : index
    %get3A_13 = arith.constant 0 : index
    %get3A_14 = arith.constant 0 : index
    %get3A_15 = vector.load %arg2[%get3A_12, %get3A_13, %get3A_14] : memref<2x400x128xf32, #tpu.memory_space<vmem>>, vector<1x400x128xf32>
    %get3A_16 = vector.shape_cast %get3A_15 : vector<1x400x128xf32> to vector<400x128xf32>
    %get3A_17 = arith.constant 1 : index
    %get3A_18 = arith.constant 0 : index
    %get3A_19 = arith.constant 0 : index
    %get3A_20 = vector.load %arg2[%get3A_17, %get3A_18, %get3A_19] : memref<2x400x128xf32, #tpu.memory_space<vmem>>, vector<1x400x128xf32>
    %get3A_21 = vector.shape_cast %get3A_20 : vector<1x400x128xf32> to vector<400x128xf32>
    %add3A_22 = arith.addf %get3A_16, %get3A_21 : vector<400x128xf32>
    %get3A_23 = arith.constant 0 : index
    %get3A_24 = arith.constant 0 : index
    %get3A_25 = vector.load %arg4[%get3A_23, %get3A_24] : memref<400x128xf32, #tpu.memory_space<vmem>>, vector<400x128xf32>
    %add3A_26 = arith.addf %add3A_22, %get3A_25 : vector<400x128xf32>
    %mul3A = vector.broadcast %broadcast_in_dim3A : vector<400x1xf32> to vector<400x128xf32>
    %mul3A_27 = arith.mulf %mul3A, %add3A_26 : vector<400x128xf32>
    %get3A_28 = arith.constant 0 : index
    %get3A_29 = arith.constant 0 : index
    %get3A_30 = vector.load %arg6[%get3A_28, %get3A_29] : memref<1x128xf32, #tpu.memory_space<vmem>>, vector<1x128xf32>
    %add3A_31 = vector.broadcast %get3A_30 : vector<1x128xf32> to vector<400x128xf32>
    %add3A_32 = arith.addf %mul3A_27, %add3A_31 : vector<400x128xf32>
    %max3A = arith.constant 0.000000e+00 : f32
    %max3A_33 = vector.broadcast %max3A : f32 to vector<400x128xf32>
    %max3A_34 = arith.maximumf %add3A_32, %max3A_33 : vector<400x128xf32>
    %swap3A = arith.constant 0 : index
    %swap3A_35 = arith.constant 0 : index
    %swap3A_36 = vector.load %arg9[%swap3A, %swap3A_35] : memref<400x128xf32, #tpu.memory_space<vmem>>, vector<400x128xf32>
    tpu.vector_store %arg9[%swap3A, %swap3A_35], %max3A_34 {strides = array<i32>} : memref<400x128xf32, #tpu.memory_space<vmem>>, vector<400x128xf32>,
    %get3A_37 = arith.constant 0 : index
    %get3A_38 = arith.constant 0 : index
    %get3A_39 = arith.constant 0 : index
    %get3A_40 = vector.load %arg3[%get3A_37, %get3A_38, %get3A_39] : memref<2x400x128xf32, #tpu.memory_space<vmem>>, vector<1x400x128xf32>
    %get3A_41 = vector.shape_cast %get3A_40 : vector<1x400x128xf32> to vector<400x128xf32>
    %get3A_42 = arith.constant 1 : index
    %get3A_43 = arith.constant 0 : index
    %get3A_44 = arith.constant 0 : index
    %get3A_45 = vector.load %arg3[%get3A_42, %get3A_43, %get3A_44] : memref<2x400x128xf32, #tpu.memory_space<vmem>>, vector<1x400x128xf32>
    %get3A_46 = vector.shape_cast %get3A_45 : vector<1x400x128xf32> to vector<400x128xf32>
    %add3A_47 = arith.addf %get3A_41, %get3A_46 : vector<400x128xf32>
    %get3A_48 = arith.constant 0 : index
    %get3A_49 = arith.constant 0 : index
    %get3A_50 = vector.load %arg5[%get3A_48, %get3A_49] : memref<400x128xf32, #tpu.memory_space<vmem>>, vector<400x128xf32>
    %add3A_51 = arith.addf %add3A_47, %get3A_50 : vector<400x128xf32>
    %mul3A_52 = vector.broadcast %broadcast_in_dim3A : vector<400x1xf32> to vector<400x128xf32>
    %mul3A_53 = arith.mulf %mul3A_52, %add3A_51 : vector<400x128xf32>
    %get3A_54 = arith.constant 0 : index
    %get3A_55 = arith.constant 0 : index
    %get3A_56 = vector.load %arg7[%get3A_54, %get3A_55] : memref<1x128xf32, #tpu.memory_space<vmem>>, vector<1x128xf32>
    %add3A_57 = vector.broadcast %get3A_56 : vector<1x128xf32> to vector<400x128xf32>
    %add3A_58 = arith.addf %mul3A_53, %add3A_57 : vector<400x128xf32>
    %max3A_59 = arith.constant 0.000000e+00 : f32
    %max3A_60 = vector.broadcast %max3A_59 : f32 to vector<400x128xf32>
    %max3A_61 = arith.maximumf %add3A_58, %max3A_60 : vector<400x128xf32>
    %get3A_62 = arith.constant 0 : index
    %get3A_63 = arith.constant 0 : index
    %get3A_64 = vector.load %arg8[%get3A_62, %get3A_63] : memref<128x128xf32, #tpu.memory_space<vmem>>, vector<128x128xf32>
    %dot_general3A = arith.constant dense<0.000000e+00> : vector<400x128xf32>
    %dot_general3A_65 = tpu.matmul %max3A_61, %get3A_64, %dot_general3A {dimension_numbers = #tpu.dot_dimension_numbers<[1], [0], [0], [1], [0, 0, 1, 1], [], []>, transpose_lhs_hint = false} : vector<400x128xf32>, vector<128x128xf32>, vector<400x128xf32> -> vector<400x128xf32>
    %mul3A_66 = vector.broadcast %broadcast_in_dim3A : vector<400x1xf32> to vector<400x128xf32>
    %mul3A_67 = arith.mulf %mul3A_66, %dot_general3A_65 : vector<400x128xf32>
    %swap3A_68 = arith.constant 0 : index
    %swap3A_69 = arith.constant 0 : index
    %swap3A_70 = vector.load %arg10[%swap3A_68, %swap3A_69] : memref<400x128xf32, #tpu.memory_space<vmem>>, vector<400x128xf32>
    tpu.vector_store %arg10[%swap3A_68, %swap3A_69], %mul3A_67 {strides = array<i32>} : memref<400x128xf32, #tpu.memory_space<vmem>>, vector<400x128xf32>,
    return
  }
  func.func @transform_0(%arg0: i32) -> (i32, i32, i32) {
    %c0_i32 = arith.constant 0 : i32
    %c0_i32_0 = arith.constant 0 : i32
    %c0_i32_1 = arith.constant 0 : i32
    return %c0_i32, %arg0, %c0_i32_0 : i32, i32, i32
  }
  func.func @transform_1(%arg0: i32) -> (i32, i32, i32) {
    %c0_i32 = arith.constant 0 : i32
    %c0_i32_0 = arith.constant 0 : i32
    %c0_i32_1 = arith.constant 0 : i32
    return %c0_i32, %arg0, %c0_i32_0 : i32, i32, i32
  }
  func.func @transform_2(%arg0: i32) -> (i32, i32, i32) {
    %c0_i32 = arith.constant 0 : i32
    %c0_i32_0 = arith.constant 0 : i32
    %c0_i32_1 = arith.constant 0 : i32
    return %c0_i32, %arg0, %c0_i32_0 : i32, i32, i32
  }
  func.func @transform_3(%arg0: i32) -> (i32, i32) {
    %c0_i32 = arith.constant 0 : i32
    %c0_i32_0 = arith.constant 0 : i32
    return %arg0, %c0_i32 : i32, i32
  }
  func.func @transform_4(%arg0: i32) -> (i32, i32) {
    %c0_i32 = arith.constant 0 : i32
    %c0_i32_0 = arith.constant 0 : i32
    return %arg0, %c0_i32 : i32, i32
  }
  func.func @transform_5(%arg0: i32) -> (i32, i32) {
    %c0_i32 = arith.constant 0 : i32
    %c0_i32_0 = arith.constant 0 : i32
    %c0_i32_1 = arith.constant 0 : i32
    return %c0_i32, %c0_i32_0 : i32, i32
  }
  func.func @transform_6(%arg0: i32) -> (i32, i32) {
    %c0_i32 = arith.constant 0 : i32
    %c0_i32_0 = arith.constant 0 : i32
    %c0_i32_1 = arith.constant 0 : i32
    return %c0_i32, %c0_i32_0 : i32, i32
  }
  func.func @transform_7(%arg0: i32) -> (i32, i32) {
    %c0_i32 = arith.constant 0 : i32
    %c0_i32_0 = arith.constant 0 : i32
    %c0_i32_1 = arith.constant 0 : i32
    return %c0_i32, %c0_i32_0 : i32, i32
  }
  func.func @transform_8(%arg0: i32) -> (i32, i32) {
    %c0_i32 = arith.constant 0 : i32
    %c0_i32_0 = arith.constant 0 : i32
    return %arg0, %c0_i32 : i32, i32
  }
  func.func @transform_9(%arg0: i32) -> (i32, i32) {
    %c0_i32 = arith.constant 0 : i32
    %c0_i32_0 = arith.constant 0 : i32
    return %arg0, %c0_i32 : i32, i32
  }
}

module attributes {stable_mosaic.version = 14 : i64} {
  func.func @tc4_body(%arg0: i32, %arg1: memref<2x400x128xf32, #tpu.memory_space<vmem>>, %arg2: memref<2x400x128xf32, #tpu.memory_space<vmem>>, %arg3: memref<400x128xf32, #tpu.memory_space<vmem>>, %arg4: memref<1x128xf32, #tpu.memory_space<vmem>>, %arg5: memref<400x128xf32, #tpu.memory_space<vmem>>, %arg6: memref<400x128xf32, #tpu.memory_space<vmem>>, %arg7: memref<384x128xf32, #tpu.memory_space<vmem>>, %arg8: memref<400x128xf32, #tpu.memory_space<vmem>>) attributes {dimension_semantics = [#tpu.dimension_semantics<arbitrary>], iteration_bounds = array<i64: 25>, scalar_prefetch = 0 : i64, scratch_operands = 0 : i64, tpu.core_type = #tpu.core_type<tc>, window_params = [{transform_indices = @transform_0, window_bounds = array<i64: 2, 400, 128>}, {transform_indices = @transform_1, window_bounds = array<i64: 2, 400, 128>}, {transform_indices = @transform_2, window_bounds = array<i64: 400, 128>}, {pipeline_mode = #tpu.pipeline_mode<synchronous>, transform_indices = @transform_3, window_bounds = array<i64: 1, 128>}, {transform_indices = @transform_4, window_bounds = array<i64: 400, 128>}, {transform_indices = @transform_5, window_bounds = array<i64: 400, 128>}, {pipeline_mode = #tpu.pipeline_mode<synchronous>, transform_indices = @transform_6, window_bounds = array<i64: 384, 128>}, {transform_indices = @transform_7, window_bounds = array<i64: 400, 128>}]} {
    %get3A = arith.constant 0 : index
    %get3A_0 = arith.constant 0 : index
    %get3A_1 = arith.constant 0 : index
    %get3A_2 = vector.load %arg1[%get3A, %get3A_0, %get3A_1] : memref<2x400x128xf32, #tpu.memory_space<vmem>>, vector<1x400x1xf32>
    %get3A_3 = vector.shape_cast %get3A_2 : vector<1x400x1xf32> to vector<400xf32>
    %add3A = arith.constant 1.000000e+00 : f32
    %add3A_4 = vector.broadcast %add3A : f32 to vector<400xf32>
    %add3A_5 = arith.addf %add3A_4, %get3A_3 : vector<400xf32>
    %get3A_6 = arith.constant 1 : index
    %get3A_7 = arith.constant 0 : index
    %get3A_8 = arith.constant 0 : index
    %get3A_9 = vector.load %arg1[%get3A_6, %get3A_7, %get3A_8] : memref<2x400x128xf32, #tpu.memory_space<vmem>>, vector<1x400x1xf32>
    %get3A_10 = vector.shape_cast %get3A_9 : vector<1x400x1xf32> to vector<400xf32>
    %add3A_11 = arith.addf %add3A_5, %get3A_10 : vector<400xf32>
    %rsqrt3A = math.rsqrt %add3A_11 : vector<400xf32>
    %broadcast_in_dim3A = vector.shape_cast %rsqrt3A : vector<400xf32> to vector<400x1xf32>
    %get3A_12 = arith.constant 0 : index
    %get3A_13 = arith.constant 0 : index
    %get3A_14 = arith.constant 0 : index
    %get3A_15 = vector.load %arg2[%get3A_12, %get3A_13, %get3A_14] : memref<2x400x128xf32, #tpu.memory_space<vmem>>, vector<1x400x128xf32>
    %get3A_16 = vector.shape_cast %get3A_15 : vector<1x400x128xf32> to vector<400x128xf32>
    %get3A_17 = arith.constant 1 : index
    %get3A_18 = arith.constant 0 : index
    %get3A_19 = arith.constant 0 : index
    %get3A_20 = vector.load %arg2[%get3A_17, %get3A_18, %get3A_19] : memref<2x400x128xf32, #tpu.memory_space<vmem>>, vector<1x400x128xf32>
    %get3A_21 = vector.shape_cast %get3A_20 : vector<1x400x128xf32> to vector<400x128xf32>
    %add3A_22 = arith.addf %get3A_16, %get3A_21 : vector<400x128xf32>
    %get3A_23 = arith.constant 0 : index
    %get3A_24 = arith.constant 0 : index
    %get3A_25 = vector.load %arg3[%get3A_23, %get3A_24] : memref<400x128xf32, #tpu.memory_space<vmem>>, vector<400x128xf32>
    %add3A_26 = arith.addf %add3A_22, %get3A_25 : vector<400x128xf32>
    %mul3A = vector.broadcast %broadcast_in_dim3A : vector<400x1xf32> to vector<400x128xf32>
    %mul3A_27 = arith.mulf %mul3A, %add3A_26 : vector<400x128xf32>
    %get3A_28 = arith.constant 0 : index
    %get3A_29 = arith.constant 0 : index
    %get3A_30 = vector.load %arg4[%get3A_28, %get3A_29] : memref<1x128xf32, #tpu.memory_space<vmem>>, vector<1x128xf32>
    %add3A_31 = vector.broadcast %get3A_30 : vector<1x128xf32> to vector<400x128xf32>
    %add3A_32 = arith.addf %mul3A_27, %add3A_31 : vector<400x128xf32>
    %max3A = arith.constant 0.000000e+00 : f32
    %max3A_33 = vector.broadcast %max3A : f32 to vector<400x128xf32>
    %max3A_34 = arith.maximumf %add3A_32, %max3A_33 : vector<400x128xf32>
    %get3A_35 = arith.constant 0 : index
    %get3A_36 = arith.constant 0 : index
    %get3A_37 = vector.load %arg7[%get3A_35, %get3A_36] : memref<384x128xf32, #tpu.memory_space<vmem>>, vector<384x128xf32>
    %get3A_38 = arith.constant 0 : index
    %get3A_39 = arith.constant 0 : index
    %get3A_40 = vector.load %arg5[%get3A_38, %get3A_39] : memref<400x128xf32, #tpu.memory_space<vmem>>, vector<400x128xf32>
    %slice3A = vector.extract_strided_slice %get3A_37 {offsets = [0, 0], sizes = [128, 128], strides = [1, 1]} : vector<384x128xf32> to vector<128x128xf32>
    %dot_general3A = arith.constant dense<0.000000e+00> : vector<400x128xf32>
    %dot_general3A_41 = tpu.matmul %get3A_40, %slice3A, %dot_general3A {dimension_numbers = #tpu.dot_dimension_numbers<[1], [0], [0], [1], [0, 0, 1, 1], [], []>, transpose_lhs_hint = false} : vector<400x128xf32>, vector<128x128xf32>, vector<400x128xf32> -> vector<400x128xf32>
    %get3A_42 = arith.constant 0 : index
    %get3A_43 = arith.constant 0 : index
    %get3A_44 = vector.load %arg6[%get3A_42, %get3A_43] : memref<400x128xf32, #tpu.memory_space<vmem>>, vector<400x128xf32>
    %slice3A_45 = vector.extract_strided_slice %get3A_37 {offsets = [128, 0], sizes = [128, 128], strides = [1, 1]} : vector<384x128xf32> to vector<128x128xf32>
    %dot_general3A_46 = arith.constant dense<0.000000e+00> : vector<400x128xf32>
    %dot_general3A_47 = tpu.matmul %get3A_44, %slice3A_45, %dot_general3A_46 {dimension_numbers = #tpu.dot_dimension_numbers<[1], [0], [0], [1], [0, 0, 1, 1], [], []>, transpose_lhs_hint = false} : vector<400x128xf32>, vector<128x128xf32>, vector<400x128xf32> -> vector<400x128xf32>
    %add3A_48 = arith.addf %dot_general3A_41, %dot_general3A_47 : vector<400x128xf32>
    %slice3A_49 = vector.extract_strided_slice %get3A_37 {offsets = [256, 0], sizes = [128, 128], strides = [1, 1]} : vector<384x128xf32> to vector<128x128xf32>
    %dot_general3A_50 = arith.constant dense<0.000000e+00> : vector<400x128xf32>
    %dot_general3A_51 = tpu.matmul %max3A_34, %slice3A_49, %dot_general3A_50 {dimension_numbers = #tpu.dot_dimension_numbers<[1], [0], [0], [1], [0, 0, 1, 1], [], []>, transpose_lhs_hint = false} : vector<400x128xf32>, vector<128x128xf32>, vector<400x128xf32> -> vector<400x128xf32>
    %add3A_52 = arith.addf %add3A_48, %dot_general3A_51 : vector<400x128xf32>
    %mul3A_53 = vector.broadcast %broadcast_in_dim3A : vector<400x1xf32> to vector<400x128xf32>
    %mul3A_54 = arith.mulf %mul3A_53, %add3A_52 : vector<400x128xf32>
    %swap3A = arith.constant 0 : index
    %swap3A_55 = arith.constant 0 : index
    %swap3A_56 = vector.load %arg8[%swap3A, %swap3A_55] : memref<400x128xf32, #tpu.memory_space<vmem>>, vector<400x128xf32>
    tpu.vector_store %arg8[%swap3A, %swap3A_55], %mul3A_54 {strides = array<i32>} : memref<400x128xf32, #tpu.memory_space<vmem>>, vector<400x128xf32>,
    return
  }
  func.func @transform_0(%arg0: i32) -> (i32, i32, i32) {
    %c0_i32 = arith.constant 0 : i32
    %c0_i32_0 = arith.constant 0 : i32
    %c0_i32_1 = arith.constant 0 : i32
    return %c0_i32, %arg0, %c0_i32_0 : i32, i32, i32
  }
  func.func @transform_1(%arg0: i32) -> (i32, i32, i32) {
    %c0_i32 = arith.constant 0 : i32
    %c0_i32_0 = arith.constant 0 : i32
    %c0_i32_1 = arith.constant 0 : i32
    return %c0_i32, %arg0, %c0_i32_0 : i32, i32, i32
  }
  func.func @transform_2(%arg0: i32) -> (i32, i32) {
    %c0_i32 = arith.constant 0 : i32
    %c0_i32_0 = arith.constant 0 : i32
    return %arg0, %c0_i32 : i32, i32
  }
  func.func @transform_3(%arg0: i32) -> (i32, i32) {
    %c0_i32 = arith.constant 0 : i32
    %c0_i32_0 = arith.constant 0 : i32
    %c0_i32_1 = arith.constant 0 : i32
    return %c0_i32, %c0_i32_0 : i32, i32
  }
  func.func @transform_4(%arg0: i32) -> (i32, i32) {
    %c0_i32 = arith.constant 0 : i32
    %c0_i32_0 = arith.constant 0 : i32
    return %arg0, %c0_i32 : i32, i32
  }
  func.func @transform_5(%arg0: i32) -> (i32, i32) {
    %c0_i32 = arith.constant 0 : i32
    %c0_i32_0 = arith.constant 0 : i32
    return %arg0, %c0_i32 : i32, i32
  }
  func.func @transform_6(%arg0: i32) -> (i32, i32) {
    %c0_i32 = arith.constant 0 : i32
    %c0_i32_0 = arith.constant 0 : i32
    %c0_i32_1 = arith.constant 0 : i32
    return %c0_i32, %c0_i32_0 : i32, i32
  }
  func.func @transform_7(%arg0: i32) -> (i32, i32) {
    %c0_i32 = arith.constant 0 : i32
    %c0_i32_0 = arith.constant 0 : i32
    return %arg0, %c0_i32 : i32, i32
  }
}

module attributes {stable_mosaic.version = 14 : i64} {
  func.func @tc5_body(%arg0: i32, %arg1: memref<2x400x128xf32, #tpu.memory_space<vmem>>, %arg2: memref<2x400x128xf32, #tpu.memory_space<vmem>>, %arg3: memref<400x128xf32, #tpu.memory_space<vmem>>, %arg4: memref<1x128xf32, #tpu.memory_space<vmem>>, %arg5: memref<400x128xf32, #tpu.memory_space<vmem>>) attributes {dimension_semantics = [#tpu.dimension_semantics<arbitrary>], iteration_bounds = array<i64: 25>, scalar_prefetch = 0 : i64, scratch_operands = 0 : i64, tpu.core_type = #tpu.core_type<tc>, window_params = [{transform_indices = @transform_0, window_bounds = array<i64: 2, 400, 128>}, {transform_indices = @transform_1, window_bounds = array<i64: 2, 400, 128>}, {transform_indices = @transform_2, window_bounds = array<i64: 400, 128>}, {pipeline_mode = #tpu.pipeline_mode<synchronous>, transform_indices = @transform_3, window_bounds = array<i64: 1, 128>}, {transform_indices = @transform_4, window_bounds = array<i64: 400, 128>}]} {
    %get3A = arith.constant 0 : index
    %get3A_0 = arith.constant 0 : index
    %get3A_1 = arith.constant 0 : index
    %get3A_2 = vector.load %arg1[%get3A, %get3A_0, %get3A_1] : memref<2x400x128xf32, #tpu.memory_space<vmem>>, vector<1x400x1xf32>
    %get3A_3 = vector.shape_cast %get3A_2 : vector<1x400x1xf32> to vector<400xf32>
    %add3A = arith.constant 1.000000e+00 : f32
    %add3A_4 = vector.broadcast %add3A : f32 to vector<400xf32>
    %add3A_5 = arith.addf %add3A_4, %get3A_3 : vector<400xf32>
    %get3A_6 = arith.constant 1 : index
    %get3A_7 = arith.constant 0 : index
    %get3A_8 = arith.constant 0 : index
    %get3A_9 = vector.load %arg1[%get3A_6, %get3A_7, %get3A_8] : memref<2x400x128xf32, #tpu.memory_space<vmem>>, vector<1x400x1xf32>
    %get3A_10 = vector.shape_cast %get3A_9 : vector<1x400x1xf32> to vector<400xf32>
    %add3A_11 = arith.addf %add3A_5, %get3A_10 : vector<400xf32>
    %rsqrt3A = math.rsqrt %add3A_11 : vector<400xf32>
    %broadcast_in_dim3A = vector.shape_cast %rsqrt3A : vector<400xf32> to vector<400x1xf32>
    %get3A_12 = arith.constant 0 : index
    %get3A_13 = arith.constant 0 : index
    %get3A_14 = arith.constant 0 : index
    %get3A_15 = vector.load %arg2[%get3A_12, %get3A_13, %get3A_14] : memref<2x400x128xf32, #tpu.memory_space<vmem>>, vector<1x400x128xf32>
    %get3A_16 = vector.shape_cast %get3A_15 : vector<1x400x128xf32> to vector<400x128xf32>
    %get3A_17 = arith.constant 1 : index
    %get3A_18 = arith.constant 0 : index
    %get3A_19 = arith.constant 0 : index
    %get3A_20 = vector.load %arg2[%get3A_17, %get3A_18, %get3A_19] : memref<2x400x128xf32, #tpu.memory_space<vmem>>, vector<1x400x128xf32>
    %get3A_21 = vector.shape_cast %get3A_20 : vector<1x400x128xf32> to vector<400x128xf32>
    %add3A_22 = arith.addf %get3A_16, %get3A_21 : vector<400x128xf32>
    %get3A_23 = arith.constant 0 : index
    %get3A_24 = arith.constant 0 : index
    %get3A_25 = vector.load %arg3[%get3A_23, %get3A_24] : memref<400x128xf32, #tpu.memory_space<vmem>>, vector<400x128xf32>
    %add3A_26 = arith.addf %add3A_22, %get3A_25 : vector<400x128xf32>
    %mul3A = vector.broadcast %broadcast_in_dim3A : vector<400x1xf32> to vector<400x128xf32>
    %mul3A_27 = arith.mulf %mul3A, %add3A_26 : vector<400x128xf32>
    %get3A_28 = arith.constant 0 : index
    %get3A_29 = arith.constant 0 : index
    %get3A_30 = vector.load %arg4[%get3A_28, %get3A_29] : memref<1x128xf32, #tpu.memory_space<vmem>>, vector<1x128xf32>
    %add3A_31 = vector.broadcast %get3A_30 : vector<1x128xf32> to vector<400x128xf32>
    %add3A_32 = arith.addf %mul3A_27, %add3A_31 : vector<400x128xf32>
    %swap3A = arith.constant 0 : index
    %swap3A_33 = arith.constant 0 : index
    %swap3A_34 = vector.load %arg5[%swap3A, %swap3A_33] : memref<400x128xf32, #tpu.memory_space<vmem>>, vector<400x128xf32>
    tpu.vector_store %arg5[%swap3A, %swap3A_33], %add3A_32 {strides = array<i32>} : memref<400x128xf32, #tpu.memory_space<vmem>>, vector<400x128xf32>,
    return
  }
  func.func @transform_0(%arg0: i32) -> (i32, i32, i32) {
    %c0_i32 = arith.constant 0 : i32
    %c0_i32_0 = arith.constant 0 : i32
    %c0_i32_1 = arith.constant 0 : i32
    return %c0_i32, %arg0, %c0_i32_0 : i32, i32, i32
  }
  func.func @transform_1(%arg0: i32) -> (i32, i32, i32) {
    %c0_i32 = arith.constant 0 : i32
    %c0_i32_0 = arith.constant 0 : i32
    %c0_i32_1 = arith.constant 0 : i32
    return %c0_i32, %arg0, %c0_i32_0 : i32, i32, i32
  }
  func.func @transform_2(%arg0: i32) -> (i32, i32) {
    %c0_i32 = arith.constant 0 : i32
    %c0_i32_0 = arith.constant 0 : i32
    return %arg0, %c0_i32 : i32, i32
  }
  func.func @transform_3(%arg0: i32) -> (i32, i32) {
    %c0_i32 = arith.constant 0 : i32
    %c0_i32_0 = arith.constant 0 : i32
    %c0_i32_1 = arith.constant 0 : i32
    return %c0_i32, %c0_i32_0 : i32, i32
  }
  func.func @transform_4(%arg0: i32) -> (i32, i32) {
    %c0_i32 = arith.constant 0 : i32
    %c0_i32_0 = arith.constant 0 : i32
    return %arg0, %c0_i32 : i32, i32
  }
}

</mosaic_0001>

<sc_bundles>
// kernel: kernel.15.cloned.1.call-start
scs
__scs_entry_jumppad:
0x0: {  	(pc) =	sbr.rel $0x88, $3  }
0x1: {  	(tag) =	ssettag $0x0;
	lr =	simm.s32 $0x1  }
0x2: {  	[smem:$0x3F91] =	sst lr;
	_ =	strace $0xD0000000  }
0x3: {  	_ = 	snop  }
0x4: {  	_ = 	snop  }
0x5: {  	_ = 	snop  }
0x6: {  	_ = 	snop  }
0x7: {  	_ = 	snop  }
__scs_overlays_trampoline_lowered:
0x8: {  	[smem:$0x3FA0] =	sst s0  }
0x9: {  	[smem:$0x3FA1] =	sst s1  }
0xa: {  	[smem:$0x3FA2] =	sst s2  }
0xb: {  	[smem:$0x3FA3] =	sst s3  }
0xc: {  	[smem:$0x3FA4] =	sst s4  }
0xd: {  	[smem:$0x3FA5] =	sst s5  }
0xe: {  	[smem:$0x3FA6] =	sst s6  }
0xf: {  	[smem:$0x3FA7] =	sst s7  }
0x10: {  	[smem:$0x3FA8] =	sst s8  }
0x11: {  	[smem:$0x3FA9] =	sst s9;
	s0 =	simm.s32 @!p0 $0x0  }
0x12: {  	s1 =	sld [smem:$0x3F8F];
	s0 =	simm.s32 @p0 $0x1  }
0x13: {  	[smem:$0x3FAA] =	sst s0;
	s0 =	simm.s32 @!p1 $0x0  }
0x14: {  	s2 =	sld [smem:$0x3F8E];
	s0 =	simm.s32 @p1 $0x1  }
0x15: {  	[smem:$0x3FAB] =	sst s0;
	s0 =	simm.s32 @!p2 $0x0  }
0x16: {  	s3 =	sld [smem:$0x3FDB];
	s0 =	simm.s32 @p2 $0x1  }
0x17: {  	s4 =	simm.s32 $0x1BF5;
	[smem:$0x3FAD] =	sst s0  }
0x18: {  	s0 =	sld [smem:$0x3F90];
	_ =	swait.ge [sflag:s4], $0x0  }
0x19: {  	s7 =	sld [smem:$0x3F91]  }
0x1a: {  	s8 =	sadd.s32 $0xFFFFE003, lr  }
0x1b: {  	s9 =	sadd.s32 $0xFFFFFEF7, lr;
	s5 =	simm.s32 $0xFFFFFFFF;
	p2 =	slt.u32 s8, $0xFFFFF086  }
0x1c: {  	p1 =	slt.u32 s9, $0xF7A;
	s5 =	simm.s32 @!p2 $0x0  }
0x1d: {  	s5 =	simm.s32 @p1 $0x1;
	p0 =	seq.s32 s7, s2  }
0x1e: {  	s7 =	smul.u32 @!p0 $0xF7A, s2;
	p2 =	seq.s32 @!p0 s5, $0x0  }
0x1f: {  	s9 =	smul.u32 $0xF7A, s1;
	s8 =	simm.s32 @!p0 $0x1BF5;
	p2 =	por !p2, p0  }
0x20: {  	[sflag:s8] =	ssyncset.s32 @!p0 $0xFFFFF086;
	s6 =	sadd.s32 @!p0 s3, s7;
	s7 =	simm.s32 @!p0 $0x108  }
0x21: {  	s3 =	sadd.s32 s3, s9;
	s6 =	sadd.s32 @!p0 $0x88, s6;
	s7 =	simm.s32 @p2 $0x1082  }
0x22: {  	[simem:s7], [sflag:s8] =	dma.local @!p0 [hbm:s6], $0xF7A  }
0x23: {  	s9 =	sor.u32 $0xD0000000, s2;
	s6 =	simm.s32 $0x108;
	_ =	swait.ge @!p0 [sflag:s8], $0x0  }
0x24: {  	s3 =	sadd.s32 $0x88, s3;
	s6 =	simm.s32 @!p1 $0x1082;
	[sflag:s4] =	ssyncset.s32 $0xFFFFF086  }
0x25: {  	[simem:s6], [sflag:s4] =	dma.local [hbm:s3], $0xF7A  }
0x26: {  	[smem:$0x3F91] =	sst s1;
	(tag) =	ssettag s2;
	_ =	strace s9  }
0x27: {  	s1 =	sld [smem:$0x3FA1]  }
0x28: {  	s2 =	sld [smem:$0x3FA2]  }
0x29: {  	s4 =	sld [smem:$0x3FA4]  }
0x2a: {  	p0 =	seq.s32 s5, $0x0;
	s5 =	sld [smem:$0x3FA5]  }
0x2b: {  	s6 =	sld [smem:$0x3FA6]  }
0x2c: {  	s7 =	sld [smem:$0x3FA7]  }
0x2d: {  	s3 =	simm.s32 $0x108;
	s8 =	sld [smem:$0x3FA8]  }
0x2e: {  	s3 =	simm.s32 @!p0 $0x1082;
	s9 =	sld [smem:$0x3FA9]  }
0x2f: {  	lr =	sadd.s32 s0, s3;
	s0 =	sld [smem:$0x3FA0]  }
0x30: {  	s3 =	sld [smem:$0x3FA3]  }
0x31: {  	[smem:$0x3FAC] =	sst s10  }
0x32: {  	s10 =	sld [smem:$0x3FAA];
	_ =	sdelay $0x3  }
0x33: {  	p0 =	seq.s32 s10, $0x1;
	s10 =	sld [smem:$0x3FAC];
	_ =	sdelay $0x3  }
0x34: {  	[smem:$0x3FAC] =	sst s10  }
0x35: {  	s10 =	sld [smem:$0x3FAB];
	_ =	sdelay $0x3  }
0x36: {  	p1 =	seq.s32 s10, $0x1;
	s10 =	sld [smem:$0x3FAC];
	_ =	sdelay $0x3  }
0x37: {  	[smem:$0x3FAC] =	sst s10  }
0x38: {  	s10 =	sld [smem:$0x3FAD]  }
0x39: {  	_ = 	snop;
	(pc) =	sbr.ind lr, $3  }
0x3a: {  	_ = 	snop  }
0x3b: {  	_ = 	snop  }
0x3c: {  	p2 =	seq.s32 s10, $0x1;
	s10 =	sld [smem:$0x3FAC]  }
0x3d: {  	_ =	shalt  }
0x3e: {  	_ =	shalt  }
0x3f: {  	_ =	shalt  }
0x40: {  	_ =	shalt  }
0x41: {  	_ =	shalt  }
0x42: {  	_ =	shalt  }
0x43: {  	_ =	shalt  }
0x44: {  	_ =	shalt  }
0x45: {  	_ =	shalt  }
0x46: {  	_ =	shalt  }
0x47: {  	_ =	shalt  }
0x48: {  	_ =	shalt  }
0x49: {  	_ =	shalt  }
0x4a: {  	_ =	shalt  }
0x4b: {  	_ =	shalt  }
0x4c: {  	_ =	shalt  }
0x4d: {  	_ =	shalt  }
0x4e: {  	_ =	shalt  }
0x4f: {  	_ =	shalt  }
0x50: {  	_ =	shalt  }
0x51: {  	_ =	shalt  }
0x52: {  	_ =	shalt  }
0x53: {  	_ =	shalt  }
0x54: {  	_ =	shalt  }
0x55: {  	_ =	shalt  }
0x56: {  	_ =	shalt  }
0x57: {  	_ =	shalt  }
0x58: {  	_ =	shalt  }
0x59: {  	_ =	shalt  }
0x5a: {  	_ =	shalt  }
0x5b: {  	_ =	shalt  }
0x5c: {  	_ =	shalt  }
0x5d: {  	_ =	shalt  }
0x5e: {  	_ =	shalt  }
0x5f: {  	_ =	shalt  }
0x60: {  	_ =	shalt  }
0x61: {  	_ =	shalt  }
0x62: {  	_ =	shalt  }
0x63: {  	_ =	shalt  }
0x64: {  	_ =	shalt  }
0x65: {  	_ =	shalt  }
0x66: {  	_ =	shalt  }
0x67: {  	_ =	shalt  }
0x68: {  	_ =	shalt  }
0x69: {  	_ =	shalt  }
0x6a: {  	_ =	shalt  }
0x6b: {  	_ =	shalt  }
0x6c: {  	_ =	shalt  }
0x6d: {  	_ =	shalt  }
0x6e: {  	_ =	shalt  }
0x6f: {  	_ =	shalt  }
0x70: {  	_ =	shalt  }
0x71: {  	_ =	shalt  }
0x72: {  	_ =	shalt  }
0x73: {  	_ =	shalt  }
0x74: {  	_ =	shalt  }
0x75: {  	_ =	shalt  }
0x76: {  	_ =	shalt  }
0x77: {  	_ =	shalt  }
0x78: {  	_ =	shalt  }
0x79: {  	_ =	shalt  }
0x7a: {  	_ =	shalt  }
0x7b: {  	_ =	shalt  }
0x7c: {  	_ =	shalt  }
0x7d: {  	_ =	shalt  }
0x7e: {  	_ =	shalt  }
0x7f: {  	_ =	shalt  }
0x80: {  	_ =	shalt  }
0x81: {  	_ =	shalt  }
0x82: {  	_ =	shalt  }
0x83: {  	_ =	shalt  }
0x84: {  	_ =	shalt  }
0x85: {  	_ =	shalt  }
0x86: {  	_ =	shalt  }
0x87: {  	_ =	shalt  }
.Lfunc_end0:
.L_simem_size_0:
called_computation_lowered:
.L_overlay_start_0:
0x88: {  	s2 =	sld [smem:$0x3FD9]  }
0x89: {  	s3 =	sld [smem:$0x3FFE];
	_ =	sdelay $0x1  }
0x8a: {  	s1 =	srdreg.scid  }
0x8b: {  	s0 =	sand.u32 $0x1, s1  }
0x8c: {  	s17 =	sshll.u32 s0, $0xA;
	s2 =	sadd.s32 s3, s2  }
0x8d: {  	s2 =	sadd.s32 s2, s17  }
0x8e: {  	[smem:$0x3FB8] =	sst s2  }
0x8f: {  	_ = 	snop  }
0x90: {  	s2 =	sld [smem:$0x3FD0];
	(tm) =	ssettm $0x1  }
0x91: {  	s18 =	sld [smem:$0x3FFB];
	_ =	sdelay $0x3  }
0x92: {  	_ =	strace s18  }
0x93: {  	s3 =	sld [smem:$0x3FFC];
	_ =	sdelay $0x3  }
0x94: {  	_ =	strace s3  }
0x95: {  	s3 =	sld [smem:$0x3FFD];
	_ =	sdelay $0x3  }
0x96: {  	_ =	strace s3  }
0x97: {  	_ =	strace $0x8FFFFFFF  }
0x98: {  	s19 =	sld [smem:$0x3FDB];
	_ =	sdelay $0x1  }
0x99: {  	s4 =	simm.s32 $_scs_section_size  }
0x9a: {  	s5 =	simm.s32 $_size__tile_overlayer_lowered;
	s6 =	simm.s32 $_tile_overlayer_lowered  }
0x9b: {  	s22 =	simm.s32 $0x1BFF;
	s21 =	sshll.u32 s6, $0x1;
	s3 =	sadd.s32 s4, s19  }
0x9c: {  	s7 =	simm.s32 $0x0;
	s20 =	sshll.u32 s5, $0x1;
	s5 =	sadd.s32 s21, s3  }
0x9d: {  	[timem:s7], [sflag:s22] =	dma.local [hbm:s5], s20  }
0x9e: {  	_ =	swait.ge [sflag:s22], s20  }
0x9f: {  	s4 =	ssub.s32 $0x0, s20;
	[sflag:s22] =	ssyncset.done $0x0  }
0xa0: {  	[sflag:s22] =	ssyncadd.s32 s4;
	_ =	sdelay $0x1  }
0xa1: {  	s23 =	simm.s32 $0x1B8B  }
0xa2: {  	_ =	swait.ge [sflag:s23], $0x1  }
0xa3: {  	[sflag:s23] =	ssyncset.done $0x0  }
0xa4: {  	s25 =	simm.s32 $0x1B8E;
	s24 =	sld [smem:$0x3FFE];
	[sflag:s23] =	ssyncadd.s32 $0xFFFFFFFF  }
0xa5: {  	s26 =	simm.s32 $execute0_lowered;
	[smem:$0x3FD2] =	sst s25  }
0xa6: {  	s5 =	sshll.u32 s26, $0x1;
	_ =	strace $0x80000046;
	[dreg:$0x1] =	wrdreg $0xFFFFFFFF  }
0xa7: {  	s28 =	simm.s32 $_size_execute0_lowered;
	s3 =	sadd.s32 s3, s5;
	[dreg:$0x0] =	wrdreg $0x0  }
0xa8: {  	s5 =	sshll.u32 s28, $0x1;
	[dreg:$0x2] =	wrdreg s3  }
0xa9: {  	[dreg:$0x3] =	wrdreg s5  }
0xaa: {  	[dreg:$0x4] =	wrdreg $0xC0  }
0xab: {  	_ =	task [dreg:s7], $0x5FFFF  }
0xac: {  	[dreg:$0x1] =	wrdreg $0xFFFFFFFF  }
0xad: {  	[dreg:$0x0] =	wrdreg $0x60  }
0xae: {  	[dreg:$0x2] =	wrdreg s24  }
0xaf: {  	[dreg:$0x3] =	wrdreg s2  }
0xb0: {  	[dreg:$0x4] =	wrdreg $0x40800  }
0xb1: {  	[dreg:$0x5] =	wrdreg $0x9  }
0xb2: {  	_ =	task.clear_ibuf [dreg:s7], $0x6FFFF;
	_ =	strace $0x90000046  }
0xb3: {  	s29 =	simm.s32 $0x9;
	_ =	strace $0x80000048  }
0xb4: {  	_ =	swait.ge [sflag:s29], $0x1  }
0xb5: {  	[sflag:s29] =	ssyncadd.s32 $0xFFFFFFFF  }
0xb6: {  	_ =	strace $0x90000048  }
0xb7: {  	_ =	sfence  }
0xb8: {  	s30 =	sld [smem:$0x0];
	_ =	sdelay $0x2  }
0xb9: {  	s31 =	sshll.u32 s1, $0xD;
	s1 =	sshrl.u32 s1, $0x2  }
0xba: {  	s3 =	sand.u32 $0x4000, s31;
	s1 =	sadd.s32 s1, s30  }
0xbb: {  	s0 =	sor.u32 s3, s0;
	s1 =	sshll.u32 s1, $0x11  }
0xbc: {  	s0 =	sor.u32 s1, s0  }
0xbd: {  	s0 =	sadd.s32 $0x8F2B, s0  }
0xbe: {  	[sflag:s0] =	ssyncadd.remote.s32 $0x1  }
0xbf: {  	_ =	sfence.sel $0xFFFF  }
0xc0: {  	[dreg:$0x0] =	wrdreg $0xFFFFFFFF;
	(pc) =	sbr.abs _section_cstart, $3  }
0xc1: {  	[dreg:$0x1] =	wrdreg $0xFFFFFFFF  }
0xc2: {  	_ =	task.clear_ibuf [dreg:s7], $0x2FFFF;
	_ =	strace $0x9FFFFFFF  }
0xc3: {  	(tm) =	ssettm $0x7FFFFFFF  }
tec
execute0_lowered:
.L_overlay_start_1:
0x0: {  	(tag) =	ssettag $0x1  }
0x1: {  	s5 =	rddreg [dreg:$0x0]  }
0x2: {  	s2 =	rddreg [dreg:$0x1]  }
0x3: {  	s3 =	rddreg [dreg:$0x2]  }
0x4: {  	s0 =	rddreg [dreg:$0x3];
	s1 =	stileid.u32  }
0x5: {  	s7 =	srdreg.scid;
	s6 =	smul.u32 $0x9E0, s1  }
0x6: {  	s4 =	simm.s32 $0x0;
	s13 =	simm.s32 $0x0;
	s8 =	smul.u32 $0x13C00, s1  }
0x7: {  	s7 =	sand.u32 $0x1, s7;
	[smem:$0x7FF] =	sst s4;
	s11 =	smul.u32 $0x4F000, s1  }
0x8: {  	s31 =	sshll.u32 s1, $0x6;
	s9 =	smul.u32 $0x13C000, s7;
	_ =	strace $0x80000047  }
0x9: {  	s26 =	ssub.s32 $0x2, s7;
	s30 =	smul.u32 $0x4F0, s7;
	s10 =	sadd.s32 s6, s5  }
0xa: {  	s25 =	sshrl.u32 s8, $0x3;
	s28 =	sshrl.u32 s26, $0x1;
	s29 =	sshrl.u32 s11, $0x2  }
0xb: {  	s11 =	simm.s32 $0x1;
	s8 =	sadd.s32 s8, s9;
	s6 =	sadd.s32 s25, s5  }
0xc: {  	s9 =	ssub.s32 s26, s28;
	s12 =	sadd.s32 s29, s3;
	s8 =	sshrl.u32 s8, $0x3  }
0xd: {  	s10 =	sadd.s32 s30, s10;
	s8 =	sadd.s32 s8, s5;
	s5 =	sadd.s32 $0x11000, s6  }
0xe: {  	s6 =	sor.u32 $0x1C01, s31;
	s7 =	sadd.s32 $0x38800, s8;
	s8 =	smax.u32 s9, $0x1  }
0xf: {  	s9 =	sadd.s32 $0x7200, s10;
	s10 =	sshrl.u32 s12, $0x3;
	s12 =	simm.s32 $0x80  }
.LBB2_1:
0x10: {  	[spmem:s10], [sflag:s6] =	dma.local [hbm:s5], $0x2780  }
0x11: {  	_ =	swait.ge [sflag:s11], $0x2780  }
0x12: {  	[sflag:s11] =	ssyncset.done $0x0  }
0x13: {  	[sflag:s11] =	ssyncadd.s32 $0xFFFFD880  }
0x14: {  	[tilespmem:s12], [sflag:$0x1] =	stream.linear.gather [hbm4b:s2+s4], $0x4000, $0x38;
	[tilespmem:$0x17C80] =	vst v63  }
0x15: {  	_ =	swait.ge [sflag:s11], $0x4000  }
0x16: {  	[sflag:s11] =	ssyncset.done $0x0  }
0x17: {  	[sflag:s11] =	ssyncadd.s32 $0xFFFFC000  }
0x18: {  	s14 =	sadd.s32 $0x0, s9;
	[bflag:$0x0] =	sbarrier.arrive $0xFFFF  }
0x19: {  	[tilespmem:s4], [sflag:$0x1] =	stream.linear.gather [hbm4b:s14+s4], $0x80, $0x38;
	[tilespmem:$0x17C80] =	vst v63  }
0x1a: {  	_ =	swait.ge [sflag:s11], $0x80  }
0x1b: {  	[sflag:s11] =	ssyncset.done $0x0  }
0x1c: {  	[sflag:s11] =	ssyncadd.s32 $0xFFFFFF80  }
0x1d: {  	[spmem:s3] =	stream.indirect.scatter.add.f32 [tilespmem:s12], [sflag:$0x1], $0x80, s4, s12, $0xb8;
	[tilespmem:$0x17C80] =	vst v63  }
0x1e: {  	_ =	swait.ge [sflag:s11], $0x4000  }
0x1f: {  	s15 =	simm.s32 $0x20;
	s14 =	simm.s32 $0x10;
	[sflag:s11] =	ssyncset.done $0x0  }
.LBB2_2:
0x20: {  	s16 =	sadd.s32 s14, s9  }
0x21: {  	[sflag:s11] =	ssyncadd.s32 $0xFFFFC000;
	s14 =	smov.u32 s15;
	s17 =	sadd.s32 $0x10, s15  }
0x22: {  	[tilespmem:s4], [sflag:$0x1] =	stream.linear.gather [hbm4b:s16+s4], $0x80, $0x38;
	[tilespmem:$0x17C80] =	vst v63  }
0x23: {  	p0 =	sne.s32 s15, $0x4E0;
	_ =	swait.ge [sflag:s11], $0x80  }
.Ltmp0:
0x24: {  	[sflag:s11] =	ssyncset.done $0x0;
	(pc) =	sbr.rel @p0 .LBB2_2-.Ltmp0, $4  }
0x25: {  	[sflag:s11] =	ssyncadd.s32 $0xFFFFFF80  }
0x26: {  	[spmem:s3] =	stream.indirect.scatter.add.f32 [tilespmem:s12], [sflag:$0x1], $0x80, s4, s12, $0xb8;
	[tilespmem:$0x17C80] =	vst v63  }
0x27: {  	_ =	swait.ge [sflag:s11], $0x4000  }
0x28: {  	s15 =	smov.u32 s17;
	[sflag:s11] =	ssyncset.done $0x0  }
0x29: {  	s14 =	sadd.s32 s14, s9;
	[sflag:s11] =	ssyncadd.s32 $0xFFFFC000  }
0x2a: {  	[tilespmem:s4], [sflag:$0x1] =	stream.linear.gather [hbm4b:s14+s4], $0x80, $0x38;
	[tilespmem:$0x17C80] =	vst v63  }
0x2b: {  	_ =	swait.ge [sflag:s11], $0x80  }
0x2c: {  	[sflag:s11] =	ssyncset.done $0x0  }
0x2d: {  	[sflag:s11] =	ssyncadd.s32 $0xFFFFFF80  }
0x2e: {  	[spmem:s3] =	stream.indirect.scatter.add.f32 [tilespmem:s12], [sflag:$0x1], $0x80, s4, s12, $0xb8;
	[tilespmem:$0x17C80] =	vst v63  }
0x2f: {  	_ =	swait.ge [sflag:s11], $0x4000  }
0x30: {  	s13 =	sadd.s32 $0x1, s13;
	[sflag:s11] =	ssyncset.done $0x0  }
0x31: {  	p0 =	sne.s32 s13, s8;
	[sflag:s11] =	ssyncadd.s32 $0xFFFFC000  }
.Ltmp1:
0x32: {  	[bflag:$0x0] =	sbarrier.arrive $0xFFFF;
	(pc) =	sbr.rel @p0 .LBB2_1-.Ltmp1, $4  }
0x33: {  	[hbm:s7], [sflag:s6] =	dma.local [spmem:s10], $0x2780  }
0x34: {  	_ =	swait.ge [sflag:s11], $0x2780  }
0x35: {  	[sflag:s11] =	ssyncset.done $0x0  }
0x36: {  	[sflag:s11] =	ssyncadd.s32 $0xFFFFD880  }
0x37: {  	_ =	sfence.sel $0x180000  }
0x38: {  	[bflag:$0x0] =	sbarrier.arrive $0xFFFF  }
0x39: {  	p0 =	sne.s32 s1, $0x0;
	_ =	strace $0x90000047  }
0x3a: {  	s0 =	sadd.s32 @!p0 $0x100000, s0;
	[bflag:$0x2] =	sbarrier.arrive $0xFFFF  }
0x3b: {  	[sflag:s0] =	ssyncadd.tile.s32 @!p0 $0x1;
	_ =	shalt  }
.Lfunc_end2:
_tile_overlayer_lowered:
.L_overlay_start_2:
0x3c: {  	(tag) =	ssettag $0x2  }
0x3d: {  	s0 =	rddreg [dreg:$0x0];
	s2 =	stileid.u32  }
0x3e: {  	s1 =	rddreg [dreg:$0x1];
	p0 =	sne.s32 s2, $0x0  }
0x3f: {  	s3 =	rddreg [dreg:$0x2];
	[bflag:$0x3] =	sbarrier.arrive $0xFFFF;
	s2 =	simm.s32 @!p0 $0x1C01  }
0x40: {  	[timem:s3], [sflag:s2] =	dma.local @!p0 [hbm:s0], s1  }
0x41: {  	s0 =	simm.s32 @!p0 $0x1  }
0x42: {  	_ =	swait.ge @!p0 [sflag:s0], s1  }
0x43: {  	s1 =	ssub.s32 @!p0 $0x0, s1;
	[sflag:s0] =	ssyncset.done @!p0 $0x0  }
0x44: {  	[sflag:s0] =	ssyncadd.s32 @!p0 s1  }
0x45: {  	[bflag:$0x3] =	sbarrier.arrive $0xFFFF  }
0x46: {  	_ =	shalt  }

// kernel: kernel.18.cloned.1.call-start
scs
__scs_entry_jumppad:
0x0: {  	(pc) =	sbr.rel $0x88, $3  }
0x1: {  	(tag) =	ssettag $0x0;
	lr =	simm.s32 $0x1  }
0x2: {  	[smem:$0x3F91] =	sst lr;
	_ =	strace $0xD0000000  }
0x3: {  	_ = 	snop  }
0x4: {  	_ = 	snop  }
0x5: {  	_ = 	snop  }
0x6: {  	_ = 	snop  }
0x7: {  	_ = 	snop  }
__scs_overlays_trampoline_lowered:
0x8: {  	[smem:$0x3FA0] =	sst s0  }
0x9: {  	[smem:$0x3FA1] =	sst s1  }
0xa: {  	[smem:$0x3FA2] =	sst s2  }
0xb: {  	[smem:$0x3FA3] =	sst s3  }
0xc: {  	[smem:$0x3FA4] =	sst s4  }
0xd: {  	[smem:$0x3FA5] =	sst s5  }
0xe: {  	[smem:$0x3FA6] =	sst s6  }
0xf: {  	[smem:$0x3FA7] =	sst s7  }
0x10: {  	[smem:$0x3FA8] =	sst s8  }
0x11: {  	[smem:$0x3FA9] =	sst s9;
	s0 =	simm.s32 @!p0 $0x0  }
0x12: {  	s1 =	sld [smem:$0x3F8F];
	s0 =	simm.s32 @p0 $0x1  }
0x13: {  	[smem:$0x3FAA] =	sst s0;
	s0 =	simm.s32 @!p1 $0x0  }
0x14: {  	s2 =	sld [smem:$0x3F8E];
	s0 =	simm.s32 @p1 $0x1  }
0x15: {  	[smem:$0x3FAB] =	sst s0;
	s0 =	simm.s32 @!p2 $0x0  }
0x16: {  	s3 =	sld [smem:$0x3FDB];
	s0 =	simm.s32 @p2 $0x1  }
0x17: {  	s4 =	simm.s32 $0x1BF5;
	[smem:$0x3FAD] =	sst s0  }
0x18: {  	s0 =	sld [smem:$0x3F90];
	_ =	swait.ge [sflag:s4], $0x0  }
0x19: {  	s7 =	sld [smem:$0x3F91]  }
0x1a: {  	s8 =	sadd.s32 $0xFFFFE003, lr  }
0x1b: {  	s9 =	sadd.s32 $0xFFFFFEF7, lr;
	s5 =	simm.s32 $0xFFFFFFFF;
	p2 =	slt.u32 s8, $0xFFFFF086  }
0x1c: {  	p1 =	slt.u32 s9, $0xF7A;
	s5 =	simm.s32 @!p2 $0x0  }
0x1d: {  	s5 =	simm.s32 @p1 $0x1;
	p0 =	seq.s32 s7, s2  }
0x1e: {  	s7 =	smul.u32 @!p0 $0xF7A, s2;
	p2 =	seq.s32 @!p0 s5, $0x0  }
0x1f: {  	s9 =	smul.u32 $0xF7A, s1;
	s8 =	simm.s32 @!p0 $0x1BF5;
	p2 =	por !p2, p0  }
0x20: {  	[sflag:s8] =	ssyncset.s32 @!p0 $0xFFFFF086;
	s6 =	sadd.s32 @!p0 s3, s7;
	s7 =	simm.s32 @!p0 $0x108  }
0x21: {  	s3 =	sadd.s32 s3, s9;
	s6 =	sadd.s32 @!p0 $0x88, s6;
	s7 =	simm.s32 @p2 $0x1082  }
0x22: {  	[simem:s7], [sflag:s8] =	dma.local @!p0 [hbm:s6], $0xF7A  }
0x23: {  	s9 =	sor.u32 $0xD0000000, s2;
	s6 =	simm.s32 $0x108;
	_ =	swait.ge @!p0 [sflag:s8], $0x0  }
0x24: {  	s3 =	sadd.s32 $0x88, s3;
	s6 =	simm.s32 @!p1 $0x1082;
	[sflag:s4] =	ssyncset.s32 $0xFFFFF086  }
0x25: {  	[simem:s6], [sflag:s4] =	dma.local [hbm:s3], $0xF7A  }
0x26: {  	[smem:$0x3F91] =	sst s1;
	(tag) =	ssettag s2;
	_ =	strace s9  }
0x27: {  	s1 =	sld [smem:$0x3FA1]  }
0x28: {  	s2 =	sld [smem:$0x3FA2]  }
0x29: {  	s4 =	sld [smem:$0x3FA4]  }
0x2a: {  	p0 =	seq.s32 s5, $0x0;
	s5 =	sld [smem:$0x3FA5]  }
0x2b: {  	s6 =	sld [smem:$0x3FA6]  }
0x2c: {  	s7 =	sld [smem:$0x3FA7]  }
0x2d: {  	s3 =	simm.s32 $0x108;
	s8 =	sld [smem:$0x3FA8]  }
0x2e: {  	s3 =	simm.s32 @!p0 $0x1082;
	s9 =	sld [smem:$0x3FA9]  }
0x2f: {  	lr =	sadd.s32 s0, s3;
	s0 =	sld [smem:$0x3FA0]  }
0x30: {  	s3 =	sld [smem:$0x3FA3]  }
0x31: {  	[smem:$0x3FAC] =	sst s10  }
0x32: {  	s10 =	sld [smem:$0x3FAA];
	_ =	sdelay $0x3  }
0x33: {  	p0 =	seq.s32 s10, $0x1;
	s10 =	sld [smem:$0x3FAC];
	_ =	sdelay $0x3  }
0x34: {  	[smem:$0x3FAC] =	sst s10  }
0x35: {  	s10 =	sld [smem:$0x3FAB];
	_ =	sdelay $0x3  }
0x36: {  	p1 =	seq.s32 s10, $0x1;
	s10 =	sld [smem:$0x3FAC];
	_ =	sdelay $0x3  }
0x37: {  	[smem:$0x3FAC] =	sst s10  }
0x38: {  	s10 =	sld [smem:$0x3FAD]  }
0x39: {  	_ = 	snop;
	(pc) =	sbr.ind lr, $3  }
0x3a: {  	_ = 	snop  }
0x3b: {  	_ = 	snop  }
0x3c: {  	p2 =	seq.s32 s10, $0x1;
	s10 =	sld [smem:$0x3FAC]  }
0x3d: {  	_ =	shalt  }
0x3e: {  	_ =	shalt  }
0x3f: {  	_ =	shalt  }
0x40: {  	_ =	shalt  }
0x41: {  	_ =	shalt  }
0x42: {  	_ =	shalt  }
0x43: {  	_ =	shalt  }
0x44: {  	_ =	shalt  }
0x45: {  	_ =	shalt  }
0x46: {  	_ =	shalt  }
0x47: {  	_ =	shalt  }
0x48: {  	_ =	shalt  }
0x49: {  	_ =	shalt  }
0x4a: {  	_ =	shalt  }
0x4b: {  	_ =	shalt  }
0x4c: {  	_ =	shalt  }
0x4d: {  	_ =	shalt  }
0x4e: {  	_ =	shalt  }
0x4f: {  	_ =	shalt  }
0x50: {  	_ =	shalt  }
0x51: {  	_ =	shalt  }
0x52: {  	_ =	shalt  }
0x53: {  	_ =	shalt  }
0x54: {  	_ =	shalt  }
0x55: {  	_ =	shalt  }
0x56: {  	_ =	shalt  }
0x57: {  	_ =	shalt  }
0x58: {  	_ =	shalt  }
0x59: {  	_ =	shalt  }
0x5a: {  	_ =	shalt  }
0x5b: {  	_ =	shalt  }
0x5c: {  	_ =	shalt  }
0x5d: {  	_ =	shalt  }
0x5e: {  	_ =	shalt  }
0x5f: {  	_ =	shalt  }
0x60: {  	_ =	shalt  }
0x61: {  	_ =	shalt  }
0x62: {  	_ =	shalt  }
0x63: {  	_ =	shalt  }
0x64: {  	_ =	shalt  }
0x65: {  	_ =	shalt  }
0x66: {  	_ =	shalt  }
0x67: {  	_ =	shalt  }
0x68: {  	_ =	shalt  }
0x69: {  	_ =	shalt  }
0x6a: {  	_ =	shalt  }
0x6b: {  	_ =	shalt  }
0x6c: {  	_ =	shalt  }
0x6d: {  	_ =	shalt  }
0x6e: {  	_ =	shalt  }
0x6f: {  	_ =	shalt  }
0x70: {  	_ =	shalt  }
0x71: {  	_ =	shalt  }
0x72: {  	_ =	shalt  }
0x73: {  	_ =	shalt  }
0x74: {  	_ =	shalt  }
0x75: {  	_ =	shalt  }
0x76: {  	_ =	shalt  }
0x77: {  	_ =	shalt  }
0x78: {  	_ =	shalt  }
0x79: {  	_ =	shalt  }
0x7a: {  	_ =	shalt  }
0x7b: {  	_ =	shalt  }
0x7c: {  	_ =	shalt  }
0x7d: {  	_ =	shalt  }
0x7e: {  	_ =	shalt  }
0x7f: {  	_ =	shalt  }
0x80: {  	_ =	shalt  }
0x81: {  	_ =	shalt  }
0x82: {  	_ =	shalt  }
0x83: {  	_ =	shalt  }
0x84: {  	_ =	shalt  }
0x85: {  	_ =	shalt  }
0x86: {  	_ =	shalt  }
0x87: {  	_ =	shalt  }
.Lfunc_end0:
.L_simem_size_0:
called_computation.1_lowered:
.L_overlay_start_0:
0x88: {  	s2 =	sld [smem:$0x3FD9]  }
0x89: {  	s3 =	sld [smem:$0x3FFE];
	_ =	sdelay $0x1  }
0x8a: {  	s1 =	srdreg.scid  }
0x8b: {  	s0 =	sand.u32 $0x1, s1  }
0x8c: {  	s17 =	sshll.u32 s0, $0xA;
	s2 =	sadd.s32 s3, s2  }
0x8d: {  	s2 =	sadd.s32 s2, s17  }
0x8e: {  	[smem:$0x3FB8] =	sst s2  }
0x8f: {  	_ = 	snop  }
0x90: {  	s2 =	sld [smem:$0x3FD0];
	(tm) =	ssettm $0x1  }
0x91: {  	s18 =	sld [smem:$0x3FFB];
	_ =	sdelay $0x3  }
0x92: {  	_ =	strace s18  }
0x93: {  	s3 =	sld [smem:$0x3FFC];
	_ =	sdelay $0x3  }
0x94: {  	_ =	strace s3  }
0x95: {  	s3 =	sld [smem:$0x3FFD];
	_ =	sdelay $0x3  }
0x96: {  	_ =	strace s3  }
0x97: {  	_ =	strace $0x8FFFFFFF  }
0x98: {  	s19 =	sld [smem:$0x3FDB];
	_ =	sdelay $0x1  }
0x99: {  	s4 =	simm.s32 $_scs_section_size  }
0x9a: {  	s5 =	simm.s32 $_size__tile_overlayer_lowered;
	s6 =	simm.s32 $_tile_overlayer_lowered  }
0x9b: {  	s22 =	simm.s32 $0x1BFF;
	s21 =	sshll.u32 s6, $0x1;
	s3 =	sadd.s32 s4, s19  }
0x9c: {  	s7 =	simm.s32 $0x0;
	s20 =	sshll.u32 s5, $0x1;
	s5 =	sadd.s32 s21, s3  }
0x9d: {  	[timem:s7], [sflag:s22] =	dma.local [hbm:s5], s20  }
0x9e: {  	_ =	swait.ge [sflag:s22], s20  }
0x9f: {  	s4 =	ssub.s32 $0x0, s20;
	[sflag:s22] =	ssyncset.done $0x0  }
0xa0: {  	[sflag:s22] =	ssyncadd.s32 s4;
	_ =	sdelay $0x1  }
0xa1: {  	s23 =	simm.s32 $0x1B8B  }
0xa2: {  	_ =	swait.ge [sflag:s23], $0x1  }
0xa3: {  	[sflag:s23] =	ssyncset.done $0x0  }
0xa4: {  	s25 =	simm.s32 $0x1B8E;
	s24 =	sld [smem:$0x3FFE];
	[sflag:s23] =	ssyncadd.s32 $0xFFFFFFFF  }
0xa5: {  	s26 =	simm.s32 $execute0_lowered;
	[smem:$0x3FD2] =	sst s25  }
0xa6: {  	s5 =	sshll.u32 s26, $0x1;
	_ =	strace $0x80000049;
	[dreg:$0x1] =	wrdreg $0xFFFFFFFF  }
0xa7: {  	s28 =	simm.s32 $_size_execute0_lowered;
	s3 =	sadd.s32 s3, s5;
	[dreg:$0x0] =	wrdreg $0x0  }
0xa8: {  	s5 =	sshll.u32 s28, $0x1;
	[dreg:$0x2] =	wrdreg s3  }
0xa9: {  	[dreg:$0x3] =	wrdreg s5  }
0xaa: {  	[dreg:$0x4] =	wrdreg $0xC0  }
0xab: {  	_ =	task [dreg:s7], $0x5FFFF  }
0xac: {  	[dreg:$0x1] =	wrdreg $0xFFFFFFFF  }
0xad: {  	[dreg:$0x0] =	wrdreg $0x60  }
0xae: {  	[dreg:$0x2] =	wrdreg s2  }
0xaf: {  	[dreg:$0x3] =	wrdreg s24  }
0xb0: {  	[dreg:$0x4] =	wrdreg $0x41000  }
0xb1: {  	[dreg:$0x5] =	wrdreg $0x9  }
0xb2: {  	_ =	task.clear_ibuf [dreg:s7], $0x6FFFF;
	_ =	strace $0x90000049  }
0xb3: {  	s29 =	simm.s32 $0x9;
	_ =	strace $0x8000004B  }
0xb4: {  	_ =	swait.ge [sflag:s29], $0x1  }
0xb5: {  	[sflag:s29] =	ssyncadd.s32 $0xFFFFFFFF  }
0xb6: {  	_ =	strace $0x9000004B  }
0xb7: {  	_ =	sfence  }
0xb8: {  	s30 =	sld [smem:$0x0];
	_ =	sdelay $0x2  }
0xb9: {  	s31 =	sshll.u32 s1, $0xD;
	s1 =	sshrl.u32 s1, $0x2  }
0xba: {  	s3 =	sand.u32 $0x4000, s31;
	s1 =	sadd.s32 s1, s30  }
0xbb: {  	s0 =	sor.u32 s3, s0;
	s1 =	sshll.u32 s1, $0x11  }
0xbc: {  	s0 =	sor.u32 s1, s0  }
0xbd: {  	s0 =	sadd.s32 $0x8F2B, s0  }
0xbe: {  	[sflag:s0] =	ssyncadd.remote.s32 $0x1  }
0xbf: {  	_ =	sfence.sel $0xFFFF  }
0xc0: {  	[dreg:$0x0] =	wrdreg $0xFFFFFFFF;
	(pc) =	sbr.abs _section_cstart, $3  }
0xc1: {  	[dreg:$0x1] =	wrdreg $0xFFFFFFFF  }
0xc2: {  	_ =	task.clear_ibuf [dreg:s7], $0x2FFFF;
	_ =	strace $0x9FFFFFFF  }
0xc3: {  	(tm) =	ssettm $0x7FFFFFFF  }
tec
execute0_lowered:
.L_overlay_start_1:
0x0: {  	(tag) =	ssettag $0x1  }
0x1: {  	s2 =	rddreg [dreg:$0x0]  }
0x2: {  	s5 =	rddreg [dreg:$0x1]  }
0x3: {  	s3 =	rddreg [dreg:$0x2]  }
0x4: {  	s0 =	rddreg [dreg:$0x3]  }
0x5: {  	s1 =	stileid.u32;
	s7 =	srdreg.scid;
	s4 =	simm.s32 $0x0  }
0x6: {  	s13 =	simm.s32 $0x80;
	s14 =	simm.s32 $0x100;
	s6 =	smul.u32 $0x9E0, s1  }
0x7: {  	s15 =	simm.s32 $0x1;
	s16 =	simm.s32 $0x0;
	s8 =	smul.u32 $0x13C00, s1  }
0x8: {  	s7 =	sand.u32 $0x1, s7;
	[smem:$0x7FF] =	sst s4;
	s11 =	smul.u32 $0x4F000, s1  }
0x9: {  	s31 =	sshll.u32 s1, $0x6;
	s9 =	smul.u32 $0x13C000, s7;
	_ =	strace $0x8000004A  }
0xa: {  	s26 =	ssub.s32 $0x2, s7;
	s30 =	smul.u32 $0x4F0, s7;
	s10 =	sadd.s32 s6, s5  }
0xb: {  	s25 =	sshrl.u32 s8, $0x3;
	s28 =	sshrl.u32 s26, $0x1;
	s29 =	sshrl.u32 s11, $0x2  }
0xc: {  	s8 =	sadd.s32 s8, s9;
	s6 =	sadd.s32 s25, s5;
	s9 =	ssub.s32 s26, s28  }
0xd: {  	s12 =	sadd.s32 s29, s3;
	s10 =	sadd.s32 s30, s10;
	s8 =	sshrl.u32 s8, $0x3  }
0xe: {  	s11 =	sshrl.u32 s12, $0x3;
	s12 =	simm.s32 $0x2;
	s8 =	sadd.s32 s8, s5  }
0xf: {  	s5 =	sadd.s32 $0x11000, s6;
	s6 =	sor.u32 $0x1C02, s31;
	s7 =	sadd.s32 $0xDFA00, s8  }
0x10: {  	s8 =	smax.u32 s9, $0x1;
	s9 =	sadd.s32 $0x7200, s10;
	s10 =	sadd.s32 $0x87800, s10  }
.LBB2_1:
0x11: {  	[spmem:s11], [sflag:s6] =	dma.local [hbm:s5], $0x2780  }
0x12: {  	_ =	swait.ge [sflag:s12], $0x2780  }
0x13: {  	[sflag:s12] =	ssyncset.done $0x0  }
0x14: {  	[sflag:s12] =	ssyncadd.s32 $0xFFFFD880  }
0x15: {  	s17 =	sadd.s32 $0x0, s10;
	[bflag:$0x0] =	sbarrier.arrive $0xFFFF  }
0x16: {  	[tilespmem:s4], [sflag:$0x2] =	stream.linear.gather [hbm4b:s17+s4], $0x80, $0x38;
	[tilespmem:$0x17D00] =	vst v63  }
0x17: {  	_ =	swait.ge [sflag:s12], $0x80  }
0x18: {  	[sflag:s12] =	ssyncset.done $0x0  }
0x19: {  	s31 =	sadd.s32 $0x0, s9;
	[sflag:s12] =	ssyncadd.s32 $0xFFFFFF80  }
0x1a: {  	[tilespmem:s13], [sflag:$0x2] =	stream.linear.gather [hbm4b:s31+s4], $0x80, $0x38;
	[tilespmem:$0x17D00] =	vst v63  }
0x1b: {  	_ =	swait.ge [sflag:s12], $0x80  }
0x1c: {  	[sflag:s12] =	ssyncset.done $0x0  }
0x1d: {  	[sflag:s12] =	ssyncadd.s32 $0xFFFFFF80  }
0x1e: {  	[tilespmem:s14], [sflag:$0x1] =	stream.indirect.gather [hbm4b:s2+s13], $0x80, s4, s13, $0xb8;
	[tilespmem:$0x17D00] =	vst v63  }
0x1f: {  	_ =	swait.ge [sflag:s15], $0x4000  }
0x20: {  	[sflag:s15] =	ssyncset.done $0x0  }
0x21: {  	[sflag:s15] =	ssyncadd.s32 $0xFFFFC000  }
0x22: {  	[spmem:s3] =	stream.indirect.scatter.add.f32 [tilespmem:s14], [sflag:$0x2], $0x80, s13, s13, $0xb8;
	[tilespmem:$0x17D00] =	vst v63  }
0x23: {  	_ =	swait.ge [sflag:s12], $0x4000  }
0x24: {  	s18 =	simm.s32 $0x20;
	s17 =	simm.s32 $0x10;
	[sflag:s12] =	ssyncset.done $0x0  }
.LBB2_2:
0x25: {  	s19 =	sadd.s32 s17, s10  }
0x26: {  	[sflag:s12] =	ssyncadd.s32 $0xFFFFC000;
	s20 =	smov.u32 s18;
	s21 =	sadd.s32 $0x10, s18  }
0x27: {  	[tilespmem:s4], [sflag:$0x2] =	stream.linear.gather [hbm4b:s19+s4], $0x80, $0x38;
	[tilespmem:$0x17D00] =	vst v63  }
0x28: {  	p0 =	sne.s32 s18, $0x4E0;
	_ =	swait.ge [sflag:s12], $0x80  }
0x29: {  	[sflag:s12] =	ssyncset.done $0x0  }
0x2a: {  	s18 =	sadd.s32 s17, s9;
	s17 =	smov.u32 s20;
	[sflag:s12] =	ssyncadd.s32 $0xFFFFFF80  }
0x2b: {  	[tilespmem:s13], [sflag:$0x2] =	stream.linear.gather [hbm4b:s18+s4], $0x80, $0x38;
	[tilespmem:$0x17D00] =	vst v63  }
0x2c: {  	_ =	swait.ge [sflag:s12], $0x80  }
0x2d: {  	[sflag:s12] =	ssyncset.done $0x0  }
0x2e: {  	[sflag:s12] =	ssyncadd.s32 $0xFFFFFF80  }
0x2f: {  	[tilespmem:s14], [sflag:$0x1] =	stream.indirect.gather [hbm4b:s2+s13], $0x80, s4, s13, $0xb8;
	[tilespmem:$0x17D00] =	vst v63  }
0x30: {  	_ =	swait.ge [sflag:s15], $0x4000  }
.Ltmp0:
0x31: {  	[sflag:s15] =	ssyncset.done $0x0;
	(pc) =	sbr.rel @p0 .LBB2_2-.Ltmp0, $4  }
0x32: {  	[sflag:s15] =	ssyncadd.s32 $0xFFFFC000  }
0x33: {  	[spmem:s3] =	stream.indirect.scatter.add.f32 [tilespmem:s14], [sflag:$0x2], $0x80, s13, s13, $0xb8;
	[tilespmem:$0x17D00] =	vst v63  }
0x34: {  	_ =	swait.ge [sflag:s12], $0x4000  }
0x35: {  	s18 =	smov.u32 s21;
	[sflag:s12] =	ssyncset.done $0x0  }
0x36: {  	s18 =	sadd.s32 s17, s10;
	[sflag:s12] =	ssyncadd.s32 $0xFFFFC000  }
0x37: {  	[tilespmem:s4], [sflag:$0x2] =	stream.linear.gather [hbm4b:s18+s4], $0x80, $0x38;
	[tilespmem:$0x17D00] =	vst v63  }
0x38: {  	_ =	swait.ge [sflag:s12], $0x80  }
0x39: {  	[sflag:s12] =	ssyncset.done $0x0  }
0x3a: {  	s31 =	sadd.s32 s17, s9;
	[sflag:s12] =	ssyncadd.s32 $0xFFFFFF80  }
0x3b: {  	[tilespmem:s13], [sflag:$0x2] =	stream.linear.gather [hbm4b:s31+s4], $0x80, $0x38;
	[tilespmem:$0x17D00] =	vst v63  }
0x3c: {  	_ =	swait.ge [sflag:s12], $0x80  }
0x3d: {  	[sflag:s12] =	ssyncset.done $0x0  }
0x3e: {  	[sflag:s12] =	ssyncadd.s32 $0xFFFFFF80  }
0x3f: {  	[tilespmem:s14], [sflag:$0x1] =	stream.indirect.gather [hbm4b:s2+s13], $0x80, s4, s13, $0xb8;
	[tilespmem:$0x17D00] =	vst v63  }
0x40: {  	_ =	swait.ge [sflag:s15], $0x4000  }
0x41: {  	[sflag:s15] =	ssyncset.done $0x0  }
0x42: {  	[sflag:s15] =	ssyncadd.s32 $0xFFFFC000  }
0x43: {  	[spmem:s3] =	stream.indirect.scatter.add.f32 [tilespmem:s14], [sflag:$0x2], $0x80, s13, s13, $0xb8;
	[tilespmem:$0x17D00] =	vst v63  }
0x44: {  	_ =	swait.ge [sflag:s12], $0x4000  }
0x45: {  	s16 =	sadd.s32 $0x1, s16;
	[sflag:s12] =	ssyncset.done $0x0  }
0x46: {  	p0 =	sne.s32 s16, s8;
	[sflag:s12] =	ssyncadd.s32 $0xFFFFC000  }
.Ltmp1:
0x47: {  	[bflag:$0x0] =	sbarrier.arrive $0xFFFF;
	(pc) =	sbr.rel @p0 .LBB2_1-.Ltmp1, $4  }
0x48: {  	[hbm:s7], [sflag:s6] =	dma.local [spmem:s11], $0x2780  }
0x49: {  	_ =	swait.ge [sflag:s12], $0x2780  }
0x4a: {  	[sflag:s12] =	ssyncset.done $0x0  }
0x4b: {  	[sflag:s12] =	ssyncadd.s32 $0xFFFFD880  }
0x4c: {  	_ =	sfence.sel $0x180000  }
0x4d: {  	[bflag:$0x0] =	sbarrier.arrive $0xFFFF  }
0x4e: {  	p0 =	sne.s32 s1, $0x0;
	_ =	strace $0x9000004A  }
0x4f: {  	s0 =	sadd.s32 @!p0 $0x100000, s0;
	[bflag:$0x2] =	sbarrier.arrive $0xFFFF  }
0x50: {  	[sflag:s0] =	ssyncadd.tile.s32 @!p0 $0x1;
	_ =	shalt  }
.Lfunc_end2:
_tile_overlayer_lowered:
.L_overlay_start_2:
0x51: {  	(tag) =	ssettag $0x2  }
0x52: {  	s0 =	rddreg [dreg:$0x0];
	s2 =	stileid.u32  }
0x53: {  	s1 =	rddreg [dreg:$0x1];
	p0 =	sne.s32 s2, $0x0  }
0x54: {  	s3 =	rddreg [dreg:$0x2];
	[bflag:$0x3] =	sbarrier.arrive $0xFFFF;
	s2 =	simm.s32 @!p0 $0x1C02  }
0x55: {  	[timem:s3], [sflag:s2] =	dma.local @!p0 [hbm:s0], s1  }
0x56: {  	s0 =	simm.s32 @!p0 $0x2  }
0x57: {  	_ =	swait.ge @!p0 [sflag:s0], s1  }
0x58: {  	s1 =	ssub.s32 @!p0 $0x0, s1;
	[sflag:s0] =	ssyncset.done @!p0 $0x0  }
0x59: {  	[sflag:s0] =	ssyncadd.s32 @!p0 s1  }
0x5a: {  	[bflag:$0x3] =	sbarrier.arrive $0xFFFF  }
0x5b: {  	_ =	shalt  }

// kernel: kernel.21.cloned.1.call-start
scs
__scs_entry_jumppad:
0x0: {  	(pc) =	sbr.rel $0x88, $3  }
0x1: {  	(tag) =	ssettag $0x0;
	lr =	simm.s32 $0x1  }
0x2: {  	[smem:$0x3F91] =	sst lr;
	_ =	strace $0xD0000000  }
0x3: {  	_ = 	snop  }
0x4: {  	_ = 	snop  }
0x5: {  	_ = 	snop  }
0x6: {  	_ = 	snop  }
0x7: {  	_ = 	snop  }
__scs_overlays_trampoline_lowered:
0x8: {  	[smem:$0x3FA0] =	sst s0  }
0x9: {  	[smem:$0x3FA1] =	sst s1  }
0xa: {  	[smem:$0x3FA2] =	sst s2  }
0xb: {  	[smem:$0x3FA3] =	sst s3  }
0xc: {  	[smem:$0x3FA4] =	sst s4  }
0xd: {  	[smem:$0x3FA5] =	sst s5  }
0xe: {  	[smem:$0x3FA6] =	sst s6  }
0xf: {  	[smem:$0x3FA7] =	sst s7  }
0x10: {  	[smem:$0x3FA8] =	sst s8  }
0x11: {  	[smem:$0x3FA9] =	sst s9;
	s0 =	simm.s32 @!p0 $0x0  }
0x12: {  	s1 =	sld [smem:$0x3F8F];
	s0 =	simm.s32 @p0 $0x1  }
0x13: {  	[smem:$0x3FAA] =	sst s0;
	s0 =	simm.s32 @!p1 $0x0  }
0x14: {  	s2 =	sld [smem:$0x3F8E];
	s0 =	simm.s32 @p1 $0x1  }
0x15: {  	[smem:$0x3FAB] =	sst s0;
	s0 =	simm.s32 @!p2 $0x0  }
0x16: {  	s3 =	sld [smem:$0x3FDB];
	s0 =	simm.s32 @p2 $0x1  }
0x17: {  	s4 =	simm.s32 $0x1BF5;
	[smem:$0x3FAD] =	sst s0  }
0x18: {  	s0 =	sld [smem:$0x3F90];
	_ =	swait.ge [sflag:s4], $0x0  }
0x19: {  	s7 =	sld [smem:$0x3F91]  }
0x1a: {  	s8 =	sadd.s32 $0xFFFFE003, lr  }
0x1b: {  	s9 =	sadd.s32 $0xFFFFFEF7, lr;
	s5 =	simm.s32 $0xFFFFFFFF;
	p2 =	slt.u32 s8, $0xFFFFF086  }
0x1c: {  	p1 =	slt.u32 s9, $0xF7A;
	s5 =	simm.s32 @!p2 $0x0  }
0x1d: {  	s5 =	simm.s32 @p1 $0x1;
	p0 =	seq.s32 s7, s2  }
0x1e: {  	s7 =	smul.u32 @!p0 $0xF7A, s2;
	p2 =	seq.s32 @!p0 s5, $0x0  }
0x1f: {  	s9 =	smul.u32 $0xF7A, s1;
	s8 =	simm.s32 @!p0 $0x1BF5;
	p2 =	por !p2, p0  }
0x20: {  	[sflag:s8] =	ssyncset.s32 @!p0 $0xFFFFF086;
	s6 =	sadd.s32 @!p0 s3, s7;
	s7 =	simm.s32 @!p0 $0x108  }
0x21: {  	s3 =	sadd.s32 s3, s9;
	s6 =	sadd.s32 @!p0 $0x88, s6;
	s7 =	simm.s32 @p2 $0x1082  }
0x22: {  	[simem:s7], [sflag:s8] =	dma.local @!p0 [hbm:s6], $0xF7A  }
0x23: {  	s9 =	sor.u32 $0xD0000000, s2;
	s6 =	simm.s32 $0x108;
	_ =	swait.ge @!p0 [sflag:s8], $0x0  }
0x24: {  	s3 =	sadd.s32 $0x88, s3;
	s6 =	simm.s32 @!p1 $0x1082;
	[sflag:s4] =	ssyncset.s32 $0xFFFFF086  }
0x25: {  	[simem:s6], [sflag:s4] =	dma.local [hbm:s3], $0xF7A  }
0x26: {  	[smem:$0x3F91] =	sst s1;
	(tag) =	ssettag s2;
	_ =	strace s9  }
0x27: {  	s1 =	sld [smem:$0x3FA1]  }
0x28: {  	s2 =	sld [smem:$0x3FA2]  }
0x29: {  	s4 =	sld [smem:$0x3FA4]  }
0x2a: {  	p0 =	seq.s32 s5, $0x0;
	s5 =	sld [smem:$0x3FA5]  }
0x2b: {  	s6 =	sld [smem:$0x3FA6]  }
0x2c: {  	s7 =	sld [smem:$0x3FA7]  }
0x2d: {  	s3 =	simm.s32 $0x108;
	s8 =	sld [smem:$0x3FA8]  }
0x2e: {  	s3 =	simm.s32 @!p0 $0x1082;
	s9 =	sld [smem:$0x3FA9]  }
0x2f: {  	lr =	sadd.s32 s0, s3;
	s0 =	sld [smem:$0x3FA0]  }
0x30: {  	s3 =	sld [smem:$0x3FA3]  }
0x31: {  	[smem:$0x3FAC] =	sst s10  }
0x32: {  	s10 =	sld [smem:$0x3FAA];
	_ =	sdelay $0x3  }
0x33: {  	p0 =	seq.s32 s10, $0x1;
	s10 =	sld [smem:$0x3FAC];
	_ =	sdelay $0x3  }
0x34: {  	[smem:$0x3FAC] =	sst s10  }
0x35: {  	s10 =	sld [smem:$0x3FAB];
	_ =	sdelay $0x3  }
0x36: {  	p1 =	seq.s32 s10, $0x1;
	s10 =	sld [smem:$0x3FAC];
	_ =	sdelay $0x3  }
0x37: {  	[smem:$0x3FAC] =	sst s10  }
0x38: {  	s10 =	sld [smem:$0x3FAD]  }
0x39: {  	_ = 	snop;
	(pc) =	sbr.ind lr, $3  }
0x3a: {  	_ = 	snop  }
0x3b: {  	_ = 	snop  }
0x3c: {  	p2 =	seq.s32 s10, $0x1;
	s10 =	sld [smem:$0x3FAC]  }
0x3d: {  	_ =	shalt  }
0x3e: {  	_ =	shalt  }
0x3f: {  	_ =	shalt  }
0x40: {  	_ =	shalt  }
0x41: {  	_ =	shalt  }
0x42: {  	_ =	shalt  }
0x43: {  	_ =	shalt  }
0x44: {  	_ =	shalt  }
0x45: {  	_ =	shalt  }
0x46: {  	_ =	shalt  }
0x47: {  	_ =	shalt  }
0x48: {  	_ =	shalt  }
0x49: {  	_ =	shalt  }
0x4a: {  	_ =	shalt  }
0x4b: {  	_ =	shalt  }
0x4c: {  	_ =	shalt  }
0x4d: {  	_ =	shalt  }
0x4e: {  	_ =	shalt  }
0x4f: {  	_ =	shalt  }
0x50: {  	_ =	shalt  }
0x51: {  	_ =	shalt  }
0x52: {  	_ =	shalt  }
0x53: {  	_ =	shalt  }
0x54: {  	_ =	shalt  }
0x55: {  	_ =	shalt  }
0x56: {  	_ =	shalt  }
0x57: {  	_ =	shalt  }
0x58: {  	_ =	shalt  }
0x59: {  	_ =	shalt  }
0x5a: {  	_ =	shalt  }
0x5b: {  	_ =	shalt  }
0x5c: {  	_ =	shalt  }
0x5d: {  	_ =	shalt  }
0x5e: {  	_ =	shalt  }
0x5f: {  	_ =	shalt  }
0x60: {  	_ =	shalt  }
0x61: {  	_ =	shalt  }
0x62: {  	_ =	shalt  }
0x63: {  	_ =	shalt  }
0x64: {  	_ =	shalt  }
0x65: {  	_ =	shalt  }
0x66: {  	_ =	shalt  }
0x67: {  	_ =	shalt  }
0x68: {  	_ =	shalt  }
0x69: {  	_ =	shalt  }
0x6a: {  	_ =	shalt  }
0x6b: {  	_ =	shalt  }
0x6c: {  	_ =	shalt  }
0x6d: {  	_ =	shalt  }
0x6e: {  	_ =	shalt  }
0x6f: {  	_ =	shalt  }
0x70: {  	_ =	shalt  }
0x71: {  	_ =	shalt  }
0x72: {  	_ =	shalt  }
0x73: {  	_ =	shalt  }
0x74: {  	_ =	shalt  }
0x75: {  	_ =	shalt  }
0x76: {  	_ =	shalt  }
0x77: {  	_ =	shalt  }
0x78: {  	_ =	shalt  }
0x79: {  	_ =	shalt  }
0x7a: {  	_ =	shalt  }
0x7b: {  	_ =	shalt  }
0x7c: {  	_ =	shalt  }
0x7d: {  	_ =	shalt  }
0x7e: {  	_ =	shalt  }
0x7f: {  	_ =	shalt  }
0x80: {  	_ =	shalt  }
0x81: {  	_ =	shalt  }
0x82: {  	_ =	shalt  }
0x83: {  	_ =	shalt  }
0x84: {  	_ =	shalt  }
0x85: {  	_ =	shalt  }
0x86: {  	_ =	shalt  }
0x87: {  	_ =	shalt  }
.Lfunc_end0:
.L_simem_size_0:
called_computation.2_lowered:
.L_overlay_start_0:
0x88: {  	s2 =	sld [smem:$0x3FD9]  }
0x89: {  	s3 =	sld [smem:$0x3FFE];
	_ =	sdelay $0x1  }
0x8a: {  	s1 =	srdreg.scid  }
0x8b: {  	s0 =	sand.u32 $0x1, s1  }
0x8c: {  	s17 =	sshll.u32 s0, $0xA;
	s2 =	sadd.s32 s3, s2  }
0x8d: {  	s2 =	sadd.s32 s2, s17  }
0x8e: {  	[smem:$0x3FB8] =	sst s2  }
0x8f: {  	_ = 	snop  }
0x90: {  	(tm) =	ssettm $0x1  }
0x91: {  	s18 =	sld [smem:$0x3FFB];
	_ =	sdelay $0x3  }
0x92: {  	_ =	strace s18  }
0x93: {  	s2 =	sld [smem:$0x3FFC];
	_ =	sdelay $0x3  }
0x94: {  	_ =	strace s2  }
0x95: {  	s2 =	sld [smem:$0x3FFD];
	_ =	sdelay $0x3  }
0x96: {  	_ =	strace s2  }
0x97: {  	_ =	strace $0x8FFFFFFF  }
0x98: {  	s19 =	sld [smem:$0x3FDB];
	_ =	sdelay $0x1  }
0x99: {  	s20 =	simm.s32 $_scs_section_size  }
0x9a: {  	s4 =	simm.s32 $_size__tile_overlayer_lowered;
	s5 =	simm.s32 $_tile_overlayer_lowered  }
0x9b: {  	s6 =	simm.s32 $0x1BFF;
	s21 =	sshll.u32 s5, $0x1;
	s3 =	sadd.s32 s20, s19  }
0x9c: {  	s22 =	simm.s32 $0x0;
	s4 =	sshll.u32 s4, $0x1;
	s5 =	sadd.s32 s21, s3  }
0x9d: {  	[timem:s22], [sflag:s6] =	dma.local [hbm:s5], s4  }
0x9e: {  	_ =	swait.ge [sflag:s6], s4  }
0x9f: {  	s4 =	ssub.s32 $0x0, s4;
	[sflag:s6] =	ssyncset.done $0x0  }
0xa0: {  	[sflag:s6] =	ssyncadd.s32 s4;
	_ =	sdelay $0x1  }
0xa1: {  	s23 =	simm.s32 $0x1B8B  }
0xa2: {  	_ =	swait.ge [sflag:s23], $0x1  }
0xa3: {  	[sflag:s23] =	ssyncset.done $0x0  }
0xa4: {  	[sflag:s23] =	ssyncadd.s32 $0xFFFFFFFF  }
0xa5: {  	s4 =	sld [smem:$0x0]  }
0xa6: {  	s5 =	sand.u32 $0xFFFFFFFE, s1  }
0xa7: {  	p0 =	sne.s32 s1, s5  }
0xa8: {  	s5 =	sshll.u32 @p0 s5, $0xE  }
0xa9: {  	s5 =	sadd.s32 @p0 $0x11B8D, s5;
	s6 =	sshll.u32 @p0 s4, $0x11  }
0xaa: {  	s5 =	sor.u32 @p0 s6, s5  }
0xab: {  	[sflag:s5] =	ssyncadd.remote.s32 @p0 $0x1;
	_ =	sdelay $0x1  }
0xac: {  	s5 =	simm.s32 @p0 $0x1B8D  }
0xad: {  	_ =	swait.eq @p0 [sflag:s5], $0x1  }
0xae: {  	[sflag:s5] =	ssyncadd.s32 @p0 $0xFFFFFFFF  }
0xaf: {  	s6 =	sshll.u32 @!p0 s1, $0xE  }
0xb0: {  	s6 =	sor.u32 @!p0 $0x4000, s6;
	s5 =	simm.s32 @!p0 $0x1B8D  }
0xb1: {  	s4 =	sshll.u32 @!p0 s4, $0x11;
	s6 =	sadd.s32 @!p0 $0x11B8D, s6;
	_ =	swait.eq @!p0 [sflag:s5], $0x1  }
0xb2: {  	s4 =	sor.u32 @!p0 s4, s6;
	[sflag:s5] =	ssyncadd.s32 @!p0 $0xFFFFFFFF  }
0xb3: {  	s25 =	simm.s32 $0x1B8E;
	s24 =	sld [smem:$0x3FFE];
	[sflag:s4] =	ssyncadd.remote.s32 @!p0 $0x1  }
0xb4: {  	s26 =	simm.s32 $execute0_lowered;
	[smem:$0x3FD2] =	sst s25  }
0xb5: {  	s5 =	sshll.u32 s26, $0x1;
	_ =	strace $0x8000004C;
	[dreg:$0x1] =	wrdreg $0xFFFFFFFF  }
0xb6: {  	s28 =	simm.s32 $_size_execute0_lowered;
	s3 =	sadd.s32 s3, s5;
	[dreg:$0x0] =	wrdreg $0x0  }
0xb7: {  	s5 =	sshll.u32 s28, $0x1;
	[dreg:$0x2] =	wrdreg s3  }
0xb8: {  	[dreg:$0x3] =	wrdreg s5  }
0xb9: {  	[dreg:$0x4] =	wrdreg $0xC0  }
0xba: {  	_ =	task [dreg:s22], $0x5FFFF  }
0xbb: {  	[dreg:$0x1] =	wrdreg $0xFFFFFFFF  }
0xbc: {  	[dreg:$0x0] =	wrdreg $0x60  }
0xbd: {  	[dreg:$0x2] =	wrdreg s24  }
0xbe: {  	[dreg:$0x3] =	wrdreg $0x41000  }
0xbf: {  	[dreg:$0x4] =	wrdreg $0xA  }
0xc0: {  	_ =	task.clear_ibuf [dreg:s22], $0x5FFFF;
	_ =	strace $0x9000004C  }
0xc1: {  	s29 =	simm.s32 $0xA;
	_ =	strace $0x8000004E  }
0xc2: {  	_ =	swait.ge [sflag:s29], $0x1  }
0xc3: {  	[sflag:s29] =	ssyncadd.s32 $0xFFFFFFFF  }
0xc4: {  	_ =	strace $0x9000004E  }
0xc5: {  	_ =	sfence  }
0xc6: {  	s30 =	sld [smem:$0x0];
	_ =	sdelay $0x2  }
0xc7: {  	s31 =	sshll.u32 s1, $0xD;
	s1 =	sshrl.u32 s1, $0x2  }
0xc8: {  	s4 =	sand.u32 $0x4000, s31;
	s1 =	sadd.s32 s1, s30  }
0xc9: {  	s0 =	sor.u32 s4, s0;
	s1 =	sshll.u32 s1, $0x11  }
0xca: {  	s0 =	sor.u32 s1, s0  }
0xcb: {  	s0 =	sadd.s32 $0x8F2B, s0  }
0xcc: {  	[sflag:s0] =	ssyncadd.remote.s32 $0x1  }
0xcd: {  	_ =	sfence.sel $0xFFFF  }
0xce: {  	[dreg:$0x0] =	wrdreg $0xFFFFFFFF;
	(pc) =	sbr.abs _section_cstart, $3  }
0xcf: {  	[dreg:$0x1] =	wrdreg $0xFFFFFFFF  }
0xd0: {  	_ =	task.clear_ibuf [dreg:s22], $0x2FFFF;
	_ =	strace $0x9FFFFFFF  }
0xd1: {  	(tm) =	ssettm $0x7FFFFFFF  }
tec
execute0_lowered:
.L_overlay_start_1:
0x0: {  	(tag) =	ssettag $0x1  }
0x1: {  	s5 =	rddreg [dreg:$0x0]  }
0x2: {  	s2 =	rddreg [dreg:$0x1]  }
0x3: {  	s0 =	rddreg [dreg:$0x2];
	s1 =	stileid.u32  }
0x4: {  	s4 =	srdreg.scid;
	s3 =	simm.s32 $0x0;
	s12 =	simm.s32 $0x2  }
0x5: {  	s13 =	simm.s32 $0x80;
	s14 =	simm.s32 $0x100;
	s6 =	smul.u32 $0x9E0, s1  }
0x6: {  	s15 =	simm.s32 $0x1;
	s16 =	simm.s32 $0x0;
	s7 =	smul.u32 $0x13C00, s1  }
0x7: {  	s8 =	sand.u32 $0x1, s4;
	[smem:$0x7FF] =	sst s3;
	s11 =	smul.u32 $0x4F000, s1  }
0x8: {  	s4 =	sadd.s32 $0x91600, s5;
	s31 =	sshll.u32 s1, $0x6;
	s9 =	smul.u32 $0x13C000, s8  }
0x9: {  	_ =	strace $0x8000004D;
	s28 =	ssub.s32 $0x2, s8;
	s8 =	smul.u32 $0x4F0, s8  }
0xa: {  	s10 =	sadd.s32 s6, s5;
	s26 =	sshrl.u32 s7, $0x3;
	s29 =	sshrl.u32 s28, $0x1  }
0xb: {  	s30 =	sshrl.u32 s11, $0x2;
	s7 =	sadd.s32 s7, s9;
	s6 =	sadd.s32 s26, s5  }
0xc: {  	s9 =	ssub.s32 s28, s29;
	s11 =	sadd.s32 s30, s2;
	s10 =	sadd.s32 s8, s10  }
0xd: {  	s7 =	sshrl.u32 s7, $0x3;
	s8 =	smax.u32 s9, $0x1;
	s9 =	sadd.s32 $0x7200, s10  }
0xe: {  	s10 =	sadd.s32 $0x87800, s10;
	s11 =	sshrl.u32 s11, $0x3;
	s7 =	sadd.s32 s7, s5  }
0xf: {  	s5 =	sadd.s32 $0x11000, s6;
	s6 =	sor.u32 $0x1C02, s31;
	s7 =	sadd.s32 $0x12EA00, s7  }
.LBB2_1:
0x10: {  	[spmem:s11], [sflag:s6] =	dma.local [hbm:s5], $0x2780  }
0x11: {  	_ =	swait.ge [sflag:s12], $0x2780  }
0x12: {  	[sflag:s12] =	ssyncset.done $0x0  }
0x13: {  	[sflag:s12] =	ssyncadd.s32 $0xFFFFD880  }
0x14: {  	s17 =	sadd.s32 $0x0, s10;
	[bflag:$0x0] =	sbarrier.arrive $0xFFFF  }
0x15: {  	[tilespmem:s3], [sflag:$0x2] =	stream.linear.gather [hbm4b:s17+s3], $0x80, $0x38;
	[tilespmem:$0x17D00] =	vst v63  }
0x16: {  	_ =	swait.ge [sflag:s12], $0x80  }
0x17: {  	[sflag:s12] =	ssyncset.done $0x0  }
0x18: {  	s31 =	sadd.s32 $0x0, s9;
	[sflag:s12] =	ssyncadd.s32 $0xFFFFFF80  }
0x19: {  	[tilespmem:s13], [sflag:$0x2] =	stream.linear.gather [hbm4b:s31+s3], $0x80, $0x38;
	[tilespmem:$0x17D00] =	vst v63  }
0x1a: {  	_ =	swait.ge [sflag:s12], $0x80  }
0x1b: {  	[sflag:s12] =	ssyncset.done $0x0  }
0x1c: {  	[sflag:s12] =	ssyncadd.s32 $0xFFFFFF80  }
0x1d: {  	[tilespmem:s14], [sflag:$0x1] =	stream.indirect.gather [hbm4b:s4+s13], $0x80, s3, s13, $0xb8;
	[tilespmem:$0x17D00] =	vst v63  }
0x1e: {  	_ =	swait.ge [sflag:s15], $0x4000  }
0x1f: {  	[sflag:s15] =	ssyncset.done $0x0  }
0x20: {  	[sflag:s15] =	ssyncadd.s32 $0xFFFFC000  }
0x21: {  	[spmem:s2] =	stream.indirect.scatter.add.f32 [tilespmem:s14], [sflag:$0x2], $0x80, s13, s13, $0xb8;
	[tilespmem:$0x17D00] =	vst v63  }
0x22: {  	_ =	swait.ge [sflag:s12], $0x4000  }
0x23: {  	s18 =	simm.s32 $0x20;
	s17 =	simm.s32 $0x10;
	[sflag:s12] =	ssyncset.done $0x0  }
.LBB2_2:
0x24: {  	s19 =	sadd.s32 s17, s10  }
0x25: {  	[sflag:s12] =	ssyncadd.s32 $0xFFFFC000;
	s20 =	smov.u32 s18;
	s21 =	sadd.s32 $0x10, s18  }
0x26: {  	[tilespmem:s3], [sflag:$0x2] =	stream.linear.gather [hbm4b:s19+s3], $0x80, $0x38;
	[tilespmem:$0x17D00] =	vst v63  }
0x27: {  	p0 =	sne.s32 s18, $0x4E0;
	_ =	swait.ge [sflag:s12], $0x80  }
0x28: {  	[sflag:s12] =	ssyncset.done $0x0  }
0x29: {  	s18 =	sadd.s32 s17, s9;
	s17 =	smov.u32 s20;
	[sflag:s12] =	ssyncadd.s32 $0xFFFFFF80  }
0x2a: {  	[tilespmem:s13], [sflag:$0x2] =	stream.linear.gather [hbm4b:s18+s3], $0x80, $0x38;
	[tilespmem:$0x17D00] =	vst v63  }
0x2b: {  	_ =	swait.ge [sflag:s12], $0x80  }
0x2c: {  	[sflag:s12] =	ssyncset.done $0x0  }
0x2d: {  	[sflag:s12] =	ssyncadd.s32 $0xFFFFFF80  }
0x2e: {  	[tilespmem:s14], [sflag:$0x1] =	stream.indirect.gather [hbm4b:s4+s13], $0x80, s3, s13, $0xb8;
	[tilespmem:$0x17D00] =	vst v63  }
0x2f: {  	_ =	swait.ge [sflag:s15], $0x4000  }
.Ltmp0:
0x30: {  	[sflag:s15] =	ssyncset.done $0x0;
	(pc) =	sbr.rel @p0 .LBB2_2-.Ltmp0, $4  }
0x31: {  	[sflag:s15] =	ssyncadd.s32 $0xFFFFC000  }
0x32: {  	[spmem:s2] =	stream.indirect.scatter.add.f32 [tilespmem:s14], [sflag:$0x2], $0x80, s13, s13, $0xb8;
	[tilespmem:$0x17D00] =	vst v63  }
0x33: {  	_ =	swait.ge [sflag:s12], $0x4000  }
0x34: {  	s18 =	smov.u32 s21;
	[sflag:s12] =	ssyncset.done $0x0  }
0x35: {  	s18 =	sadd.s32 s17, s10;
	[sflag:s12] =	ssyncadd.s32 $0xFFFFC000  }
0x36: {  	[tilespmem:s3], [sflag:$0x2] =	stream.linear.gather [hbm4b:s18+s3], $0x80, $0x38;
	[tilespmem:$0x17D00] =	vst v63  }
0x37: {  	_ =	swait.ge [sflag:s12], $0x80  }
0x38: {  	[sflag:s12] =	ssyncset.done $0x0  }
0x39: {  	s31 =	sadd.s32 s17, s9;
	[sflag:s12] =	ssyncadd.s32 $0xFFFFFF80  }
0x3a: {  	[tilespmem:s13], [sflag:$0x2] =	stream.linear.gather [hbm4b:s31+s3], $0x80, $0x38;
	[tilespmem:$0x17D00] =	vst v63  }
0x3b: {  	_ =	swait.ge [sflag:s12], $0x80  }
0x3c: {  	[sflag:s12] =	ssyncset.done $0x0  }
0x3d: {  	[sflag:s12] =	ssyncadd.s32 $0xFFFFFF80  }
0x3e: {  	[tilespmem:s14], [sflag:$0x1] =	stream.indirect.gather [hbm4b:s4+s13], $0x80, s3, s13, $0xb8;
	[tilespmem:$0x17D00] =	vst v63  }
0x3f: {  	_ =	swait.ge [sflag:s15], $0x4000  }
0x40: {  	[sflag:s15] =	ssyncset.done $0x0  }
0x41: {  	[sflag:s15] =	ssyncadd.s32 $0xFFFFC000  }
0x42: {  	[spmem:s2] =	stream.indirect.scatter.add.f32 [tilespmem:s14], [sflag:$0x2], $0x80, s13, s13, $0xb8;
	[tilespmem:$0x17D00] =	vst v63  }
0x43: {  	_ =	swait.ge [sflag:s12], $0x4000  }
0x44: {  	s16 =	sadd.s32 $0x1, s16;
	[sflag:s12] =	ssyncset.done $0x0  }
0x45: {  	p0 =	sne.s32 s16, s8;
	[sflag:s12] =	ssyncadd.s32 $0xFFFFC000  }
.Ltmp1:
0x46: {  	[bflag:$0x0] =	sbarrier.arrive $0xFFFF;
	(pc) =	sbr.rel @p0 .LBB2_1-.Ltmp1, $4  }
0x47: {  	[hbm:s7], [sflag:s6] =	dma.local [spmem:s11], $0x2780  }
0x48: {  	_ =	swait.ge [sflag:s12], $0x2780  }
0x49: {  	[sflag:s12] =	ssyncset.done $0x0  }
0x4a: {  	[sflag:s12] =	ssyncadd.s32 $0xFFFFD880  }
0x4b: {  	_ =	sfence.sel $0x180000  }
0x4c: {  	[bflag:$0x0] =	sbarrier.arrive $0xFFFF  }
0x4d: {  	p0 =	sne.s32 s1, $0x0;
	_ =	strace $0x9000004D  }
0x4e: {  	s0 =	sadd.s32 @!p0 $0x100000, s0;
	[bflag:$0x2] =	sbarrier.arrive $0xFFFF  }
0x4f: {  	[sflag:s0] =	ssyncadd.tile.s32 @!p0 $0x1;
	_ =	shalt  }
.Lfunc_end2:
_tile_overlayer_lowered:
.L_overlay_start_2:
0x50: {  	(tag) =	ssettag $0x2  }
0x51: {  	s0 =	rddreg [dreg:$0x0];
	s2 =	stileid.u32  }
0x52: {  	s1 =	rddreg [dreg:$0x1];
	p0 =	sne.s32 s2, $0x0  }
0x53: {  	s3 =	rddreg [dreg:$0x2];
	[bflag:$0x3] =	sbarrier.arrive $0xFFFF;
	s2 =	simm.s32 @!p0 $0x1C02  }
0x54: {  	[timem:s3], [sflag:s2] =	dma.local @!p0 [hbm:s0], s1  }
0x55: {  	s0 =	simm.s32 @!p0 $0x2  }
0x56: {  	_ =	swait.ge @!p0 [sflag:s0], s1  }
0x57: {  	s1 =	ssub.s32 @!p0 $0x0, s1;
	[sflag:s0] =	ssyncset.done @!p0 $0x0  }
0x58: {  	[sflag:s0] =	ssyncadd.s32 @!p0 s1  }
0x59: {  	[bflag:$0x3] =	sbarrier.arrive $0xFFFF  }
0x5a: {  	_ =	shalt  }

// kernel: kernel.24.cloned.1.call-start
scs
__scs_entry_jumppad:
0x0: {  	(pc) =	sbr.rel $0x88, $3  }
0x1: {  	(tag) =	ssettag $0x0;
	lr =	simm.s32 $0x1  }
0x2: {  	[smem:$0x3F91] =	sst lr;
	_ =	strace $0xD0000000  }
0x3: {  	_ = 	snop  }
0x4: {  	_ = 	snop  }
0x5: {  	_ = 	snop  }
0x6: {  	_ = 	snop  }
0x7: {  	_ = 	snop  }
__scs_overlays_trampoline_lowered:
0x8: {  	[smem:$0x3FA0] =	sst s0  }
0x9: {  	[smem:$0x3FA1] =	sst s1  }
0xa: {  	[smem:$0x3FA2] =	sst s2  }
0xb: {  	[smem:$0x3FA3] =	sst s3  }
0xc: {  	[smem:$0x3FA4] =	sst s4  }
0xd: {  	[smem:$0x3FA5] =	sst s5  }
0xe: {  	[smem:$0x3FA6] =	sst s6  }
0xf: {  	[smem:$0x3FA7] =	sst s7  }
0x10: {  	[smem:$0x3FA8] =	sst s8  }
0x11: {  	[smem:$0x3FA9] =	sst s9;
	s0 =	simm.s32 @!p0 $0x0  }
0x12: {  	s1 =	sld [smem:$0x3F8F];
	s0 =	simm.s32 @p0 $0x1  }
0x13: {  	[smem:$0x3FAA] =	sst s0;
	s0 =	simm.s32 @!p1 $0x0  }
0x14: {  	s2 =	sld [smem:$0x3F8E];
	s0 =	simm.s32 @p1 $0x1  }
0x15: {  	[smem:$0x3FAB] =	sst s0;
	s0 =	simm.s32 @!p2 $0x0  }
0x16: {  	s3 =	sld [smem:$0x3FDB];
	s0 =	simm.s32 @p2 $0x1  }
0x17: {  	s4 =	simm.s32 $0x1BF5;
	[smem:$0x3FAD] =	sst s0  }
0x18: {  	s0 =	sld [smem:$0x3F90];
	_ =	swait.ge [sflag:s4], $0x0  }
0x19: {  	s7 =	sld [smem:$0x3F91]  }
0x1a: {  	s8 =	sadd.s32 $0xFFFFE003, lr  }
0x1b: {  	s9 =	sadd.s32 $0xFFFFFEF7, lr;
	s5 =	simm.s32 $0xFFFFFFFF;
	p2 =	slt.u32 s8, $0xFFFFF086  }
0x1c: {  	p1 =	slt.u32 s9, $0xF7A;
	s5 =	simm.s32 @!p2 $0x0  }
0x1d: {  	s5 =	simm.s32 @p1 $0x1;
	p0 =	seq.s32 s7, s2  }
0x1e: {  	s7 =	smul.u32 @!p0 $0xF7A, s2;
	p2 =	seq.s32 @!p0 s5, $0x0  }
0x1f: {  	s9 =	smul.u32 $0xF7A, s1;
	s8 =	simm.s32 @!p0 $0x1BF5;
	p2 =	por !p2, p0  }
0x20: {  	[sflag:s8] =	ssyncset.s32 @!p0 $0xFFFFF086;
	s6 =	sadd.s32 @!p0 s3, s7;
	s7 =	simm.s32 @!p0 $0x108  }
0x21: {  	s3 =	sadd.s32 s3, s9;
	s6 =	sadd.s32 @!p0 $0x88, s6;
	s7 =	simm.s32 @p2 $0x1082  }
0x22: {  	[simem:s7], [sflag:s8] =	dma.local @!p0 [hbm:s6], $0xF7A  }
0x23: {  	s9 =	sor.u32 $0xD0000000, s2;
	s6 =	simm.s32 $0x108;
	_ =	swait.ge @!p0 [sflag:s8], $0x0  }
0x24: {  	s3 =	sadd.s32 $0x88, s3;
	s6 =	simm.s32 @!p1 $0x1082;
	[sflag:s4] =	ssyncset.s32 $0xFFFFF086  }
0x25: {  	[simem:s6], [sflag:s4] =	dma.local [hbm:s3], $0xF7A  }
0x26: {  	[smem:$0x3F91] =	sst s1;
	(tag) =	ssettag s2;
	_ =	strace s9  }
0x27: {  	s1 =	sld [smem:$0x3FA1]  }
0x28: {  	s2 =	sld [smem:$0x3FA2]  }
0x29: {  	s4 =	sld [smem:$0x3FA4]  }
0x2a: {  	p0 =	seq.s32 s5, $0x0;
	s5 =	sld [smem:$0x3FA5]  }
0x2b: {  	s6 =	sld [smem:$0x3FA6]  }
0x2c: {  	s7 =	sld [smem:$0x3FA7]  }
0x2d: {  	s3 =	simm.s32 $0x108;
	s8 =	sld [smem:$0x3FA8]  }
0x2e: {  	s3 =	simm.s32 @!p0 $0x1082;
	s9 =	sld [smem:$0x3FA9]  }
0x2f: {  	lr =	sadd.s32 s0, s3;
	s0 =	sld [smem:$0x3FA0]  }
0x30: {  	s3 =	sld [smem:$0x3FA3]  }
0x31: {  	[smem:$0x3FAC] =	sst s10  }
0x32: {  	s10 =	sld [smem:$0x3FAA];
	_ =	sdelay $0x3  }
0x33: {  	p0 =	seq.s32 s10, $0x1;
	s10 =	sld [smem:$0x3FAC];
	_ =	sdelay $0x3  }
0x34: {  	[smem:$0x3FAC] =	sst s10  }
0x35: {  	s10 =	sld [smem:$0x3FAB];
	_ =	sdelay $0x3  }
0x36: {  	p1 =	seq.s32 s10, $0x1;
	s10 =	sld [smem:$0x3FAC];
	_ =	sdelay $0x3  }
0x37: {  	[smem:$0x3FAC] =	sst s10  }
0x38: {  	s10 =	sld [smem:$0x3FAD]  }
0x39: {  	_ = 	snop;
	(pc) =	sbr.ind lr, $3  }
0x3a: {  	_ = 	snop  }
0x3b: {  	_ = 	snop  }
0x3c: {  	p2 =	seq.s32 s10, $0x1;
	s10 =	sld [smem:$0x3FAC]  }
0x3d: {  	_ =	shalt  }
0x3e: {  	_ =	shalt  }
0x3f: {  	_ =	shalt  }
0x40: {  	_ =	shalt  }
0x41: {  	_ =	shalt  }
0x42: {  	_ =	shalt  }
0x43: {  	_ =	shalt  }
0x44: {  	_ =	shalt  }
0x45: {  	_ =	shalt  }
0x46: {  	_ =	shalt  }
0x47: {  	_ =	shalt  }
0x48: {  	_ =	shalt  }
0x49: {  	_ =	shalt  }
0x4a: {  	_ =	shalt  }
0x4b: {  	_ =	shalt  }
0x4c: {  	_ =	shalt  }
0x4d: {  	_ =	shalt  }
0x4e: {  	_ =	shalt  }
0x4f: {  	_ =	shalt  }
0x50: {  	_ =	shalt  }
0x51: {  	_ =	shalt  }
0x52: {  	_ =	shalt  }
0x53: {  	_ =	shalt  }
0x54: {  	_ =	shalt  }
0x55: {  	_ =	shalt  }
0x56: {  	_ =	shalt  }
0x57: {  	_ =	shalt  }
0x58: {  	_ =	shalt  }
0x59: {  	_ =	shalt  }
0x5a: {  	_ =	shalt  }
0x5b: {  	_ =	shalt  }
0x5c: {  	_ =	shalt  }
0x5d: {  	_ =	shalt  }
0x5e: {  	_ =	shalt  }
0x5f: {  	_ =	shalt  }
0x60: {  	_ =	shalt  }
0x61: {  	_ =	shalt  }
0x62: {  	_ =	shalt  }
0x63: {  	_ =	shalt  }
0x64: {  	_ =	shalt  }
0x65: {  	_ =	shalt  }
0x66: {  	_ =	shalt  }
0x67: {  	_ =	shalt  }
0x68: {  	_ =	shalt  }
0x69: {  	_ =	shalt  }
0x6a: {  	_ =	shalt  }
0x6b: {  	_ =	shalt  }
0x6c: {  	_ =	shalt  }
0x6d: {  	_ =	shalt  }
0x6e: {  	_ =	shalt  }
0x6f: {  	_ =	shalt  }
0x70: {  	_ =	shalt  }
0x71: {  	_ =	shalt  }
0x72: {  	_ =	shalt  }
0x73: {  	_ =	shalt  }
0x74: {  	_ =	shalt  }
0x75: {  	_ =	shalt  }
0x76: {  	_ =	shalt  }
0x77: {  	_ =	shalt  }
0x78: {  	_ =	shalt  }
0x79: {  	_ =	shalt  }
0x7a: {  	_ =	shalt  }
0x7b: {  	_ =	shalt  }
0x7c: {  	_ =	shalt  }
0x7d: {  	_ =	shalt  }
0x7e: {  	_ =	shalt  }
0x7f: {  	_ =	shalt  }
0x80: {  	_ =	shalt  }
0x81: {  	_ =	shalt  }
0x82: {  	_ =	shalt  }
0x83: {  	_ =	shalt  }
0x84: {  	_ =	shalt  }
0x85: {  	_ =	shalt  }
0x86: {  	_ =	shalt  }
0x87: {  	_ =	shalt  }
.Lfunc_end0:
.L_simem_size_0:
called_computation.3_lowered:
.L_overlay_start_0:
0x88: {  	s2 =	sld [smem:$0x3FD9]  }
0x89: {  	s3 =	sld [smem:$0x3FFE];
	_ =	sdelay $0x1  }
0x8a: {  	s1 =	srdreg.scid  }
0x8b: {  	s0 =	sand.u32 $0x1, s1  }
0x8c: {  	s17 =	sshll.u32 s0, $0xA;
	s2 =	sadd.s32 s3, s2  }
0x8d: {  	s2 =	sadd.s32 s2, s17  }
0x8e: {  	[smem:$0x3FB8] =	sst s2  }
0x8f: {  	_ = 	snop  }
0x90: {  	(tm) =	ssettm $0x1  }
0x91: {  	s18 =	sld [smem:$0x3FFB];
	_ =	sdelay $0x3  }
0x92: {  	_ =	strace s18  }
0x93: {  	s2 =	sld [smem:$0x3FFC];
	_ =	sdelay $0x3  }
0x94: {  	_ =	strace s2  }
0x95: {  	s2 =	sld [smem:$0x3FFD];
	_ =	sdelay $0x3  }
0x96: {  	_ =	strace s2  }
0x97: {  	_ =	strace $0x8FFFFFFF  }
0x98: {  	s19 =	sld [smem:$0x3FDB];
	_ =	sdelay $0x1  }
0x99: {  	s20 =	simm.s32 $_scs_section_size  }
0x9a: {  	s4 =	simm.s32 $_size__tile_overlayer_lowered;
	s5 =	simm.s32 $_tile_overlayer_lowered  }
0x9b: {  	s6 =	simm.s32 $0x1BFF;
	s21 =	sshll.u32 s5, $0x1;
	s3 =	sadd.s32 s20, s19  }
0x9c: {  	s22 =	simm.s32 $0x0;
	s4 =	sshll.u32 s4, $0x1;
	s5 =	sadd.s32 s21, s3  }
0x9d: {  	[timem:s22], [sflag:s6] =	dma.local [hbm:s5], s4  }
0x9e: {  	_ =	swait.ge [sflag:s6], s4  }
0x9f: {  	s4 =	ssub.s32 $0x0, s4;
	[sflag:s6] =	ssyncset.done $0x0  }
0xa0: {  	[sflag:s6] =	ssyncadd.s32 s4;
	_ =	sdelay $0x1  }
0xa1: {  	s23 =	simm.s32 $0x1B8B  }
0xa2: {  	_ =	swait.ge [sflag:s23], $0x1  }
0xa3: {  	[sflag:s23] =	ssyncset.done $0x0  }
0xa4: {  	[sflag:s23] =	ssyncadd.s32 $0xFFFFFFFF  }
0xa5: {  	s4 =	sld [smem:$0x0]  }
0xa6: {  	s5 =	sand.u32 $0xFFFFFFFE, s1  }
0xa7: {  	p0 =	sne.s32 s1, s5  }
0xa8: {  	s5 =	sshll.u32 @p0 s5, $0xE  }
0xa9: {  	s5 =	sadd.s32 @p0 $0x11B8D, s5;
	s6 =	sshll.u32 @p0 s4, $0x11  }
0xaa: {  	s5 =	sor.u32 @p0 s6, s5  }
0xab: {  	[sflag:s5] =	ssyncadd.remote.s32 @p0 $0x1;
	_ =	sdelay $0x1  }
0xac: {  	s5 =	simm.s32 @p0 $0x1B8D  }
0xad: {  	_ =	swait.eq @p0 [sflag:s5], $0x1  }
0xae: {  	[sflag:s5] =	ssyncadd.s32 @p0 $0xFFFFFFFF  }
0xaf: {  	s6 =	sshll.u32 @!p0 s1, $0xE  }
0xb0: {  	s6 =	sor.u32 @!p0 $0x4000, s6;
	s5 =	simm.s32 @!p0 $0x1B8D  }
0xb1: {  	s4 =	sshll.u32 @!p0 s4, $0x11;
	s6 =	sadd.s32 @!p0 $0x11B8D, s6;
	_ =	swait.eq @!p0 [sflag:s5], $0x1  }
0xb2: {  	s4 =	sor.u32 @!p0 s4, s6;
	[sflag:s5] =	ssyncadd.s32 @!p0 $0xFFFFFFFF  }
0xb3: {  	s25 =	simm.s32 $0x1B8E;
	s24 =	sld [smem:$0x3FFE];
	[sflag:s4] =	ssyncadd.remote.s32 @!p0 $0x1  }
0xb4: {  	s26 =	simm.s32 $execute0_lowered;
	[smem:$0x3FD2] =	sst s25  }
0xb5: {  	s5 =	sshll.u32 s26, $0x1;
	_ =	strace $0x8000004F;
	[dreg:$0x1] =	wrdreg $0xFFFFFFFF  }
0xb6: {  	s28 =	simm.s32 $_size_execute0_lowered;
	s3 =	sadd.s32 s3, s5;
	[dreg:$0x0] =	wrdreg $0x0  }
0xb7: {  	s5 =	sshll.u32 s28, $0x1;
	[dreg:$0x2] =	wrdreg s3  }
0xb8: {  	[dreg:$0x3] =	wrdreg s5  }
0xb9: {  	[dreg:$0x4] =	wrdreg $0xC0  }
0xba: {  	_ =	task [dreg:s22], $0x5FFFF  }
0xbb: {  	[dreg:$0x1] =	wrdreg $0xFFFFFFFF  }
0xbc: {  	[dreg:$0x0] =	wrdreg $0x60  }
0xbd: {  	[dreg:$0x2] =	wrdreg s24  }
0xbe: {  	[dreg:$0x3] =	wrdreg $0x41000  }
0xbf: {  	[dreg:$0x4] =	wrdreg $0xB  }
0xc0: {  	_ =	task.clear_ibuf [dreg:s22], $0x5FFFF;
	_ =	strace $0x9000004F  }
0xc1: {  	s29 =	simm.s32 $0xB;
	_ =	strace $0x80000051  }
0xc2: {  	_ =	swait.ge [sflag:s29], $0x1  }
0xc3: {  	[sflag:s29] =	ssyncadd.s32 $0xFFFFFFFF  }
0xc4: {  	_ =	strace $0x90000051  }
0xc5: {  	_ =	sfence  }
0xc6: {  	s30 =	sld [smem:$0x0];
	_ =	sdelay $0x2  }
0xc7: {  	s31 =	sshll.u32 s1, $0xD;
	s1 =	sshrl.u32 s1, $0x2  }
0xc8: {  	s4 =	sand.u32 $0x4000, s31;
	s1 =	sadd.s32 s1, s30  }
0xc9: {  	s0 =	sor.u32 s4, s0;
	s1 =	sshll.u32 s1, $0x11  }
0xca: {  	s0 =	sor.u32 s1, s0  }
0xcb: {  	s0 =	sadd.s32 $0x8F2B, s0  }
0xcc: {  	[sflag:s0] =	ssyncadd.remote.s32 $0x1  }
0xcd: {  	_ =	sfence.sel $0xFFFF  }
0xce: {  	[dreg:$0x0] =	wrdreg $0xFFFFFFFF;
	(pc) =	sbr.abs _section_cstart, $3  }
0xcf: {  	[dreg:$0x1] =	wrdreg $0xFFFFFFFF  }
0xd0: {  	_ =	task.clear_ibuf [dreg:s22], $0x2FFFF;
	_ =	strace $0x9FFFFFFF  }
0xd1: {  	(tm) =	ssettm $0x7FFFFFFF  }
tec
execute0_lowered:
.L_overlay_start_1:
0x0: {  	(tag) =	ssettag $0x1  }
0x1: {  	s5 =	rddreg [dreg:$0x0]  }
0x2: {  	s2 =	rddreg [dreg:$0x1]  }
0x3: {  	s0 =	rddreg [dreg:$0x2];
	s1 =	stileid.u32  }
0x4: {  	s4 =	srdreg.scid;
	s3 =	simm.s32 $0x0;
	s12 =	simm.s32 $0x2  }
0x5: {  	s13 =	simm.s32 $0x80;
	s14 =	simm.s32 $0x100;
	s6 =	smul.u32 $0x9E0, s1  }
0x6: {  	s15 =	simm.s32 $0x1;
	s16 =	simm.s32 $0x0;
	s7 =	smul.u32 $0x13C00, s1  }
0x7: {  	s8 =	sand.u32 $0x1, s4;
	[smem:$0x7FF] =	sst s3;
	s11 =	smul.u32 $0x4F000, s1  }
0x8: {  	s4 =	sadd.s32 $0xB8800, s5;
	s31 =	sshll.u32 s1, $0x6;
	s9 =	smul.u32 $0x13C000, s8  }
0x9: {  	_ =	strace $0x80000050;
	s28 =	ssub.s32 $0x2, s8;
	s8 =	smul.u32 $0x4F0, s8  }
0xa: {  	s10 =	sadd.s32 s6, s5;
	s26 =	sshrl.u32 s7, $0x3;
	s29 =	sshrl.u32 s28, $0x1  }
0xb: {  	s30 =	sshrl.u32 s11, $0x2;
	s7 =	sadd.s32 s7, s9;
	s6 =	sadd.s32 s26, s5  }
0xc: {  	s9 =	ssub.s32 s28, s29;
	s11 =	sadd.s32 s30, s2;
	s10 =	sadd.s32 s8, s10  }
0xd: {  	s7 =	sshrl.u32 s7, $0x3;
	s8 =	smax.u32 s9, $0x1;
	s9 =	sadd.s32 $0x7200, s10  }
0xe: {  	s10 =	sadd.s32 $0x87800, s10;
	s11 =	sshrl.u32 s11, $0x3;
	s7 =	sadd.s32 s7, s5  }
0xf: {  	s5 =	sadd.s32 $0x11000, s6;
	s6 =	sor.u32 $0x1C02, s31;
	s7 =	sadd.s32 $0x17DA00, s7  }
.LBB2_1:
0x10: {  	[spmem:s11], [sflag:s6] =	dma.local [hbm:s5], $0x2780  }
0x11: {  	_ =	swait.ge [sflag:s12], $0x2780  }
0x12: {  	[sflag:s12] =	ssyncset.done $0x0  }
0x13: {  	[sflag:s12] =	ssyncadd.s32 $0xFFFFD880  }
0x14: {  	s17 =	sadd.s32 $0x0, s10;
	[bflag:$0x0] =	sbarrier.arrive $0xFFFF  }
0x15: {  	[tilespmem:s3], [sflag:$0x2] =	stream.linear.gather [hbm4b:s17+s3], $0x80, $0x38;
	[tilespmem:$0x17D00] =	vst v63  }
0x16: {  	_ =	swait.ge [sflag:s12], $0x80  }
0x17: {  	[sflag:s12] =	ssyncset.done $0x0  }
0x18: {  	s31 =	sadd.s32 $0x0, s9;
	[sflag:s12] =	ssyncadd.s32 $0xFFFFFF80  }
0x19: {  	[tilespmem:s13], [sflag:$0x2] =	stream.linear.gather [hbm4b:s31+s3], $0x80, $0x38;
	[tilespmem:$0x17D00] =	vst v63  }
0x1a: {  	_ =	swait.ge [sflag:s12], $0x80  }
0x1b: {  	[sflag:s12] =	ssyncset.done $0x0  }
0x1c: {  	[sflag:s12] =	ssyncadd.s32 $0xFFFFFF80  }
0x1d: {  	[tilespmem:s14], [sflag:$0x1] =	stream.indirect.gather [hbm4b:s4+s13], $0x80, s3, s13, $0xb8;
	[tilespmem:$0x17D00] =	vst v63  }
0x1e: {  	_ =	swait.ge [sflag:s15], $0x4000  }
0x1f: {  	[sflag:s15] =	ssyncset.done $0x0  }
0x20: {  	[sflag:s15] =	ssyncadd.s32 $0xFFFFC000  }
0x21: {  	[spmem:s2] =	stream.indirect.scatter.add.f32 [tilespmem:s14], [sflag:$0x2], $0x80, s13, s13, $0xb8;
	[tilespmem:$0x17D00] =	vst v63  }
0x22: {  	_ =	swait.ge [sflag:s12], $0x4000  }
0x23: {  	s18 =	simm.s32 $0x20;
	s17 =	simm.s32 $0x10;
	[sflag:s12] =	ssyncset.done $0x0  }
.LBB2_2:
0x24: {  	s19 =	sadd.s32 s17, s10  }
0x25: {  	[sflag:s12] =	ssyncadd.s32 $0xFFFFC000;
	s20 =	smov.u32 s18;
	s21 =	sadd.s32 $0x10, s18  }
0x26: {  	[tilespmem:s3], [sflag:$0x2] =	stream.linear.gather [hbm4b:s19+s3], $0x80, $0x38;
	[tilespmem:$0x17D00] =	vst v63  }
0x27: {  	p0 =	sne.s32 s18, $0x4E0;
	_ =	swait.ge [sflag:s12], $0x80  }
0x28: {  	[sflag:s12] =	ssyncset.done $0x0  }
0x29: {  	s18 =	sadd.s32 s17, s9;
	s17 =	smov.u32 s20;
	[sflag:s12] =	ssyncadd.s32 $0xFFFFFF80  }
0x2a: {  	[tilespmem:s13], [sflag:$0x2] =	stream.linear.gather [hbm4b:s18+s3], $0x80, $0x38;
	[tilespmem:$0x17D00] =	vst v63  }
0x2b: {  	_ =	swait.ge [sflag:s12], $0x80  }
0x2c: {  	[sflag:s12] =	ssyncset.done $0x0  }
0x2d: {  	[sflag:s12] =	ssyncadd.s32 $0xFFFFFF80  }
0x2e: {  	[tilespmem:s14], [sflag:$0x1] =	stream.indirect.gather [hbm4b:s4+s13], $0x80, s3, s13, $0xb8;
	[tilespmem:$0x17D00] =	vst v63  }
0x2f: {  	_ =	swait.ge [sflag:s15], $0x4000  }
.Ltmp0:
0x30: {  	[sflag:s15] =	ssyncset.done $0x0;
	(pc) =	sbr.rel @p0 .LBB2_2-.Ltmp0, $4  }
0x31: {  	[sflag:s15] =	ssyncadd.s32 $0xFFFFC000  }
0x32: {  	[spmem:s2] =	stream.indirect.scatter.add.f32 [tilespmem:s14], [sflag:$0x2], $0x80, s13, s13, $0xb8;
	[tilespmem:$0x17D00] =	vst v63  }
0x33: {  	_ =	swait.ge [sflag:s12], $0x4000  }
0x34: {  	s18 =	smov.u32 s21;
	[sflag:s12] =	ssyncset.done $0x0  }
0x35: {  	s18 =	sadd.s32 s17, s10;
	[sflag:s12] =	ssyncadd.s32 $0xFFFFC000  }
0x36: {  	[tilespmem:s3], [sflag:$0x2] =	stream.linear.gather [hbm4b:s18+s3], $0x80, $0x38;
	[tilespmem:$0x17D00] =	vst v63  }
0x37: {  	_ =	swait.ge [sflag:s12], $0x80  }
0x38: {  	[sflag:s12] =	ssyncset.done $0x0  }
0x39: {  	s31 =	sadd.s32 s17, s9;
	[sflag:s12] =	ssyncadd.s32 $0xFFFFFF80  }
0x3a: {  	[tilespmem:s13], [sflag:$0x2] =	stream.linear.gather [hbm4b:s31+s3], $0x80, $0x38;
	[tilespmem:$0x17D00] =	vst v63  }
0x3b: {  	_ =	swait.ge [sflag:s12], $0x80  }
0x3c: {  	[sflag:s12] =	ssyncset.done $0x0  }
0x3d: {  	[sflag:s12] =	ssyncadd.s32 $0xFFFFFF80  }
0x3e: {  	[tilespmem:s14], [sflag:$0x1] =	stream.indirect.gather [hbm4b:s4+s13], $0x80, s3, s13, $0xb8;
	[tilespmem:$0x17D00] =	vst v63  }
0x3f: {  	_ =	swait.ge [sflag:s15], $0x4000  }
0x40: {  	[sflag:s15] =	ssyncset.done $0x0  }
0x41: {  	[sflag:s15] =	ssyncadd.s32 $0xFFFFC000  }
0x42: {  	[spmem:s2] =	stream.indirect.scatter.add.f32 [tilespmem:s14], [sflag:$0x2], $0x80, s13, s13, $0xb8;
	[tilespmem:$0x17D00] =	vst v63  }
0x43: {  	_ =	swait.ge [sflag:s12], $0x4000  }
0x44: {  	s16 =	sadd.s32 $0x1, s16;
	[sflag:s12] =	ssyncset.done $0x0  }
0x45: {  	p0 =	sne.s32 s16, s8;
	[sflag:s12] =	ssyncadd.s32 $0xFFFFC000  }
.Ltmp1:
0x46: {  	[bflag:$0x0] =	sbarrier.arrive $0xFFFF;
	(pc) =	sbr.rel @p0 .LBB2_1-.Ltmp1, $4  }
0x47: {  	[hbm:s7], [sflag:s6] =	dma.local [spmem:s11], $0x2780  }
0x48: {  	_ =	swait.ge [sflag:s12], $0x2780  }
0x49: {  	[sflag:s12] =	ssyncset.done $0x0  }
0x4a: {  	[sflag:s12] =	ssyncadd.s32 $0xFFFFD880  }
0x4b: {  	_ =	sfence.sel $0x180000  }
0x4c: {  	[bflag:$0x0] =	sbarrier.arrive $0xFFFF  }
0x4d: {  	p0 =	sne.s32 s1, $0x0;
	_ =	strace $0x90000050  }
0x4e: {  	s0 =	sadd.s32 @!p0 $0x100000, s0;
	[bflag:$0x2] =	sbarrier.arrive $0xFFFF  }
0x4f: {  	[sflag:s0] =	ssyncadd.tile.s32 @!p0 $0x1;
	_ =	shalt  }
.Lfunc_end2:
_tile_overlayer_lowered:
.L_overlay_start_2:
0x50: {  	(tag) =	ssettag $0x2  }
0x51: {  	s0 =	rddreg [dreg:$0x0];
	s2 =	stileid.u32  }
0x52: {  	s1 =	rddreg [dreg:$0x1];
	p0 =	sne.s32 s2, $0x0  }
0x53: {  	s3 =	rddreg [dreg:$0x2];
	[bflag:$0x3] =	sbarrier.arrive $0xFFFF;
	s2 =	simm.s32 @!p0 $0x1C02  }
0x54: {  	[timem:s3], [sflag:s2] =	dma.local @!p0 [hbm:s0], s1  }
0x55: {  	s0 =	simm.s32 @!p0 $0x2  }
0x56: {  	_ =	swait.ge @!p0 [sflag:s0], s1  }
0x57: {  	s1 =	ssub.s32 @!p0 $0x0, s1;
	[sflag:s0] =	ssyncset.done @!p0 $0x0  }
0x58: {  	[sflag:s0] =	ssyncadd.s32 @!p0 s1  }
0x59: {  	[bflag:$0x3] =	sbarrier.arrive $0xFFFF  }
0x5a: {  	_ =	shalt  }

// kernel: kernel.27.cloned.1.call-start
scs
__scs_entry_jumppad:
0x0: {  	(pc) =	sbr.rel $0x88, $3  }
0x1: {  	(tag) =	ssettag $0x0;
	lr =	simm.s32 $0x1  }
0x2: {  	[smem:$0x3F91] =	sst lr;
	_ =	strace $0xD0000000  }
0x3: {  	_ = 	snop  }
0x4: {  	_ = 	snop  }
0x5: {  	_ = 	snop  }
0x6: {  	_ = 	snop  }
0x7: {  	_ = 	snop  }
__scs_overlays_trampoline_lowered:
0x8: {  	[smem:$0x3FA0] =	sst s0  }
0x9: {  	[smem:$0x3FA1] =	sst s1  }
0xa: {  	[smem:$0x3FA2] =	sst s2  }
0xb: {  	[smem:$0x3FA3] =	sst s3  }
0xc: {  	[smem:$0x3FA4] =	sst s4  }
0xd: {  	[smem:$0x3FA5] =	sst s5  }
0xe: {  	[smem:$0x3FA6] =	sst s6  }
0xf: {  	[smem:$0x3FA7] =	sst s7  }
0x10: {  	[smem:$0x3FA8] =	sst s8  }
0x11: {  	[smem:$0x3FA9] =	sst s9;
	s0 =	simm.s32 @!p0 $0x0  }
0x12: {  	s1 =	sld [smem:$0x3F8F];
	s0 =	simm.s32 @p0 $0x1  }
0x13: {  	[smem:$0x3FAA] =	sst s0;
	s0 =	simm.s32 @!p1 $0x0  }
0x14: {  	s2 =	sld [smem:$0x3F8E];
	s0 =	simm.s32 @p1 $0x1  }
0x15: {  	[smem:$0x3FAB] =	sst s0;
	s0 =	simm.s32 @!p2 $0x0  }
0x16: {  	s3 =	sld [smem:$0x3FDB];
	s0 =	simm.s32 @p2 $0x1  }
0x17: {  	s4 =	simm.s32 $0x1BF5;
	[smem:$0x3FAD] =	sst s0  }
0x18: {  	s0 =	sld [smem:$0x3F90];
	_ =	swait.ge [sflag:s4], $0x0  }
0x19: {  	s7 =	sld [smem:$0x3F91]  }
0x1a: {  	s8 =	sadd.s32 $0xFFFFE003, lr  }
0x1b: {  	s9 =	sadd.s32 $0xFFFFFEF7, lr;
	s5 =	simm.s32 $0xFFFFFFFF;
	p2 =	slt.u32 s8, $0xFFFFF086  }
0x1c: {  	p1 =	slt.u32 s9, $0xF7A;
	s5 =	simm.s32 @!p2 $0x0  }
0x1d: {  	s5 =	simm.s32 @p1 $0x1;
	p0 =	seq.s32 s7, s2  }
0x1e: {  	s7 =	smul.u32 @!p0 $0xF7A, s2;
	p2 =	seq.s32 @!p0 s5, $0x0  }
0x1f: {  	s9 =	smul.u32 $0xF7A, s1;
	s8 =	simm.s32 @!p0 $0x1BF5;
	p2 =	por !p2, p0  }
0x20: {  	[sflag:s8] =	ssyncset.s32 @!p0 $0xFFFFF086;
	s6 =	sadd.s32 @!p0 s3, s7;
	s7 =	simm.s32 @!p0 $0x108  }
0x21: {  	s3 =	sadd.s32 s3, s9;
	s6 =	sadd.s32 @!p0 $0x88, s6;
	s7 =	simm.s32 @p2 $0x1082  }
0x22: {  	[simem:s7], [sflag:s8] =	dma.local @!p0 [hbm:s6], $0xF7A  }
0x23: {  	s9 =	sor.u32 $0xD0000000, s2;
	s6 =	simm.s32 $0x108;
	_ =	swait.ge @!p0 [sflag:s8], $0x0  }
0x24: {  	s3 =	sadd.s32 $0x88, s3;
	s6 =	simm.s32 @!p1 $0x1082;
	[sflag:s4] =	ssyncset.s32 $0xFFFFF086  }
0x25: {  	[simem:s6], [sflag:s4] =	dma.local [hbm:s3], $0xF7A  }
0x26: {  	[smem:$0x3F91] =	sst s1;
	(tag) =	ssettag s2;
	_ =	strace s9  }
0x27: {  	s1 =	sld [smem:$0x3FA1]  }
0x28: {  	s2 =	sld [smem:$0x3FA2]  }
0x29: {  	s4 =	sld [smem:$0x3FA4]  }
0x2a: {  	p0 =	seq.s32 s5, $0x0;
	s5 =	sld [smem:$0x3FA5]  }
0x2b: {  	s6 =	sld [smem:$0x3FA6]  }
0x2c: {  	s7 =	sld [smem:$0x3FA7]  }
0x2d: {  	s3 =	simm.s32 $0x108;
	s8 =	sld [smem:$0x3FA8]  }
0x2e: {  	s3 =	simm.s32 @!p0 $0x1082;
	s9 =	sld [smem:$0x3FA9]  }
0x2f: {  	lr =	sadd.s32 s0, s3;
	s0 =	sld [smem:$0x3FA0]  }
0x30: {  	s3 =	sld [smem:$0x3FA3]  }
0x31: {  	[smem:$0x3FAC] =	sst s10  }
0x32: {  	s10 =	sld [smem:$0x3FAA];
	_ =	sdelay $0x3  }
0x33: {  	p0 =	seq.s32 s10, $0x1;
	s10 =	sld [smem:$0x3FAC];
	_ =	sdelay $0x3  }
0x34: {  	[smem:$0x3FAC] =	sst s10  }
0x35: {  	s10 =	sld [smem:$0x3FAB];
	_ =	sdelay $0x3  }
0x36: {  	p1 =	seq.s32 s10, $0x1;
	s10 =	sld [smem:$0x3FAC];
	_ =	sdelay $0x3  }
0x37: {  	[smem:$0x3FAC] =	sst s10  }
0x38: {  	s10 =	sld [smem:$0x3FAD]  }
0x39: {  	_ = 	snop;
	(pc) =	sbr.ind lr, $3  }
0x3a: {  	_ = 	snop  }
0x3b: {  	_ = 	snop  }
0x3c: {  	p2 =	seq.s32 s10, $0x1;
	s10 =	sld [smem:$0x3FAC]  }
0x3d: {  	_ =	shalt  }
0x3e: {  	_ =	shalt  }
0x3f: {  	_ =	shalt  }
0x40: {  	_ =	shalt  }
0x41: {  	_ =	shalt  }
0x42: {  	_ =	shalt  }
0x43: {  	_ =	shalt  }
0x44: {  	_ =	shalt  }
0x45: {  	_ =	shalt  }
0x46: {  	_ =	shalt  }
0x47: {  	_ =	shalt  }
0x48: {  	_ =	shalt  }
0x49: {  	_ =	shalt  }
0x4a: {  	_ =	shalt  }
0x4b: {  	_ =	shalt  }
0x4c: {  	_ =	shalt  }
0x4d: {  	_ =	shalt  }
0x4e: {  	_ =	shalt  }
0x4f: {  	_ =	shalt  }
0x50: {  	_ =	shalt  }
0x51: {  	_ =	shalt  }
0x52: {  	_ =	shalt  }
0x53: {  	_ =	shalt  }
0x54: {  	_ =	shalt  }
0x55: {  	_ =	shalt  }
0x56: {  	_ =	shalt  }
0x57: {  	_ =	shalt  }
0x58: {  	_ =	shalt  }
0x59: {  	_ =	shalt  }
0x5a: {  	_ =	shalt  }
0x5b: {  	_ =	shalt  }
0x5c: {  	_ =	shalt  }
0x5d: {  	_ =	shalt  }
0x5e: {  	_ =	shalt  }
0x5f: {  	_ =	shalt  }
0x60: {  	_ =	shalt  }
0x61: {  	_ =	shalt  }
0x62: {  	_ =	shalt  }
0x63: {  	_ =	shalt  }
0x64: {  	_ =	shalt  }
0x65: {  	_ =	shalt  }
0x66: {  	_ =	shalt  }
0x67: {  	_ =	shalt  }
0x68: {  	_ =	shalt  }
0x69: {  	_ =	shalt  }
0x6a: {  	_ =	shalt  }
0x6b: {  	_ =	shalt  }
0x6c: {  	_ =	shalt  }
0x6d: {  	_ =	shalt  }
0x6e: {  	_ =	shalt  }
0x6f: {  	_ =	shalt  }
0x70: {  	_ =	shalt  }
0x71: {  	_ =	shalt  }
0x72: {  	_ =	shalt  }
0x73: {  	_ =	shalt  }
0x74: {  	_ =	shalt  }
0x75: {  	_ =	shalt  }
0x76: {  	_ =	shalt  }
0x77: {  	_ =	shalt  }
0x78: {  	_ =	shalt  }
0x79: {  	_ =	shalt  }
0x7a: {  	_ =	shalt  }
0x7b: {  	_ =	shalt  }
0x7c: {  	_ =	shalt  }
0x7d: {  	_ =	shalt  }
0x7e: {  	_ =	shalt  }
0x7f: {  	_ =	shalt  }
0x80: {  	_ =	shalt  }
0x81: {  	_ =	shalt  }
0x82: {  	_ =	shalt  }
0x83: {  	_ =	shalt  }
0x84: {  	_ =	shalt  }
0x85: {  	_ =	shalt  }
0x86: {  	_ =	shalt  }
0x87: {  	_ =	shalt  }
.Lfunc_end0:
.L_simem_size_0:
called_computation.4_lowered:
.L_overlay_start_0:
0x88: {  	s2 =	sld [smem:$0x3FD9]  }
0x89: {  	s3 =	sld [smem:$0x3FFE];
	_ =	sdelay $0x1  }
0x8a: {  	s1 =	srdreg.scid  }
0x8b: {  	s0 =	sand.u32 $0x1, s1  }
0x8c: {  	s17 =	sshll.u32 s0, $0xA;
	s2 =	sadd.s32 s3, s2  }
0x8d: {  	s2 =	sadd.s32 s2, s17  }
0x8e: {  	[smem:$0x3FB8] =	sst s2  }
0x8f: {  	_ = 	snop  }
0x90: {  	s2 =	sld [smem:$0x3FD0];
	(tm) =	ssettm $0x1  }
0x91: {  	s18 =	sld [smem:$0x3FFB];
	_ =	sdelay $0x3  }
0x92: {  	_ =	strace s18  }
0x93: {  	s3 =	sld [smem:$0x3FFC];
	_ =	sdelay $0x3  }
0x94: {  	_ =	strace s3  }
0x95: {  	s3 =	sld [smem:$0x3FFD];
	_ =	sdelay $0x3  }
0x96: {  	_ =	strace s3  }
0x97: {  	_ =	strace $0x8FFFFFFF  }
0x98: {  	s19 =	sld [smem:$0x3FDB];
	_ =	sdelay $0x1  }
0x99: {  	s4 =	simm.s32 $_scs_section_size  }
0x9a: {  	s5 =	simm.s32 $_size__tile_overlayer_lowered;
	s6 =	simm.s32 $_tile_overlayer_lowered  }
0x9b: {  	s22 =	simm.s32 $0x1BFF;
	s21 =	sshll.u32 s6, $0x1;
	s3 =	sadd.s32 s4, s19  }
0x9c: {  	s7 =	simm.s32 $0x0;
	s20 =	sshll.u32 s5, $0x1;
	s5 =	sadd.s32 s21, s3  }
0x9d: {  	[timem:s7], [sflag:s22] =	dma.local [hbm:s5], s20  }
0x9e: {  	_ =	swait.ge [sflag:s22], s20  }
0x9f: {  	s4 =	ssub.s32 $0x0, s20;
	[sflag:s22] =	ssyncset.done $0x0  }
0xa0: {  	[sflag:s22] =	ssyncadd.s32 s4;
	_ =	sdelay $0x1  }
0xa1: {  	s23 =	simm.s32 $0x1B8B  }
0xa2: {  	_ =	swait.ge [sflag:s23], $0x1  }
0xa3: {  	[sflag:s23] =	ssyncset.done $0x0  }
0xa4: {  	s25 =	simm.s32 $0x1B8E;
	s24 =	sld [smem:$0x3FFE];
	[sflag:s23] =	ssyncadd.s32 $0xFFFFFFFF  }
0xa5: {  	s26 =	simm.s32 $execute0_lowered;
	[smem:$0x3FD2] =	sst s25  }
0xa6: {  	s5 =	sshll.u32 s26, $0x1;
	_ =	strace $0x80000052;
	[dreg:$0x1] =	wrdreg $0xFFFFFFFF  }
0xa7: {  	s28 =	simm.s32 $_size_execute0_lowered;
	s3 =	sadd.s32 s3, s5;
	[dreg:$0x0] =	wrdreg $0x0  }
0xa8: {  	s5 =	sshll.u32 s28, $0x1;
	[dreg:$0x2] =	wrdreg s3  }
0xa9: {  	[dreg:$0x3] =	wrdreg s5  }
0xaa: {  	[dreg:$0x4] =	wrdreg $0xC0  }
0xab: {  	_ =	task [dreg:s7], $0x5FFFF  }
0xac: {  	[dreg:$0x1] =	wrdreg $0xFFFFFFFF  }
0xad: {  	[dreg:$0x0] =	wrdreg $0x60  }
0xae: {  	[dreg:$0x2] =	wrdreg s2  }
0xaf: {  	[dreg:$0x3] =	wrdreg s24  }
0xb0: {  	[dreg:$0x4] =	wrdreg $0x41000  }
0xb1: {  	[dreg:$0x5] =	wrdreg $0x9  }
0xb2: {  	_ =	task.clear_ibuf [dreg:s7], $0x6FFFF;
	_ =	strace $0x90000052  }
0xb3: {  	s29 =	simm.s32 $0x9;
	_ =	strace $0x80000054  }
0xb4: {  	_ =	swait.ge [sflag:s29], $0x1  }
0xb5: {  	[sflag:s29] =	ssyncadd.s32 $0xFFFFFFFF  }
0xb6: {  	_ =	strace $0x90000054  }
0xb7: {  	_ =	sfence  }
0xb8: {  	s30 =	sld [smem:$0x0];
	_ =	sdelay $0x2  }
0xb9: {  	s31 =	sshll.u32 s1, $0xD;
	s1 =	sshrl.u32 s1, $0x2  }
0xba: {  	s3 =	sand.u32 $0x4000, s31;
	s1 =	sadd.s32 s1, s30  }
0xbb: {  	s0 =	sor.u32 s3, s0;
	s1 =	sshll.u32 s1, $0x11  }
0xbc: {  	s0 =	sor.u32 s1, s0  }
0xbd: {  	s0 =	sadd.s32 $0x8F2B, s0  }
0xbe: {  	[sflag:s0] =	ssyncadd.remote.s32 $0x1  }
0xbf: {  	_ =	sfence.sel $0xFFFF  }
0xc0: {  	[dreg:$0x0] =	wrdreg $0xFFFFFFFF;
	(pc) =	sbr.abs _section_cstart, $3  }
0xc1: {  	[dreg:$0x1] =	wrdreg $0xFFFFFFFF  }
0xc2: {  	_ =	task.clear_ibuf [dreg:s7], $0x2FFFF;
	_ =	strace $0x9FFFFFFF  }
0xc3: {  	(tm) =	ssettm $0x7FFFFFFF  }
tec
execute0_lowered:
.L_overlay_start_1:
0x0: {  	(tag) =	ssettag $0x1  }
0x1: {  	s2 =	rddreg [dreg:$0x0]  }
0x2: {  	s5 =	rddreg [dreg:$0x1]  }
0x3: {  	s3 =	rddreg [dreg:$0x2]  }
0x4: {  	s0 =	rddreg [dreg:$0x3]  }
0x5: {  	s1 =	stileid.u32;
	s7 =	srdreg.scid;
	s4 =	simm.s32 $0x0  }
0x6: {  	s13 =	simm.s32 $0x80;
	s14 =	simm.s32 $0x100;
	s6 =	smul.u32 $0x9E0, s1  }
0x7: {  	s15 =	simm.s32 $0x1;
	s16 =	simm.s32 $0x0;
	s8 =	smul.u32 $0x13C00, s1  }
0x8: {  	s7 =	sand.u32 $0x1, s7;
	[smem:$0x7FF] =	sst s4;
	s11 =	smul.u32 $0x4F000, s1  }
0x9: {  	s31 =	sshll.u32 s1, $0x6;
	s9 =	smul.u32 $0x13C000, s7;
	_ =	strace $0x80000053  }
0xa: {  	s26 =	ssub.s32 $0x2, s7;
	s30 =	smul.u32 $0x4F0, s7;
	s10 =	sadd.s32 s6, s5  }
0xb: {  	s25 =	sshrl.u32 s8, $0x3;
	s28 =	sshrl.u32 s26, $0x1;
	s29 =	sshrl.u32 s11, $0x2  }
0xc: {  	s8 =	sadd.s32 s8, s9;
	s6 =	sadd.s32 s25, s5;
	s9 =	ssub.s32 s26, s28  }
0xd: {  	s12 =	sadd.s32 s29, s3;
	s10 =	sadd.s32 s30, s10;
	s8 =	sshrl.u32 s8, $0x3  }
0xe: {  	s11 =	sshrl.u32 s12, $0x3;
	s12 =	simm.s32 $0x2;
	s8 =	sadd.s32 s8, s5  }
0xf: {  	s5 =	sadd.s32 $0x11000, s6;
	s6 =	sor.u32 $0x1C02, s31;
	s7 =	sadd.s32 $0xB8800, s8  }
0x10: {  	s8 =	smax.u32 s9, $0x1;
	s9 =	sadd.s32 $0x7200, s10;
	s10 =	sadd.s32 $0x87800, s10  }
.LBB2_1:
0x11: {  	[spmem:s11], [sflag:s6] =	dma.local [hbm:s5], $0x2780  }
0x12: {  	_ =	swait.ge [sflag:s12], $0x2780  }
0x13: {  	[sflag:s12] =	ssyncset.done $0x0  }
0x14: {  	[sflag:s12] =	ssyncadd.s32 $0xFFFFD880  }
0x15: {  	s17 =	sadd.s32 $0x0, s10;
	[bflag:$0x0] =	sbarrier.arrive $0xFFFF  }
0x16: {  	[tilespmem:s4], [sflag:$0x2] =	stream.linear.gather [hbm4b:s17+s4], $0x80, $0x38;
	[tilespmem:$0x17D00] =	vst v63  }
0x17: {  	_ =	swait.ge [sflag:s12], $0x80  }
0x18: {  	[sflag:s12] =	ssyncset.done $0x0  }
0x19: {  	s31 =	sadd.s32 $0x0, s9;
	[sflag:s12] =	ssyncadd.s32 $0xFFFFFF80  }
0x1a: {  	[tilespmem:s13], [sflag:$0x2] =	stream.linear.gather [hbm4b:s31+s4], $0x80, $0x38;
	[tilespmem:$0x17D00] =	vst v63  }
0x1b: {  	_ =	swait.ge [sflag:s12], $0x80  }
0x1c: {  	[sflag:s12] =	ssyncset.done $0x0  }
0x1d: {  	[sflag:s12] =	ssyncadd.s32 $0xFFFFFF80  }
0x1e: {  	[tilespmem:s14], [sflag:$0x1] =	stream.indirect.gather [hbm4b:s2+s13], $0x80, s4, s13, $0xb8;
	[tilespmem:$0x17D00] =	vst v63  }
0x1f: {  	_ =	swait.ge [sflag:s15], $0x4000  }
0x20: {  	[sflag:s15] =	ssyncset.done $0x0  }
0x21: {  	[sflag:s15] =	ssyncadd.s32 $0xFFFFC000  }
0x22: {  	[spmem:s3] =	stream.indirect.scatter.add.f32 [tilespmem:s14], [sflag:$0x2], $0x80, s13, s13, $0xb8;
	[tilespmem:$0x17D00] =	vst v63  }
0x23: {  	_ =	swait.ge [sflag:s12], $0x4000  }
0x24: {  	s18 =	simm.s32 $0x20;
	s17 =	simm.s32 $0x10;
	[sflag:s12] =	ssyncset.done $0x0  }
.LBB2_2:
0x25: {  	s19 =	sadd.s32 s17, s10  }
0x26: {  	[sflag:s12] =	ssyncadd.s32 $0xFFFFC000;
	s20 =	smov.u32 s18;
	s21 =	sadd.s32 $0x10, s18  }
0x27: {  	[tilespmem:s4], [sflag:$0x2] =	stream.linear.gather [hbm4b:s19+s4], $0x80, $0x38;
	[tilespmem:$0x17D00] =	vst v63  }
0x28: {  	p0 =	sne.s32 s18, $0x4E0;
	_ =	swait.ge [sflag:s12], $0x80  }
0x29: {  	[sflag:s12] =	ssyncset.done $0x0  }
0x2a: {  	s18 =	sadd.s32 s17, s9;
	s17 =	smov.u32 s20;
	[sflag:s12] =	ssyncadd.s32 $0xFFFFFF80  }
0x2b: {  	[tilespmem:s13], [sflag:$0x2] =	stream.linear.gather [hbm4b:s18+s4], $0x80, $0x38;
	[tilespmem:$0x17D00] =	vst v63  }
0x2c: {  	_ =	swait.ge [sflag:s12], $0x80  }
0x2d: {  	[sflag:s12] =	ssyncset.done $0x0  }
0x2e: {  	[sflag:s12] =	ssyncadd.s32 $0xFFFFFF80  }
0x2f: {  	[tilespmem:s14], [sflag:$0x1] =	stream.indirect.gather [hbm4b:s2+s13], $0x80, s4, s13, $0xb8;
	[tilespmem:$0x17D00] =	vst v63  }
0x30: {  	_ =	swait.ge [sflag:s15], $0x4000  }
.Ltmp0:
0x31: {  	[sflag:s15] =	ssyncset.done $0x0;
	(pc) =	sbr.rel @p0 .LBB2_2-.Ltmp0, $4  }
0x32: {  	[sflag:s15] =	ssyncadd.s32 $0xFFFFC000  }
0x33: {  	[spmem:s3] =	stream.indirect.scatter.add.f32 [tilespmem:s14], [sflag:$0x2], $0x80, s13, s13, $0xb8;
	[tilespmem:$0x17D00] =	vst v63  }
0x34: {  	_ =	swait.ge [sflag:s12], $0x4000  }
0x35: {  	s18 =	smov.u32 s21;
	[sflag:s12] =	ssyncset.done $0x0  }
0x36: {  	s18 =	sadd.s32 s17, s10;
	[sflag:s12] =	ssyncadd.s32 $0xFFFFC000  }
0x37: {  	[tilespmem:s4], [sflag:$0x2] =	stream.linear.gather [hbm4b:s18+s4], $0x80, $0x38;
	[tilespmem:$0x17D00] =	vst v63  }
0x38: {  	_ =	swait.ge [sflag:s12], $0x80  }
0x39: {  	[sflag:s12] =	ssyncset.done $0x0  }
0x3a: {  	s31 =	sadd.s32 s17, s9;
	[sflag:s12] =	ssyncadd.s32 $0xFFFFFF80  }
0x3b: {  	[tilespmem:s13], [sflag:$0x2] =	stream.linear.gather [hbm4b:s31+s4], $0x80, $0x38;
	[tilespmem:$0x17D00] =	vst v63  }
0x3c: {  	_ =	swait.ge [sflag:s12], $0x80  }
0x3d: {  	[sflag:s12] =	ssyncset.done $0x0  }
0x3e: {  	[sflag:s12] =	ssyncadd.s32 $0xFFFFFF80  }
0x3f: {  	[tilespmem:s14], [sflag:$0x1] =	stream.indirect.gather [hbm4b:s2+s13], $0x80, s4, s13, $0xb8;
	[tilespmem:$0x17D00] =	vst v63  }
0x40: {  	_ =	swait.ge [sflag:s15], $0x4000  }
0x41: {  	[sflag:s15] =	ssyncset.done $0x0  }
0x42: {  	[sflag:s15] =	ssyncadd.s32 $0xFFFFC000  }
0x43: {  	[spmem:s3] =	stream.indirect.scatter.add.f32 [tilespmem:s14], [sflag:$0x2], $0x80, s13, s13, $0xb8;
	[tilespmem:$0x17D00] =	vst v63  }
0x44: {  	_ =	swait.ge [sflag:s12], $0x4000  }
0x45: {  	s16 =	sadd.s32 $0x1, s16;
	[sflag:s12] =	ssyncset.done $0x0  }
0x46: {  	p0 =	sne.s32 s16, s8;
	[sflag:s12] =	ssyncadd.s32 $0xFFFFC000  }
.Ltmp1:
0x47: {  	[bflag:$0x0] =	sbarrier.arrive $0xFFFF;
	(pc) =	sbr.rel @p0 .LBB2_1-.Ltmp1, $4  }
0x48: {  	[hbm:s7], [sflag:s6] =	dma.local [spmem:s11], $0x2780  }
0x49: {  	_ =	swait.ge [sflag:s12], $0x2780  }
0x4a: {  	[sflag:s12] =	ssyncset.done $0x0  }
0x4b: {  	[sflag:s12] =	ssyncadd.s32 $0xFFFFD880  }
0x4c: {  	_ =	sfence.sel $0x180000  }
0x4d: {  	[bflag:$0x0] =	sbarrier.arrive $0xFFFF  }
0x4e: {  	p0 =	sne.s32 s1, $0x0;
	_ =	strace $0x90000053  }
0x4f: {  	s0 =	sadd.s32 @!p0 $0x100000, s0;
	[bflag:$0x2] =	sbarrier.arrive $0xFFFF  }
0x50: {  	[sflag:s0] =	ssyncadd.tile.s32 @!p0 $0x1;
	_ =	shalt  }
.Lfunc_end2:
_tile_overlayer_lowered:
.L_overlay_start_2:
0x51: {  	(tag) =	ssettag $0x2  }
0x52: {  	s0 =	rddreg [dreg:$0x0];
	s2 =	stileid.u32  }
0x53: {  	s1 =	rddreg [dreg:$0x1];
	p0 =	sne.s32 s2, $0x0  }
0x54: {  	s3 =	rddreg [dreg:$0x2];
	[bflag:$0x3] =	sbarrier.arrive $0xFFFF;
	s2 =	simm.s32 @!p0 $0x1C02  }
0x55: {  	[timem:s3], [sflag:s2] =	dma.local @!p0 [hbm:s0], s1  }
0x56: {  	s0 =	simm.s32 @!p0 $0x2  }
0x57: {  	_ =	swait.ge @!p0 [sflag:s0], s1  }
0x58: {  	s1 =	ssub.s32 @!p0 $0x0, s1;
	[sflag:s0] =	ssyncset.done @!p0 $0x0  }
0x59: {  	[sflag:s0] =	ssyncadd.s32 @!p0 s1  }
0x5a: {  	[bflag:$0x3] =	sbarrier.arrive $0xFFFF  }
0x5b: {  	_ =	shalt  }

// kernel: kernel.30.cloned.1.call-start
scs
__scs_entry_jumppad:
0x0: {  	(pc) =	sbr.rel $0x88, $3  }
0x1: {  	(tag) =	ssettag $0x0;
	lr =	simm.s32 $0x1  }
0x2: {  	[smem:$0x3F91] =	sst lr;
	_ =	strace $0xD0000000  }
0x3: {  	_ = 	snop  }
0x4: {  	_ = 	snop  }
0x5: {  	_ = 	snop  }
0x6: {  	_ = 	snop  }
0x7: {  	_ = 	snop  }
__scs_overlays_trampoline_lowered:
0x8: {  	[smem:$0x3FA0] =	sst s0  }
0x9: {  	[smem:$0x3FA1] =	sst s1  }
0xa: {  	[smem:$0x3FA2] =	sst s2  }
0xb: {  	[smem:$0x3FA3] =	sst s3  }
0xc: {  	[smem:$0x3FA4] =	sst s4  }
0xd: {  	[smem:$0x3FA5] =	sst s5  }
0xe: {  	[smem:$0x3FA6] =	sst s6  }
0xf: {  	[smem:$0x3FA7] =	sst s7  }
0x10: {  	[smem:$0x3FA8] =	sst s8  }
0x11: {  	[smem:$0x3FA9] =	sst s9;
	s0 =	simm.s32 @!p0 $0x0  }
0x12: {  	s1 =	sld [smem:$0x3F8F];
	s0 =	simm.s32 @p0 $0x1  }
0x13: {  	[smem:$0x3FAA] =	sst s0;
	s0 =	simm.s32 @!p1 $0x0  }
0x14: {  	s2 =	sld [smem:$0x3F8E];
	s0 =	simm.s32 @p1 $0x1  }
0x15: {  	[smem:$0x3FAB] =	sst s0;
	s0 =	simm.s32 @!p2 $0x0  }
0x16: {  	s3 =	sld [smem:$0x3FDB];
	s0 =	simm.s32 @p2 $0x1  }
0x17: {  	s4 =	simm.s32 $0x1BF5;
	[smem:$0x3FAD] =	sst s0  }
0x18: {  	s0 =	sld [smem:$0x3F90];
	_ =	swait.ge [sflag:s4], $0x0  }
0x19: {  	s7 =	sld [smem:$0x3F91]  }
0x1a: {  	s8 =	sadd.s32 $0xFFFFE003, lr  }
0x1b: {  	s9 =	sadd.s32 $0xFFFFFEF7, lr;
	s5 =	simm.s32 $0xFFFFFFFF;
	p2 =	slt.u32 s8, $0xFFFFF086  }
0x1c: {  	p1 =	slt.u32 s9, $0xF7A;
	s5 =	simm.s32 @!p2 $0x0  }
0x1d: {  	s5 =	simm.s32 @p1 $0x1;
	p0 =	seq.s32 s7, s2  }
0x1e: {  	s7 =	smul.u32 @!p0 $0xF7A, s2;
	p2 =	seq.s32 @!p0 s5, $0x0  }
0x1f: {  	s9 =	smul.u32 $0xF7A, s1;
	s8 =	simm.s32 @!p0 $0x1BF5;
	p2 =	por !p2, p0  }
0x20: {  	[sflag:s8] =	ssyncset.s32 @!p0 $0xFFFFF086;
	s6 =	sadd.s32 @!p0 s3, s7;
	s7 =	simm.s32 @!p0 $0x108  }
0x21: {  	s3 =	sadd.s32 s3, s9;
	s6 =	sadd.s32 @!p0 $0x88, s6;
	s7 =	simm.s32 @p2 $0x1082  }
0x22: {  	[simem:s7], [sflag:s8] =	dma.local @!p0 [hbm:s6], $0xF7A  }
0x23: {  	s9 =	sor.u32 $0xD0000000, s2;
	s6 =	simm.s32 $0x108;
	_ =	swait.ge @!p0 [sflag:s8], $0x0  }
0x24: {  	s3 =	sadd.s32 $0x88, s3;
	s6 =	simm.s32 @!p1 $0x1082;
	[sflag:s4] =	ssyncset.s32 $0xFFFFF086  }
0x25: {  	[simem:s6], [sflag:s4] =	dma.local [hbm:s3], $0xF7A  }
0x26: {  	[smem:$0x3F91] =	sst s1;
	(tag) =	ssettag s2;
	_ =	strace s9  }
0x27: {  	s1 =	sld [smem:$0x3FA1]  }
0x28: {  	s2 =	sld [smem:$0x3FA2]  }
0x29: {  	s4 =	sld [smem:$0x3FA4]  }
0x2a: {  	p0 =	seq.s32 s5, $0x0;
	s5 =	sld [smem:$0x3FA5]  }
0x2b: {  	s6 =	sld [smem:$0x3FA6]  }
0x2c: {  	s7 =	sld [smem:$0x3FA7]  }
0x2d: {  	s3 =	simm.s32 $0x108;
	s8 =	sld [smem:$0x3FA8]  }
0x2e: {  	s3 =	simm.s32 @!p0 $0x1082;
	s9 =	sld [smem:$0x3FA9]  }
0x2f: {  	lr =	sadd.s32 s0, s3;
	s0 =	sld [smem:$0x3FA0]  }
0x30: {  	s3 =	sld [smem:$0x3FA3]  }
0x31: {  	[smem:$0x3FAC] =	sst s10  }
0x32: {  	s10 =	sld [smem:$0x3FAA];
	_ =	sdelay $0x3  }
0x33: {  	p0 =	seq.s32 s10, $0x1;
	s10 =	sld [smem:$0x3FAC];
	_ =	sdelay $0x3  }
0x34: {  	[smem:$0x3FAC] =	sst s10  }
0x35: {  	s10 =	sld [smem:$0x3FAB];
	_ =	sdelay $0x3  }
0x36: {  	p1 =	seq.s32 s10, $0x1;
	s10 =	sld [smem:$0x3FAC];
	_ =	sdelay $0x3  }
0x37: {  	[smem:$0x3FAC] =	sst s10  }
0x38: {  	s10 =	sld [smem:$0x3FAD]  }
0x39: {  	_ = 	snop;
	(pc) =	sbr.ind lr, $3  }
0x3a: {  	_ = 	snop  }
0x3b: {  	_ = 	snop  }
0x3c: {  	p2 =	seq.s32 s10, $0x1;
	s10 =	sld [smem:$0x3FAC]  }
0x3d: {  	_ =	shalt  }
0x3e: {  	_ =	shalt  }
0x3f: {  	_ =	shalt  }
0x40: {  	_ =	shalt  }
0x41: {  	_ =	shalt  }
0x42: {  	_ =	shalt  }
0x43: {  	_ =	shalt  }
0x44: {  	_ =	shalt  }
0x45: {  	_ =	shalt  }
0x46: {  	_ =	shalt  }
0x47: {  	_ =	shalt  }
0x48: {  	_ =	shalt  }
0x49: {  	_ =	shalt  }
0x4a: {  	_ =	shalt  }
0x4b: {  	_ =	shalt  }
0x4c: {  	_ =	shalt  }
0x4d: {  	_ =	shalt  }
0x4e: {  	_ =	shalt  }
0x4f: {  	_ =	shalt  }
0x50: {  	_ =	shalt  }
0x51: {  	_ =	shalt  }
0x52: {  	_ =	shalt  }
0x53: {  	_ =	shalt  }
0x54: {  	_ =	shalt  }
0x55: {  	_ =	shalt  }
0x56: {  	_ =	shalt  }
0x57: {  	_ =	shalt  }
0x58: {  	_ =	shalt  }
0x59: {  	_ =	shalt  }
0x5a: {  	_ =	shalt  }
0x5b: {  	_ =	shalt  }
0x5c: {  	_ =	shalt  }
0x5d: {  	_ =	shalt  }
0x5e: {  	_ =	shalt  }
0x5f: {  	_ =	shalt  }
0x60: {  	_ =	shalt  }
0x61: {  	_ =	shalt  }
0x62: {  	_ =	shalt  }
0x63: {  	_ =	shalt  }
0x64: {  	_ =	shalt  }
0x65: {  	_ =	shalt  }
0x66: {  	_ =	shalt  }
0x67: {  	_ =	shalt  }
0x68: {  	_ =	shalt  }
0x69: {  	_ =	shalt  }
0x6a: {  	_ =	shalt  }
0x6b: {  	_ =	shalt  }
0x6c: {  	_ =	shalt  }
0x6d: {  	_ =	shalt  }
0x6e: {  	_ =	shalt  }
0x6f: {  	_ =	shalt  }
0x70: {  	_ =	shalt  }
0x71: {  	_ =	shalt  }
0x72: {  	_ =	shalt  }
0x73: {  	_ =	shalt  }
0x74: {  	_ =	shalt  }
0x75: {  	_ =	shalt  }
0x76: {  	_ =	shalt  }
0x77: {  	_ =	shalt  }
0x78: {  	_ =	shalt  }
0x79: {  	_ =	shalt  }
0x7a: {  	_ =	shalt  }
0x7b: {  	_ =	shalt  }
0x7c: {  	_ =	shalt  }
0x7d: {  	_ =	shalt  }
0x7e: {  	_ =	shalt  }
0x7f: {  	_ =	shalt  }
0x80: {  	_ =	shalt  }
0x81: {  	_ =	shalt  }
0x82: {  	_ =	shalt  }
0x83: {  	_ =	shalt  }
0x84: {  	_ =	shalt  }
0x85: {  	_ =	shalt  }
0x86: {  	_ =	shalt  }
0x87: {  	_ =	shalt  }
.Lfunc_end0:
.L_simem_size_0:
called_computation.5_lowered:
.L_overlay_start_0:
0x88: {  	s2 =	sld [smem:$0x3FD9]  }
0x89: {  	s3 =	sld [smem:$0x3FFE];
	_ =	sdelay $0x1  }
0x8a: {  	s1 =	srdreg.scid  }
0x8b: {  	s0 =	sand.u32 $0x1, s1  }
0x8c: {  	s17 =	sshll.u32 s0, $0xA;
	s2 =	sadd.s32 s3, s2  }
0x8d: {  	s2 =	sadd.s32 s2, s17  }
0x8e: {  	[smem:$0x3FB8] =	sst s2  }
0x8f: {  	_ = 	snop  }
0x90: {  	(tm) =	ssettm $0x1  }
0x91: {  	s18 =	sld [smem:$0x3FFB];
	_ =	sdelay $0x3  }
0x92: {  	_ =	strace s18  }
0x93: {  	s2 =	sld [smem:$0x3FFC];
	_ =	sdelay $0x3  }
0x94: {  	_ =	strace s2  }
0x95: {  	s2 =	sld [smem:$0x3FFD];
	_ =	sdelay $0x3  }
0x96: {  	_ =	strace s2  }
0x97: {  	_ =	strace $0x8FFFFFFF  }
0x98: {  	s19 =	sld [smem:$0x3FDB];
	_ =	sdelay $0x1  }
0x99: {  	s20 =	simm.s32 $_scs_section_size  }
0x9a: {  	s4 =	simm.s32 $_size__tile_overlayer_lowered;
	s5 =	simm.s32 $_tile_overlayer_lowered  }
0x9b: {  	s6 =	simm.s32 $0x1BFF;
	s21 =	sshll.u32 s5, $0x1;
	s3 =	sadd.s32 s20, s19  }
0x9c: {  	s22 =	simm.s32 $0x0;
	s4 =	sshll.u32 s4, $0x1;
	s5 =	sadd.s32 s21, s3  }
0x9d: {  	[timem:s22], [sflag:s6] =	dma.local [hbm:s5], s4  }
0x9e: {  	_ =	swait.ge [sflag:s6], s4  }
0x9f: {  	s4 =	ssub.s32 $0x0, s4;
	[sflag:s6] =	ssyncset.done $0x0  }
0xa0: {  	[sflag:s6] =	ssyncadd.s32 s4;
	_ =	sdelay $0x1  }
0xa1: {  	s23 =	simm.s32 $0x1B8B  }
0xa2: {  	_ =	swait.ge [sflag:s23], $0x1  }
0xa3: {  	[sflag:s23] =	ssyncset.done $0x0  }
0xa4: {  	[sflag:s23] =	ssyncadd.s32 $0xFFFFFFFF  }
0xa5: {  	s4 =	sld [smem:$0x0]  }
0xa6: {  	s5 =	sand.u32 $0xFFFFFFFE, s1  }
0xa7: {  	p0 =	sne.s32 s1, s5  }
0xa8: {  	s5 =	sshll.u32 @p0 s5, $0xE  }
0xa9: {  	s5 =	sadd.s32 @p0 $0x11B8D, s5;
	s6 =	sshll.u32 @p0 s4, $0x11  }
0xaa: {  	s5 =	sor.u32 @p0 s6, s5  }
0xab: {  	[sflag:s5] =	ssyncadd.remote.s32 @p0 $0x1;
	_ =	sdelay $0x1  }
0xac: {  	s5 =	simm.s32 @p0 $0x1B8D  }
0xad: {  	_ =	swait.eq @p0 [sflag:s5], $0x1  }
0xae: {  	[sflag:s5] =	ssyncadd.s32 @p0 $0xFFFFFFFF  }
0xaf: {  	s6 =	sshll.u32 @!p0 s1, $0xE  }
0xb0: {  	s6 =	sor.u32 @!p0 $0x4000, s6;
	s5 =	simm.s32 @!p0 $0x1B8D  }
0xb1: {  	s4 =	sshll.u32 @!p0 s4, $0x11;
	s6 =	sadd.s32 @!p0 $0x11B8D, s6;
	_ =	swait.eq @!p0 [sflag:s5], $0x1  }
0xb2: {  	s4 =	sor.u32 @!p0 s4, s6;
	[sflag:s5] =	ssyncadd.s32 @!p0 $0xFFFFFFFF  }
0xb3: {  	s25 =	simm.s32 $0x1B8E;
	s24 =	sld [smem:$0x3FFE];
	[sflag:s4] =	ssyncadd.remote.s32 @!p0 $0x1  }
0xb4: {  	s26 =	simm.s32 $execute0_lowered;
	[smem:$0x3FD2] =	sst s25  }
0xb5: {  	s5 =	sshll.u32 s26, $0x1;
	_ =	strace $0x80000055;
	[dreg:$0x1] =	wrdreg $0xFFFFFFFF  }
0xb6: {  	s28 =	simm.s32 $_size_execute0_lowered;
	s3 =	sadd.s32 s3, s5;
	[dreg:$0x0] =	wrdreg $0x0  }
0xb7: {  	s5 =	sshll.u32 s28, $0x1;
	[dreg:$0x2] =	wrdreg s3  }
0xb8: {  	[dreg:$0x3] =	wrdreg s5  }
0xb9: {  	[dreg:$0x4] =	wrdreg $0xC0  }
0xba: {  	_ =	task [dreg:s22], $0x5FFFF  }
0xbb: {  	[dreg:$0x1] =	wrdreg $0xFFFFFFFF  }
0xbc: {  	[dreg:$0x0] =	wrdreg $0x60  }
0xbd: {  	[dreg:$0x2] =	wrdreg s24  }
0xbe: {  	[dreg:$0x3] =	wrdreg $0x41000  }
0xbf: {  	[dreg:$0x4] =	wrdreg $0xA  }
0xc0: {  	_ =	task.clear_ibuf [dreg:s22], $0x5FFFF;
	_ =	strace $0x90000055  }
0xc1: {  	s29 =	simm.s32 $0xA;
	_ =	strace $0x80000057  }
0xc2: {  	_ =	swait.ge [sflag:s29], $0x1  }
0xc3: {  	[sflag:s29] =	ssyncadd.s32 $0xFFFFFFFF  }
0xc4: {  	_ =	strace $0x90000057  }
0xc5: {  	_ =	sfence  }
0xc6: {  	s30 =	sld [smem:$0x0];
	_ =	sdelay $0x2  }
0xc7: {  	s31 =	sshll.u32 s1, $0xD;
	s1 =	sshrl.u32 s1, $0x2  }
0xc8: {  	s4 =	sand.u32 $0x4000, s31;
	s1 =	sadd.s32 s1, s30  }
0xc9: {  	s0 =	sor.u32 s4, s0;
	s1 =	sshll.u32 s1, $0x11  }
0xca: {  	s0 =	sor.u32 s1, s0  }
0xcb: {  	s0 =	sadd.s32 $0x8F2B, s0  }
0xcc: {  	[sflag:s0] =	ssyncadd.remote.s32 $0x1  }
0xcd: {  	_ =	sfence.sel $0xFFFF  }
0xce: {  	[dreg:$0x0] =	wrdreg $0xFFFFFFFF;
	(pc) =	sbr.abs _section_cstart, $3  }
0xcf: {  	[dreg:$0x1] =	wrdreg $0xFFFFFFFF  }
0xd0: {  	_ =	task.clear_ibuf [dreg:s22], $0x2FFFF;
	_ =	strace $0x9FFFFFFF  }
0xd1: {  	(tm) =	ssettm $0x7FFFFFFF  }
tec
execute0_lowered:
.L_overlay_start_1:
0x0: {  	(tag) =	ssettag $0x1  }
0x1: {  	s5 =	rddreg [dreg:$0x0]  }
0x2: {  	s2 =	rddreg [dreg:$0x1]  }
0x3: {  	s0 =	rddreg [dreg:$0x2];
	s1 =	stileid.u32  }
0x4: {  	s4 =	srdreg.scid;
	s3 =	simm.s32 $0x0;
	s12 =	simm.s32 $0x2  }
0x5: {  	s13 =	simm.s32 $0x80;
	s14 =	simm.s32 $0x100;
	s6 =	smul.u32 $0x9E0, s1  }
0x6: {  	s15 =	simm.s32 $0x1;
	s16 =	simm.s32 $0x0;
	s7 =	smul.u32 $0x13C00, s1  }
0x7: {  	s8 =	sand.u32 $0x1, s4;
	[smem:$0x7FF] =	sst s3;
	s11 =	smul.u32 $0x4F000, s1  }
0x8: {  	s4 =	sadd.s32 $0x91600, s5;
	s31 =	sshll.u32 s1, $0x6;
	s9 =	smul.u32 $0x13C000, s8  }
0x9: {  	_ =	strace $0x80000056;
	s28 =	ssub.s32 $0x2, s8;
	s8 =	smul.u32 $0x4F0, s8  }
0xa: {  	s10 =	sadd.s32 s6, s5;
	s26 =	sshrl.u32 s7, $0x3;
	s29 =	sshrl.u32 s28, $0x1  }
0xb: {  	s30 =	sshrl.u32 s11, $0x2;
	s7 =	sadd.s32 s7, s9;
	s6 =	sadd.s32 s26, s5  }
0xc: {  	s9 =	ssub.s32 s28, s29;
	s11 =	sadd.s32 s30, s2;
	s10 =	sadd.s32 s8, s10  }
0xd: {  	s7 =	sshrl.u32 s7, $0x3;
	s8 =	smax.u32 s9, $0x1;
	s9 =	sadd.s32 $0x7200, s10  }
0xe: {  	s10 =	sadd.s32 $0x87800, s10;
	s11 =	sshrl.u32 s11, $0x3;
	s7 =	sadd.s32 s7, s5  }
0xf: {  	s5 =	sadd.s32 $0x11000, s6;
	s6 =	sor.u32 $0x1C02, s31;
	s7 =	sadd.s32 $0x107800, s7  }
.LBB2_1:
0x10: {  	[spmem:s11], [sflag:s6] =	dma.local [hbm:s5], $0x2780  }
0x11: {  	_ =	swait.ge [sflag:s12], $0x2780  }
0x12: {  	[sflag:s12] =	ssyncset.done $0x0  }
0x13: {  	[sflag:s12] =	ssyncadd.s32 $0xFFFFD880  }
0x14: {  	s17 =	sadd.s32 $0x0, s10;
	[bflag:$0x0] =	sbarrier.arrive $0xFFFF  }
0x15: {  	[tilespmem:s3], [sflag:$0x2] =	stream.linear.gather [hbm4b:s17+s3], $0x80, $0x38;
	[tilespmem:$0x17D00] =	vst v63  }
0x16: {  	_ =	swait.ge [sflag:s12], $0x80  }
0x17: {  	[sflag:s12] =	ssyncset.done $0x0  }
0x18: {  	s31 =	sadd.s32 $0x0, s9;
	[sflag:s12] =	ssyncadd.s32 $0xFFFFFF80  }
0x19: {  	[tilespmem:s13], [sflag:$0x2] =	stream.linear.gather [hbm4b:s31+s3], $0x80, $0x38;
	[tilespmem:$0x17D00] =	vst v63  }
0x1a: {  	_ =	swait.ge [sflag:s12], $0x80  }
0x1b: {  	[sflag:s12] =	ssyncset.done $0x0  }
0x1c: {  	[sflag:s12] =	ssyncadd.s32 $0xFFFFFF80  }
0x1d: {  	[tilespmem:s14], [sflag:$0x1] =	stream.indirect.gather [hbm4b:s4+s13], $0x80, s3, s13, $0xb8;
	[tilespmem:$0x17D00] =	vst v63  }
0x1e: {  	_ =	swait.ge [sflag:s15], $0x4000  }
0x1f: {  	[sflag:s15] =	ssyncset.done $0x0  }
0x20: {  	[sflag:s15] =	ssyncadd.s32 $0xFFFFC000  }
0x21: {  	[spmem:s2] =	stream.indirect.scatter.add.f32 [tilespmem:s14], [sflag:$0x2], $0x80, s13, s13, $0xb8;
	[tilespmem:$0x17D00] =	vst v63  }
0x22: {  	_ =	swait.ge [sflag:s12], $0x4000  }
0x23: {  	s18 =	simm.s32 $0x20;
	s17 =	simm.s32 $0x10;
	[sflag:s12] =	ssyncset.done $0x0  }
.LBB2_2:
0x24: {  	s19 =	sadd.s32 s17, s10  }
0x25: {  	[sflag:s12] =	ssyncadd.s32 $0xFFFFC000;
	s20 =	smov.u32 s18;
	s21 =	sadd.s32 $0x10, s18  }
0x26: {  	[tilespmem:s3], [sflag:$0x2] =	stream.linear.gather [hbm4b:s19+s3], $0x80, $0x38;
	[tilespmem:$0x17D00] =	vst v63  }
0x27: {  	p0 =	sne.s32 s18, $0x4E0;
	_ =	swait.ge [sflag:s12], $0x80  }
0x28: {  	[sflag:s12] =	ssyncset.done $0x0  }
0x29: {  	s18 =	sadd.s32 s17, s9;
	s17 =	smov.u32 s20;
	[sflag:s12] =	ssyncadd.s32 $0xFFFFFF80  }
0x2a: {  	[tilespmem:s13], [sflag:$0x2] =	stream.linear.gather [hbm4b:s18+s3], $0x80, $0x38;
	[tilespmem:$0x17D00] =	vst v63  }
0x2b: {  	_ =	swait.ge [sflag:s12], $0x80  }
0x2c: {  	[sflag:s12] =	ssyncset.done $0x0  }
0x2d: {  	[sflag:s12] =	ssyncadd.s32 $0xFFFFFF80  }
0x2e: {  	[tilespmem:s14], [sflag:$0x1] =	stream.indirect.gather [hbm4b:s4+s13], $0x80, s3, s13, $0xb8;
	[tilespmem:$0x17D00] =	vst v63  }
0x2f: {  	_ =	swait.ge [sflag:s15], $0x4000  }
.Ltmp0:
0x30: {  	[sflag:s15] =	ssyncset.done $0x0;
	(pc) =	sbr.rel @p0 .LBB2_2-.Ltmp0, $4  }
0x31: {  	[sflag:s15] =	ssyncadd.s32 $0xFFFFC000  }
0x32: {  	[spmem:s2] =	stream.indirect.scatter.add.f32 [tilespmem:s14], [sflag:$0x2], $0x80, s13, s13, $0xb8;
	[tilespmem:$0x17D00] =	vst v63  }
0x33: {  	_ =	swait.ge [sflag:s12], $0x4000  }
0x34: {  	s18 =	smov.u32 s21;
	[sflag:s12] =	ssyncset.done $0x0  }
0x35: {  	s18 =	sadd.s32 s17, s10;
	[sflag:s12] =	ssyncadd.s32 $0xFFFFC000  }
0x36: {  	[tilespmem:s3], [sflag:$0x2] =	stream.linear.gather [hbm4b:s18+s3], $0x80, $0x38;
	[tilespmem:$0x17D00] =	vst v63  }
0x37: {  	_ =	swait.ge [sflag:s12], $0x80  }
0x38: {  	[sflag:s12] =	ssyncset.done $0x0  }
0x39: {  	s31 =	sadd.s32 s17, s9;
	[sflag:s12] =	ssyncadd.s32 $0xFFFFFF80  }
0x3a: {  	[tilespmem:s13], [sflag:$0x2] =	stream.linear.gather [hbm4b:s31+s3], $0x80, $0x38;
	[tilespmem:$0x17D00] =	vst v63  }
0x3b: {  	_ =	swait.ge [sflag:s12], $0x80  }
0x3c: {  	[sflag:s12] =	ssyncset.done $0x0  }
0x3d: {  	[sflag:s12] =	ssyncadd.s32 $0xFFFFFF80  }
0x3e: {  	[tilespmem:s14], [sflag:$0x1] =	stream.indirect.gather [hbm4b:s4+s13], $0x80, s3, s13, $0xb8;
	[tilespmem:$0x17D00] =	vst v63  }
0x3f: {  	_ =	swait.ge [sflag:s15], $0x4000  }
0x40: {  	[sflag:s15] =	ssyncset.done $0x0  }
0x41: {  	[sflag:s15] =	ssyncadd.s32 $0xFFFFC000  }
0x42: {  	[spmem:s2] =	stream.indirect.scatter.add.f32 [tilespmem:s14], [sflag:$0x2], $0x80, s13, s13, $0xb8;
	[tilespmem:$0x17D00] =	vst v63  }
0x43: {  	_ =	swait.ge [sflag:s12], $0x4000  }
0x44: {  	s16 =	sadd.s32 $0x1, s16;
	[sflag:s12] =	ssyncset.done $0x0  }
0x45: {  	p0 =	sne.s32 s16, s8;
	[sflag:s12] =	ssyncadd.s32 $0xFFFFC000  }
.Ltmp1:
0x46: {  	[bflag:$0x0] =	sbarrier.arrive $0xFFFF;
	(pc) =	sbr.rel @p0 .LBB2_1-.Ltmp1, $4  }
0x47: {  	[hbm:s7], [sflag:s6] =	dma.local [spmem:s11], $0x2780  }
0x48: {  	_ =	swait.ge [sflag:s12], $0x2780  }
0x49: {  	[sflag:s12] =	ssyncset.done $0x0  }
0x4a: {  	[sflag:s12] =	ssyncadd.s32 $0xFFFFD880  }
0x4b: {  	_ =	sfence.sel $0x180000  }
0x4c: {  	[bflag:$0x0] =	sbarrier.arrive $0xFFFF  }
0x4d: {  	p0 =	sne.s32 s1, $0x0;
	_ =	strace $0x90000056  }
0x4e: {  	s0 =	sadd.s32 @!p0 $0x100000, s0;
	[bflag:$0x2] =	sbarrier.arrive $0xFFFF  }
0x4f: {  	[sflag:s0] =	ssyncadd.tile.s32 @!p0 $0x1;
	_ =	shalt  }
.Lfunc_end2:
_tile_overlayer_lowered:
.L_overlay_start_2:
0x50: {  	(tag) =	ssettag $0x2  }
0x51: {  	s0 =	rddreg [dreg:$0x0];
	s2 =	stileid.u32  }
0x52: {  	s1 =	rddreg [dreg:$0x1];
	p0 =	sne.s32 s2, $0x0  }
0x53: {  	s3 =	rddreg [dreg:$0x2];
	[bflag:$0x3] =	sbarrier.arrive $0xFFFF;
	s2 =	simm.s32 @!p0 $0x1C02  }
0x54: {  	[timem:s3], [sflag:s2] =	dma.local @!p0 [hbm:s0], s1  }
0x55: {  	s0 =	simm.s32 @!p0 $0x2  }
0x56: {  	_ =	swait.ge @!p0 [sflag:s0], s1  }
0x57: {  	s1 =	ssub.s32 @!p0 $0x0, s1;
	[sflag:s0] =	ssyncset.done @!p0 $0x0  }
0x58: {  	[sflag:s0] =	ssyncadd.s32 @!p0 s1  }
0x59: {  	[bflag:$0x3] =	sbarrier.arrive $0xFFFF  }
0x5a: {  	_ =	shalt  }

// kernel: kernel.33.cloned.1.call-start
scs
__scs_entry_jumppad:
0x0: {  	(pc) =	sbr.rel $0x88, $3  }
0x1: {  	(tag) =	ssettag $0x0;
	lr =	simm.s32 $0x1  }
0x2: {  	[smem:$0x3F91] =	sst lr;
	_ =	strace $0xD0000000  }
0x3: {  	_ = 	snop  }
0x4: {  	_ = 	snop  }
0x5: {  	_ = 	snop  }
0x6: {  	_ = 	snop  }
0x7: {  	_ = 	snop  }
__scs_overlays_trampoline_lowered:
0x8: {  	[smem:$0x3FA0] =	sst s0  }
0x9: {  	[smem:$0x3FA1] =	sst s1  }
0xa: {  	[smem:$0x3FA2] =	sst s2  }
0xb: {  	[smem:$0x3FA3] =	sst s3  }
0xc: {  	[smem:$0x3FA4] =	sst s4  }
0xd: {  	[smem:$0x3FA5] =	sst s5  }
0xe: {  	[smem:$0x3FA6] =	sst s6  }
0xf: {  	[smem:$0x3FA7] =	sst s7  }
0x10: {  	[smem:$0x3FA8] =	sst s8  }
0x11: {  	[smem:$0x3FA9] =	sst s9;
	s0 =	simm.s32 @!p0 $0x0  }
0x12: {  	s1 =	sld [smem:$0x3F8F];
	s0 =	simm.s32 @p0 $0x1  }
0x13: {  	[smem:$0x3FAA] =	sst s0;
	s0 =	simm.s32 @!p1 $0x0  }
0x14: {  	s2 =	sld [smem:$0x3F8E];
	s0 =	simm.s32 @p1 $0x1  }
0x15: {  	[smem:$0x3FAB] =	sst s0;
	s0 =	simm.s32 @!p2 $0x0  }
0x16: {  	s3 =	sld [smem:$0x3FDB];
	s0 =	simm.s32 @p2 $0x1  }
0x17: {  	s4 =	simm.s32 $0x1BF5;
	[smem:$0x3FAD] =	sst s0  }
0x18: {  	s0 =	sld [smem:$0x3F90];
	_ =	swait.ge [sflag:s4], $0x0  }
0x19: {  	s7 =	sld [smem:$0x3F91]  }
0x1a: {  	s8 =	sadd.s32 $0xFFFFE003, lr  }
0x1b: {  	s9 =	sadd.s32 $0xFFFFFEF7, lr;
	s5 =	simm.s32 $0xFFFFFFFF;
	p2 =	slt.u32 s8, $0xFFFFF086  }
0x1c: {  	p1 =	slt.u32 s9, $0xF7A;
	s5 =	simm.s32 @!p2 $0x0  }
0x1d: {  	s5 =	simm.s32 @p1 $0x1;
	p0 =	seq.s32 s7, s2  }
0x1e: {  	s7 =	smul.u32 @!p0 $0xF7A, s2;
	p2 =	seq.s32 @!p0 s5, $0x0  }
0x1f: {  	s9 =	smul.u32 $0xF7A, s1;
	s8 =	simm.s32 @!p0 $0x1BF5;
	p2 =	por !p2, p0  }
0x20: {  	[sflag:s8] =	ssyncset.s32 @!p0 $0xFFFFF086;
	s6 =	sadd.s32 @!p0 s3, s7;
	s7 =	simm.s32 @!p0 $0x108  }
0x21: {  	s3 =	sadd.s32 s3, s9;
	s6 =	sadd.s32 @!p0 $0x88, s6;
	s7 =	simm.s32 @p2 $0x1082  }
0x22: {  	[simem:s7], [sflag:s8] =	dma.local @!p0 [hbm:s6], $0xF7A  }
0x23: {  	s9 =	sor.u32 $0xD0000000, s2;
	s6 =	simm.s32 $0x108;
	_ =	swait.ge @!p0 [sflag:s8], $0x0  }
0x24: {  	s3 =	sadd.s32 $0x88, s3;
	s6 =	simm.s32 @!p1 $0x1082;
	[sflag:s4] =	ssyncset.s32 $0xFFFFF086  }
0x25: {  	[simem:s6], [sflag:s4] =	dma.local [hbm:s3], $0xF7A  }
0x26: {  	[smem:$0x3F91] =	sst s1;
	(tag) =	ssettag s2;
	_ =	strace s9  }
0x27: {  	s1 =	sld [smem:$0x3FA1]  }
0x28: {  	s2 =	sld [smem:$0x3FA2]  }
0x29: {  	s4 =	sld [smem:$0x3FA4]  }
0x2a: {  	p0 =	seq.s32 s5, $0x0;
	s5 =	sld [smem:$0x3FA5]  }
0x2b: {  	s6 =	sld [smem:$0x3FA6]  }
0x2c: {  	s7 =	sld [smem:$0x3FA7]  }
0x2d: {  	s3 =	simm.s32 $0x108;
	s8 =	sld [smem:$0x3FA8]  }
0x2e: {  	s3 =	simm.s32 @!p0 $0x1082;
	s9 =	sld [smem:$0x3FA9]  }
0x2f: {  	lr =	sadd.s32 s0, s3;
	s0 =	sld [smem:$0x3FA0]  }
0x30: {  	s3 =	sld [smem:$0x3FA3]  }
0x31: {  	[smem:$0x3FAC] =	sst s10  }
0x32: {  	s10 =	sld [smem:$0x3FAA];
	_ =	sdelay $0x3  }
0x33: {  	p0 =	seq.s32 s10, $0x1;
	s10 =	sld [smem:$0x3FAC];
	_ =	sdelay $0x3  }
0x34: {  	[smem:$0x3FAC] =	sst s10  }
0x35: {  	s10 =	sld [smem:$0x3FAB];
	_ =	sdelay $0x3  }
0x36: {  	p1 =	seq.s32 s10, $0x1;
	s10 =	sld [smem:$0x3FAC];
	_ =	sdelay $0x3  }
0x37: {  	[smem:$0x3FAC] =	sst s10  }
0x38: {  	s10 =	sld [smem:$0x3FAD]  }
0x39: {  	_ = 	snop;
	(pc) =	sbr.ind lr, $3  }
0x3a: {  	_ = 	snop  }
0x3b: {  	_ = 	snop  }
0x3c: {  	p2 =	seq.s32 s10, $0x1;
	s10 =	sld [smem:$0x3FAC]  }
0x3d: {  	_ =	shalt  }
0x3e: {  	_ =	shalt  }
0x3f: {  	_ =	shalt  }
0x40: {  	_ =	shalt  }
0x41: {  	_ =	shalt  }
0x42: {  	_ =	shalt  }
0x43: {  	_ =	shalt  }
0x44: {  	_ =	shalt  }
0x45: {  	_ =	shalt  }
0x46: {  	_ =	shalt  }
0x47: {  	_ =	shalt  }
0x48: {  	_ =	shalt  }
0x49: {  	_ =	shalt  }
0x4a: {  	_ =	shalt  }
0x4b: {  	_ =	shalt  }
0x4c: {  	_ =	shalt  }
0x4d: {  	_ =	shalt  }
0x4e: {  	_ =	shalt  }
0x4f: {  	_ =	shalt  }
0x50: {  	_ =	shalt  }
0x51: {  	_ =	shalt  }
0x52: {  	_ =	shalt  }
0x53: {  	_ =	shalt  }
0x54: {  	_ =	shalt  }
0x55: {  	_ =	shalt  }
0x56: {  	_ =	shalt  }
0x57: {  	_ =	shalt  }
0x58: {  	_ =	shalt  }
0x59: {  	_ =	shalt  }
0x5a: {  	_ =	shalt  }
0x5b: {  	_ =	shalt  }
0x5c: {  	_ =	shalt  }
0x5d: {  	_ =	shalt  }
0x5e: {  	_ =	shalt  }
0x5f: {  	_ =	shalt  }
0x60: {  	_ =	shalt  }
0x61: {  	_ =	shalt  }
0x62: {  	_ =	shalt  }
0x63: {  	_ =	shalt  }
0x64: {  	_ =	shalt  }
0x65: {  	_ =	shalt  }
0x66: {  	_ =	shalt  }
0x67: {  	_ =	shalt  }
0x68: {  	_ =	shalt  }
0x69: {  	_ =	shalt  }
0x6a: {  	_ =	shalt  }
0x6b: {  	_ =	shalt  }
0x6c: {  	_ =	shalt  }
0x6d: {  	_ =	shalt  }
0x6e: {  	_ =	shalt  }
0x6f: {  	_ =	shalt  }
0x70: {  	_ =	shalt  }
0x71: {  	_ =	shalt  }
0x72: {  	_ =	shalt  }
0x73: {  	_ =	shalt  }
0x74: {  	_ =	shalt  }
0x75: {  	_ =	shalt  }
0x76: {  	_ =	shalt  }
0x77: {  	_ =	shalt  }
0x78: {  	_ =	shalt  }
0x79: {  	_ =	shalt  }
0x7a: {  	_ =	shalt  }
0x7b: {  	_ =	shalt  }
0x7c: {  	_ =	shalt  }
0x7d: {  	_ =	shalt  }
0x7e: {  	_ =	shalt  }
0x7f: {  	_ =	shalt  }
0x80: {  	_ =	shalt  }
0x81: {  	_ =	shalt  }
0x82: {  	_ =	shalt  }
0x83: {  	_ =	shalt  }
0x84: {  	_ =	shalt  }
0x85: {  	_ =	shalt  }
0x86: {  	_ =	shalt  }
0x87: {  	_ =	shalt  }
.Lfunc_end0:
.L_simem_size_0:
called_computation.6_lowered:
.L_overlay_start_0:
0x88: {  	s2 =	sld [smem:$0x3FD9]  }
0x89: {  	s3 =	sld [smem:$0x3FFE];
	_ =	sdelay $0x1  }
0x8a: {  	s1 =	srdreg.scid  }
0x8b: {  	s0 =	sand.u32 $0x1, s1  }
0x8c: {  	s17 =	sshll.u32 s0, $0xA;
	s2 =	sadd.s32 s3, s2  }
0x8d: {  	s2 =	sadd.s32 s2, s17  }
0x8e: {  	[smem:$0x3FB8] =	sst s2  }
0x8f: {  	_ = 	snop  }
0x90: {  	s2 =	sld [smem:$0x3FD0];
	(tm) =	ssettm $0x1  }
0x91: {  	s18 =	sld [smem:$0x3FFB];
	_ =	sdelay $0x3  }
0x92: {  	_ =	strace s18  }
0x93: {  	s3 =	sld [smem:$0x3FFC];
	_ =	sdelay $0x3  }
0x94: {  	_ =	strace s3  }
0x95: {  	s3 =	sld [smem:$0x3FFD];
	_ =	sdelay $0x3  }
0x96: {  	_ =	strace s3  }
0x97: {  	_ =	strace $0x8FFFFFFF  }
0x98: {  	s19 =	sld [smem:$0x3FDB];
	_ =	sdelay $0x1  }
0x99: {  	s4 =	simm.s32 $_scs_section_size  }
0x9a: {  	s5 =	simm.s32 $_size__tile_overlayer_lowered;
	s6 =	simm.s32 $_tile_overlayer_lowered  }
0x9b: {  	s22 =	simm.s32 $0x1BFF;
	s21 =	sshll.u32 s6, $0x1;
	s3 =	sadd.s32 s4, s19  }
0x9c: {  	s7 =	simm.s32 $0x0;
	s20 =	sshll.u32 s5, $0x1;
	s5 =	sadd.s32 s21, s3  }
0x9d: {  	[timem:s7], [sflag:s22] =	dma.local [hbm:s5], s20  }
0x9e: {  	_ =	swait.ge [sflag:s22], s20  }
0x9f: {  	s4 =	ssub.s32 $0x0, s20;
	[sflag:s22] =	ssyncset.done $0x0  }
0xa0: {  	[sflag:s22] =	ssyncadd.s32 s4;
	_ =	sdelay $0x1  }
0xa1: {  	s23 =	simm.s32 $0x1B8B  }
0xa2: {  	_ =	swait.ge [sflag:s23], $0x1  }
0xa3: {  	[sflag:s23] =	ssyncset.done $0x0  }
0xa4: {  	s25 =	simm.s32 $0x1B8E;
	s24 =	sld [smem:$0x3FFE];
	[sflag:s23] =	ssyncadd.s32 $0xFFFFFFFF  }
0xa5: {  	s26 =	simm.s32 $execute0_lowered;
	[smem:$0x3FD2] =	sst s25  }
0xa6: {  	s5 =	sshll.u32 s26, $0x1;
	_ =	strace $0x80000058;
	[dreg:$0x1] =	wrdreg $0xFFFFFFFF  }
0xa7: {  	s28 =	simm.s32 $_size_execute0_lowered;
	s3 =	sadd.s32 s3, s5;
	[dreg:$0x0] =	wrdreg $0x0  }
0xa8: {  	s5 =	sshll.u32 s28, $0x1;
	[dreg:$0x2] =	wrdreg s3  }
0xa9: {  	[dreg:$0x3] =	wrdreg s5  }
0xaa: {  	[dreg:$0x4] =	wrdreg $0xC0  }
0xab: {  	_ =	task [dreg:s7], $0x5FFFF  }
0xac: {  	[dreg:$0x1] =	wrdreg $0xFFFFFFFF  }
0xad: {  	[dreg:$0x0] =	wrdreg $0x60  }
0xae: {  	[dreg:$0x2] =	wrdreg s2  }
0xaf: {  	[dreg:$0x3] =	wrdreg s24  }
0xb0: {  	[dreg:$0x4] =	wrdreg $0x41000  }
0xb1: {  	[dreg:$0x5] =	wrdreg $0x9  }
0xb2: {  	_ =	task.clear_ibuf [dreg:s7], $0x6FFFF;
	_ =	strace $0x90000058  }
0xb3: {  	s29 =	simm.s32 $0x9;
	_ =	strace $0x8000005A  }
0xb4: {  	_ =	swait.ge [sflag:s29], $0x1  }
0xb5: {  	[sflag:s29] =	ssyncadd.s32 $0xFFFFFFFF  }
0xb6: {  	_ =	strace $0x9000005A  }
0xb7: {  	_ =	sfence  }
0xb8: {  	s30 =	sld [smem:$0x0];
	_ =	sdelay $0x2  }
0xb9: {  	s31 =	sshll.u32 s1, $0xD;
	s1 =	sshrl.u32 s1, $0x2  }
0xba: {  	s3 =	sand.u32 $0x4000, s31;
	s1 =	sadd.s32 s1, s30  }
0xbb: {  	s0 =	sor.u32 s3, s0;
	s1 =	sshll.u32 s1, $0x11  }
0xbc: {  	s0 =	sor.u32 s1, s0  }
0xbd: {  	s0 =	sadd.s32 $0x8F2B, s0  }
0xbe: {  	[sflag:s0] =	ssyncadd.remote.s32 $0x1  }
0xbf: {  	_ =	sfence.sel $0xFFFF  }
0xc0: {  	[dreg:$0x0] =	wrdreg $0xFFFFFFFF;
	(pc) =	sbr.abs _section_cstart, $3  }
0xc1: {  	[dreg:$0x1] =	wrdreg $0xFFFFFFFF  }
0xc2: {  	_ =	task.clear_ibuf [dreg:s7], $0x2FFFF;
	_ =	strace $0x9FFFFFFF  }
0xc3: {  	(tm) =	ssettm $0x7FFFFFFF  }
tec
execute0_lowered:
.L_overlay_start_1:
0x0: {  	(tag) =	ssettag $0x1  }
0x1: {  	s2 =	rddreg [dreg:$0x0]  }
0x2: {  	s5 =	rddreg [dreg:$0x1]  }
0x3: {  	s3 =	rddreg [dreg:$0x2]  }
0x4: {  	s0 =	rddreg [dreg:$0x3]  }
0x5: {  	s1 =	stileid.u32;
	s7 =	srdreg.scid;
	s4 =	simm.s32 $0x0  }
0x6: {  	s13 =	simm.s32 $0x80;
	s14 =	simm.s32 $0x100;
	s6 =	smul.u32 $0x9E0, s1  }
0x7: {  	s15 =	simm.s32 $0x1;
	s16 =	simm.s32 $0x0;
	s8 =	smul.u32 $0x13C00, s1  }
0x8: {  	s7 =	sand.u32 $0x1, s7;
	[smem:$0x7FF] =	sst s4;
	s11 =	smul.u32 $0x4F000, s1  }
0x9: {  	s31 =	sshll.u32 s1, $0x6;
	s9 =	smul.u32 $0x13C000, s7;
	_ =	strace $0x80000059  }
0xa: {  	s26 =	ssub.s32 $0x2, s7;
	s30 =	smul.u32 $0x4F0, s7;
	s10 =	sadd.s32 s6, s5  }
0xb: {  	s25 =	sshrl.u32 s8, $0x3;
	s28 =	sshrl.u32 s26, $0x1;
	s29 =	sshrl.u32 s11, $0x2  }
0xc: {  	s8 =	sadd.s32 s8, s9;
	s6 =	sadd.s32 s25, s5;
	s9 =	ssub.s32 s26, s28  }
0xd: {  	s12 =	sadd.s32 s29, s3;
	s10 =	sadd.s32 s30, s10;
	s8 =	sshrl.u32 s8, $0x3  }
0xe: {  	s11 =	sshrl.u32 s12, $0x3;
	s12 =	simm.s32 $0x2;
	s8 =	sadd.s32 s8, s5  }
0xf: {  	s5 =	sadd.s32 $0x11000, s6;
	s6 =	sor.u32 $0x1C02, s31;
	s7 =	sadd.s32 $0x91600, s8  }
0x10: {  	s8 =	smax.u32 s9, $0x1;
	s9 =	sadd.s32 $0x7200, s10;
	s10 =	sadd.s32 $0x87800, s10  }
.LBB2_1:
0x11: {  	[spmem:s11], [sflag:s6] =	dma.local [hbm:s5], $0x2780  }
0x12: {  	_ =	swait.ge [sflag:s12], $0x2780  }
0x13: {  	[sflag:s12] =	ssyncset.done $0x0  }
0x14: {  	[sflag:s12] =	ssyncadd.s32 $0xFFFFD880  }
0x15: {  	s17 =	sadd.s32 $0x0, s10;
	[bflag:$0x0] =	sbarrier.arrive $0xFFFF  }
0x16: {  	[tilespmem:s4], [sflag:$0x2] =	stream.linear.gather [hbm4b:s17+s4], $0x80, $0x38;
	[tilespmem:$0x17D00] =	vst v63  }
0x17: {  	_ =	swait.ge [sflag:s12], $0x80  }
0x18: {  	[sflag:s12] =	ssyncset.done $0x0  }
0x19: {  	s31 =	sadd.s32 $0x0, s9;
	[sflag:s12] =	ssyncadd.s32 $0xFFFFFF80  }
0x1a: {  	[tilespmem:s13], [sflag:$0x2] =	stream.linear.gather [hbm4b:s31+s4], $0x80, $0x38;
	[tilespmem:$0x17D00] =	vst v63  }
0x1b: {  	_ =	swait.ge [sflag:s12], $0x80  }
0x1c: {  	[sflag:s12] =	ssyncset.done $0x0  }
0x1d: {  	[sflag:s12] =	ssyncadd.s32 $0xFFFFFF80  }
0x1e: {  	[tilespmem:s14], [sflag:$0x1] =	stream.indirect.gather [hbm4b:s2+s13], $0x80, s4, s13, $0xb8;
	[tilespmem:$0x17D00] =	vst v63  }
0x1f: {  	_ =	swait.ge [sflag:s15], $0x4000  }
0x20: {  	[sflag:s15] =	ssyncset.done $0x0  }
0x21: {  	[sflag:s15] =	ssyncadd.s32 $0xFFFFC000  }
0x22: {  	[spmem:s3] =	stream.indirect.scatter.add.f32 [tilespmem:s14], [sflag:$0x2], $0x80, s13, s13, $0xb8;
	[tilespmem:$0x17D00] =	vst v63  }
0x23: {  	_ =	swait.ge [sflag:s12], $0x4000  }
0x24: {  	s18 =	simm.s32 $0x20;
	s17 =	simm.s32 $0x10;
	[sflag:s12] =	ssyncset.done $0x0  }
.LBB2_2:
0x25: {  	s19 =	sadd.s32 s17, s10  }
0x26: {  	[sflag:s12] =	ssyncadd.s32 $0xFFFFC000;
	s20 =	smov.u32 s18;
	s21 =	sadd.s32 $0x10, s18  }
0x27: {  	[tilespmem:s4], [sflag:$0x2] =	stream.linear.gather [hbm4b:s19+s4], $0x80, $0x38;
	[tilespmem:$0x17D00] =	vst v63  }
0x28: {  	p0 =	sne.s32 s18, $0x4E0;
	_ =	swait.ge [sflag:s12], $0x80  }
0x29: {  	[sflag:s12] =	ssyncset.done $0x0  }
0x2a: {  	s18 =	sadd.s32 s17, s9;
	s17 =	smov.u32 s20;
	[sflag:s12] =	ssyncadd.s32 $0xFFFFFF80  }
0x2b: {  	[tilespmem:s13], [sflag:$0x2] =	stream.linear.gather [hbm4b:s18+s4], $0x80, $0x38;
	[tilespmem:$0x17D00] =	vst v63  }
0x2c: {  	_ =	swait.ge [sflag:s12], $0x80  }
0x2d: {  	[sflag:s12] =	ssyncset.done $0x0  }
0x2e: {  	[sflag:s12] =	ssyncadd.s32 $0xFFFFFF80  }
0x2f: {  	[tilespmem:s14], [sflag:$0x1] =	stream.indirect.gather [hbm4b:s2+s13], $0x80, s4, s13, $0xb8;
	[tilespmem:$0x17D00] =	vst v63  }
0x30: {  	_ =	swait.ge [sflag:s15], $0x4000  }
.Ltmp0:
0x31: {  	[sflag:s15] =	ssyncset.done $0x0;
	(pc) =	sbr.rel @p0 .LBB2_2-.Ltmp0, $4  }
0x32: {  	[sflag:s15] =	ssyncadd.s32 $0xFFFFC000  }
0x33: {  	[spmem:s3] =	stream.indirect.scatter.add.f32 [tilespmem:s14], [sflag:$0x2], $0x80, s13, s13, $0xb8;
	[tilespmem:$0x17D00] =	vst v63  }
0x34: {  	_ =	swait.ge [sflag:s12], $0x4000  }
0x35: {  	s18 =	smov.u32 s21;
	[sflag:s12] =	ssyncset.done $0x0  }
0x36: {  	s18 =	sadd.s32 s17, s10;
	[sflag:s12] =	ssyncadd.s32 $0xFFFFC000  }
0x37: {  	[tilespmem:s4], [sflag:$0x2] =	stream.linear.gather [hbm4b:s18+s4], $0x80, $0x38;
	[tilespmem:$0x17D00] =	vst v63  }
0x38: {  	_ =	swait.ge [sflag:s12], $0x80  }
0x39: {  	[sflag:s12] =	ssyncset.done $0x0  }
0x3a: {  	s31 =	sadd.s32 s17, s9;
	[sflag:s12] =	ssyncadd.s32 $0xFFFFFF80  }
0x3b: {  	[tilespmem:s13], [sflag:$0x2] =	stream.linear.gather [hbm4b:s31+s4], $0x80, $0x38;
	[tilespmem:$0x17D00] =	vst v63  }
0x3c: {  	_ =	swait.ge [sflag:s12], $0x80  }
0x3d: {  	[sflag:s12] =	ssyncset.done $0x0  }
0x3e: {  	[sflag:s12] =	ssyncadd.s32 $0xFFFFFF80  }
0x3f: {  	[tilespmem:s14], [sflag:$0x1] =	stream.indirect.gather [hbm4b:s2+s13], $0x80, s4, s13, $0xb8;
	[tilespmem:$0x17D00] =	vst v63  }
0x40: {  	_ =	swait.ge [sflag:s15], $0x4000  }
0x41: {  	[sflag:s15] =	ssyncset.done $0x0  }
0x42: {  	[sflag:s15] =	ssyncadd.s32 $0xFFFFC000  }
0x43: {  	[spmem:s3] =	stream.indirect.scatter.add.f32 [tilespmem:s14], [sflag:$0x2], $0x80, s13, s13, $0xb8;
	[tilespmem:$0x17D00] =	vst v63  }
0x44: {  	_ =	swait.ge [sflag:s12], $0x4000  }
0x45: {  	s16 =	sadd.s32 $0x1, s16;
	[sflag:s12] =	ssyncset.done $0x0  }
0x46: {  	p0 =	sne.s32 s16, s8;
	[sflag:s12] =	ssyncadd.s32 $0xFFFFC000  }
.Ltmp1:
0x47: {  	[bflag:$0x0] =	sbarrier.arrive $0xFFFF;
	(pc) =	sbr.rel @p0 .LBB2_1-.Ltmp1, $4  }
0x48: {  	[hbm:s7], [sflag:s6] =	dma.local [spmem:s11], $0x2780  }
0x49: {  	_ =	swait.ge [sflag:s12], $0x2780  }
0x4a: {  	[sflag:s12] =	ssyncset.done $0x0  }
0x4b: {  	[sflag:s12] =	ssyncadd.s32 $0xFFFFD880  }
0x4c: {  	_ =	sfence.sel $0x180000  }
0x4d: {  	[bflag:$0x0] =	sbarrier.arrive $0xFFFF  }
0x4e: {  	p0 =	sne.s32 s1, $0x0;
	_ =	strace $0x90000059  }
0x4f: {  	s0 =	sadd.s32 @!p0 $0x100000, s0;
	[bflag:$0x2] =	sbarrier.arrive $0xFFFF  }
0x50: {  	[sflag:s0] =	ssyncadd.tile.s32 @!p0 $0x1;
	_ =	shalt  }
.Lfunc_end2:
_tile_overlayer_lowered:
.L_overlay_start_2:
0x51: {  	(tag) =	ssettag $0x2  }
0x52: {  	s0 =	rddreg [dreg:$0x0];
	s2 =	stileid.u32  }
0x53: {  	s1 =	rddreg [dreg:$0x1];
	p0 =	sne.s32 s2, $0x0  }
0x54: {  	s3 =	rddreg [dreg:$0x2];
	[bflag:$0x3] =	sbarrier.arrive $0xFFFF;
	s2 =	simm.s32 @!p0 $0x1C02  }
0x55: {  	[timem:s3], [sflag:s2] =	dma.local @!p0 [hbm:s0], s1  }
0x56: {  	s0 =	simm.s32 @!p0 $0x2  }
0x57: {  	_ =	swait.ge @!p0 [sflag:s0], s1  }
0x58: {  	s1 =	ssub.s32 @!p0 $0x0, s1;
	[sflag:s0] =	ssyncset.done @!p0 $0x0  }
0x59: {  	[sflag:s0] =	ssyncadd.s32 @!p0 s1  }
0x5a: {  	[bflag:$0x3] =	sbarrier.arrive $0xFFFF  }
0x5b: {  	_ =	shalt  }

// kernel: kernel.36.cloned.1.call-start
scs
__scs_entry_jumppad:
0x0: {  	(pc) =	sbr.rel $0x88, $3  }
0x1: {  	(tag) =	ssettag $0x0;
	lr =	simm.s32 $0x1  }
0x2: {  	[smem:$0x3F91] =	sst lr;
	_ =	strace $0xD0000000  }
0x3: {  	_ = 	snop  }
0x4: {  	_ = 	snop  }
0x5: {  	_ = 	snop  }
0x6: {  	_ = 	snop  }
0x7: {  	_ = 	snop  }
__scs_overlays_trampoline_lowered:
0x8: {  	[smem:$0x3FA0] =	sst s0  }
0x9: {  	[smem:$0x3FA1] =	sst s1  }
0xa: {  	[smem:$0x3FA2] =	sst s2  }
0xb: {  	[smem:$0x3FA3] =	sst s3  }
0xc: {  	[smem:$0x3FA4] =	sst s4  }
0xd: {  	[smem:$0x3FA5] =	sst s5  }
0xe: {  	[smem:$0x3FA6] =	sst s6  }
0xf: {  	[smem:$0x3FA7] =	sst s7  }
0x10: {  	[smem:$0x3FA8] =	sst s8  }
0x11: {  	[smem:$0x3FA9] =	sst s9;
	s0 =	simm.s32 @!p0 $0x0  }
0x12: {  	s1 =	sld [smem:$0x3F8F];
	s0 =	simm.s32 @p0 $0x1  }
0x13: {  	[smem:$0x3FAA] =	sst s0;
	s0 =	simm.s32 @!p1 $0x0  }
0x14: {  	s2 =	sld [smem:$0x3F8E];
	s0 =	simm.s32 @p1 $0x1  }
0x15: {  	[smem:$0x3FAB] =	sst s0;
	s0 =	simm.s32 @!p2 $0x0  }
0x16: {  	s3 =	sld [smem:$0x3FDB];
	s0 =	simm.s32 @p2 $0x1  }
0x17: {  	s4 =	simm.s32 $0x1BF5;
	[smem:$0x3FAD] =	sst s0  }
0x18: {  	s0 =	sld [smem:$0x3F90];
	_ =	swait.ge [sflag:s4], $0x0  }
0x19: {  	s7 =	sld [smem:$0x3F91]  }
0x1a: {  	s8 =	sadd.s32 $0xFFFFE003, lr  }
0x1b: {  	s9 =	sadd.s32 $0xFFFFFEF7, lr;
	s5 =	simm.s32 $0xFFFFFFFF;
	p2 =	slt.u32 s8, $0xFFFFF086  }
0x1c: {  	p1 =	slt.u32 s9, $0xF7A;
	s5 =	simm.s32 @!p2 $0x0  }
0x1d: {  	s5 =	simm.s32 @p1 $0x1;
	p0 =	seq.s32 s7, s2  }
0x1e: {  	s7 =	smul.u32 @!p0 $0xF7A, s2;
	p2 =	seq.s32 @!p0 s5, $0x0  }
0x1f: {  	s9 =	smul.u32 $0xF7A, s1;
	s8 =	simm.s32 @!p0 $0x1BF5;
	p2 =	por !p2, p0  }
0x20: {  	[sflag:s8] =	ssyncset.s32 @!p0 $0xFFFFF086;
	s6 =	sadd.s32 @!p0 s3, s7;
	s7 =	simm.s32 @!p0 $0x108  }
0x21: {  	s3 =	sadd.s32 s3, s9;
	s6 =	sadd.s32 @!p0 $0x88, s6;
	s7 =	simm.s32 @p2 $0x1082  }
0x22: {  	[simem:s7], [sflag:s8] =	dma.local @!p0 [hbm:s6], $0xF7A  }
0x23: {  	s9 =	sor.u32 $0xD0000000, s2;
	s6 =	simm.s32 $0x108;
	_ =	swait.ge @!p0 [sflag:s8], $0x0  }
0x24: {  	s3 =	sadd.s32 $0x88, s3;
	s6 =	simm.s32 @!p1 $0x1082;
	[sflag:s4] =	ssyncset.s32 $0xFFFFF086  }
0x25: {  	[simem:s6], [sflag:s4] =	dma.local [hbm:s3], $0xF7A  }
0x26: {  	[smem:$0x3F91] =	sst s1;
	(tag) =	ssettag s2;
	_ =	strace s9  }
0x27: {  	s1 =	sld [smem:$0x3FA1]  }
0x28: {  	s2 =	sld [smem:$0x3FA2]  }
0x29: {  	s4 =	sld [smem:$0x3FA4]  }
0x2a: {  	p0 =	seq.s32 s5, $0x0;
	s5 =	sld [smem:$0x3FA5]  }
0x2b: {  	s6 =	sld [smem:$0x3FA6]  }
0x2c: {  	s7 =	sld [smem:$0x3FA7]  }
0x2d: {  	s3 =	simm.s32 $0x108;
	s8 =	sld [smem:$0x3FA8]  }
0x2e: {  	s3 =	simm.s32 @!p0 $0x1082;
	s9 =	sld [smem:$0x3FA9]  }
0x2f: {  	lr =	sadd.s32 s0, s3;
	s0 =	sld [smem:$0x3FA0]  }
0x30: {  	s3 =	sld [smem:$0x3FA3]  }
0x31: {  	[smem:$0x3FAC] =	sst s10  }
0x32: {  	s10 =	sld [smem:$0x3FAA];
	_ =	sdelay $0x3  }
0x33: {  	p0 =	seq.s32 s10, $0x1;
	s10 =	sld [smem:$0x3FAC];
	_ =	sdelay $0x3  }
0x34: {  	[smem:$0x3FAC] =	sst s10  }
0x35: {  	s10 =	sld [smem:$0x3FAB];
	_ =	sdelay $0x3  }
0x36: {  	p1 =	seq.s32 s10, $0x1;
	s10 =	sld [smem:$0x3FAC];
	_ =	sdelay $0x3  }
0x37: {  	[smem:$0x3FAC] =	sst s10  }
0x38: {  	s10 =	sld [smem:$0x3FAD]  }
0x39: {  	_ = 	snop;
	(pc) =	sbr.ind lr, $3  }
0x3a: {  	_ = 	snop  }
0x3b: {  	_ = 	snop  }
0x3c: {  	p2 =	seq.s32 s10, $0x1;
	s10 =	sld [smem:$0x3FAC]  }
0x3d: {  	_ =	shalt  }
0x3e: {  	_ =	shalt  }
0x3f: {  	_ =	shalt  }
0x40: {  	_ =	shalt  }
0x41: {  	_ =	shalt  }
0x42: {  	_ =	shalt  }
0x43: {  	_ =	shalt  }
0x44: {  	_ =	shalt  }
0x45: {  	_ =	shalt  }
0x46: {  	_ =	shalt  }
0x47: {  	_ =	shalt  }
0x48: {  	_ =	shalt  }
0x49: {  	_ =	shalt  }
0x4a: {  	_ =	shalt  }
0x4b: {  	_ =	shalt  }
0x4c: {  	_ =	shalt  }
0x4d: {  	_ =	shalt  }
0x4e: {  	_ =	shalt  }
0x4f: {  	_ =	shalt  }
0x50: {  	_ =	shalt  }
0x51: {  	_ =	shalt  }
0x52: {  	_ =	shalt  }
0x53: {  	_ =	shalt  }
0x54: {  	_ =	shalt  }
0x55: {  	_ =	shalt  }
0x56: {  	_ =	shalt  }
0x57: {  	_ =	shalt  }
0x58: {  	_ =	shalt  }
0x59: {  	_ =	shalt  }
0x5a: {  	_ =	shalt  }
0x5b: {  	_ =	shalt  }
0x5c: {  	_ =	shalt  }
0x5d: {  	_ =	shalt  }
0x5e: {  	_ =	shalt  }
0x5f: {  	_ =	shalt  }
0x60: {  	_ =	shalt  }
0x61: {  	_ =	shalt  }
0x62: {  	_ =	shalt  }
0x63: {  	_ =	shalt  }
0x64: {  	_ =	shalt  }
0x65: {  	_ =	shalt  }
0x66: {  	_ =	shalt  }
0x67: {  	_ =	shalt  }
0x68: {  	_ =	shalt  }
0x69: {  	_ =	shalt  }
0x6a: {  	_ =	shalt  }
0x6b: {  	_ =	shalt  }
0x6c: {  	_ =	shalt  }
0x6d: {  	_ =	shalt  }
0x6e: {  	_ =	shalt  }
0x6f: {  	_ =	shalt  }
0x70: {  	_ =	shalt  }
0x71: {  	_ =	shalt  }
0x72: {  	_ =	shalt  }
0x73: {  	_ =	shalt  }
0x74: {  	_ =	shalt  }
0x75: {  	_ =	shalt  }
0x76: {  	_ =	shalt  }
0x77: {  	_ =	shalt  }
0x78: {  	_ =	shalt  }
0x79: {  	_ =	shalt  }
0x7a: {  	_ =	shalt  }
0x7b: {  	_ =	shalt  }
0x7c: {  	_ =	shalt  }
0x7d: {  	_ =	shalt  }
0x7e: {  	_ =	shalt  }
0x7f: {  	_ =	shalt  }
0x80: {  	_ =	shalt  }
0x81: {  	_ =	shalt  }
0x82: {  	_ =	shalt  }
0x83: {  	_ =	shalt  }
0x84: {  	_ =	shalt  }
0x85: {  	_ =	shalt  }
0x86: {  	_ =	shalt  }
0x87: {  	_ =	shalt  }
.Lfunc_end0:
.L_simem_size_0:
called_computation.7_lowered:
.L_overlay_start_0:
0x88: {  	s2 =	sld [smem:$0x3FD9]  }
0x89: {  	s3 =	sld [smem:$0x3FFE];
	_ =	sdelay $0x1  }
0x8a: {  	s1 =	srdreg.scid  }
0x8b: {  	s0 =	sand.u32 $0x1, s1  }
0x8c: {  	s17 =	sshll.u32 s0, $0xA;
	s2 =	sadd.s32 s3, s2  }
0x8d: {  	s2 =	sadd.s32 s2, s17  }
0x8e: {  	[smem:$0x3FB8] =	sst s2  }
0x8f: {  	_ = 	snop  }
0x90: {  	s2 =	sld [smem:$0x3FD0];
	(tm) =	ssettm $0x1  }
0x91: {  	s18 =	sld [smem:$0x3FFB];
	_ =	sdelay $0x3  }
0x92: {  	_ =	strace s18  }
0x93: {  	s3 =	sld [smem:$0x3FFC];
	_ =	sdelay $0x3  }
0x94: {  	_ =	strace s3  }
0x95: {  	s3 =	sld [smem:$0x3FFD];
	_ =	sdelay $0x3  }
0x96: {  	_ =	strace s3  }
0x97: {  	_ =	strace $0x8FFFFFFF  }
0x98: {  	s19 =	sld [smem:$0x3FDB];
	_ =	sdelay $0x1  }
0x99: {  	s4 =	simm.s32 $_scs_section_size  }
0x9a: {  	s5 =	simm.s32 $_size__tile_overlayer_lowered;
	s6 =	simm.s32 $_tile_overlayer_lowered  }
0x9b: {  	s22 =	simm.s32 $0x1BFF;
	s21 =	sshll.u32 s6, $0x1;
	s3 =	sadd.s32 s4, s19  }
0x9c: {  	s7 =	simm.s32 $0x0;
	s20 =	sshll.u32 s5, $0x1;
	s5 =	sadd.s32 s21, s3  }
0x9d: {  	[timem:s7], [sflag:s22] =	dma.local [hbm:s5], s20  }
0x9e: {  	_ =	swait.ge [sflag:s22], s20  }
0x9f: {  	s4 =	ssub.s32 $0x0, s20;
	[sflag:s22] =	ssyncset.done $0x0  }
0xa0: {  	[sflag:s22] =	ssyncadd.s32 s4;
	_ =	sdelay $0x1  }
0xa1: {  	s23 =	simm.s32 $0x1B8B  }
0xa2: {  	_ =	swait.ge [sflag:s23], $0x1  }
0xa3: {  	[sflag:s23] =	ssyncset.done $0x0  }
0xa4: {  	s25 =	simm.s32 $0x1B8E;
	s24 =	sld [smem:$0x3FFE];
	[sflag:s23] =	ssyncadd.s32 $0xFFFFFFFF  }
0xa5: {  	s26 =	simm.s32 $execute0_lowered;
	[smem:$0x3FD2] =	sst s25  }
0xa6: {  	s5 =	sshll.u32 s26, $0x1;
	_ =	strace $0x8000005B;
	[dreg:$0x1] =	wrdreg $0xFFFFFFFF  }
0xa7: {  	s28 =	simm.s32 $_size_execute0_lowered;
	s3 =	sadd.s32 s3, s5;
	[dreg:$0x0] =	wrdreg $0x0  }
0xa8: {  	s5 =	sshll.u32 s28, $0x1;
	[dreg:$0x2] =	wrdreg s3  }
0xa9: {  	[dreg:$0x3] =	wrdreg s5  }
0xaa: {  	[dreg:$0x4] =	wrdreg $0xC0  }
0xab: {  	_ =	task [dreg:s7], $0x5FFFF  }
0xac: {  	[dreg:$0x1] =	wrdreg $0xFFFFFFFF  }
0xad: {  	[dreg:$0x0] =	wrdreg $0x60  }
0xae: {  	[dreg:$0x2] =	wrdreg s2  }
0xaf: {  	[dreg:$0x3] =	wrdreg s24  }
0xb0: {  	[dreg:$0x4] =	wrdreg $0x41000  }
0xb1: {  	[dreg:$0x5] =	wrdreg $0x9  }
0xb2: {  	_ =	task.clear_ibuf [dreg:s7], $0x6FFFF;
	_ =	strace $0x9000005B  }
0xb3: {  	s29 =	simm.s32 $0x9;
	_ =	strace $0x8000005D  }
0xb4: {  	_ =	swait.ge [sflag:s29], $0x1  }
0xb5: {  	[sflag:s29] =	ssyncadd.s32 $0xFFFFFFFF  }
0xb6: {  	_ =	strace $0x9000005D  }
0xb7: {  	_ =	sfence  }
0xb8: {  	s30 =	sld [smem:$0x0];
	_ =	sdelay $0x2  }
0xb9: {  	s31 =	sshll.u32 s1, $0xD;
	s1 =	sshrl.u32 s1, $0x2  }
0xba: {  	s3 =	sand.u32 $0x4000, s31;
	s1 =	sadd.s32 s1, s30  }
0xbb: {  	s0 =	sor.u32 s3, s0;
	s1 =	sshll.u32 s1, $0x11  }
0xbc: {  	s0 =	sor.u32 s1, s0  }
0xbd: {  	s0 =	sadd.s32 $0x8F2B, s0  }
0xbe: {  	[sflag:s0] =	ssyncadd.remote.s32 $0x1  }
0xbf: {  	_ =	sfence.sel $0xFFFF  }
0xc0: {  	[dreg:$0x0] =	wrdreg $0xFFFFFFFF;
	(pc) =	sbr.abs _section_cstart, $3  }
0xc1: {  	[dreg:$0x1] =	wrdreg $0xFFFFFFFF  }
0xc2: {  	_ =	task.clear_ibuf [dreg:s7], $0x2FFFF;
	_ =	strace $0x9FFFFFFF  }
0xc3: {  	(tm) =	ssettm $0x7FFFFFFF  }
tec
execute0_lowered:
.L_overlay_start_1:
0x0: {  	(tag) =	ssettag $0x1  }
0x1: {  	s2 =	rddreg [dreg:$0x0]  }
0x2: {  	s5 =	rddreg [dreg:$0x1]  }
0x3: {  	s3 =	rddreg [dreg:$0x2]  }
0x4: {  	s0 =	rddreg [dreg:$0x3]  }
0x5: {  	s1 =	stileid.u32;
	s7 =	srdreg.scid;
	s4 =	simm.s32 $0x0  }
0x6: {  	s13 =	simm.s32 $0x80;
	s14 =	simm.s32 $0x100;
	s6 =	smul.u32 $0x9E0, s1  }
0x7: {  	s15 =	simm.s32 $0x1;
	s16 =	simm.s32 $0x0;
	s8 =	smul.u32 $0x13C00, s1  }
0x8: {  	s7 =	sand.u32 $0x1, s7;
	[smem:$0x7FF] =	sst s4;
	s11 =	smul.u32 $0x4F000, s1  }
0x9: {  	s31 =	sshll.u32 s1, $0x6;
	s9 =	smul.u32 $0x13C000, s7;
	_ =	strace $0x8000005C  }
0xa: {  	s26 =	ssub.s32 $0x2, s7;
	s30 =	smul.u32 $0x4F0, s7;
	s10 =	sadd.s32 s6, s5  }
0xb: {  	s25 =	sshrl.u32 s8, $0x3;
	s28 =	sshrl.u32 s26, $0x1;
	s29 =	sshrl.u32 s11, $0x2  }
0xc: {  	s8 =	sadd.s32 s8, s9;
	s6 =	sadd.s32 s25, s5;
	s9 =	ssub.s32 s26, s28  }
0xd: {  	s12 =	sadd.s32 s29, s3;
	s10 =	sadd.s32 s30, s10;
	s8 =	sshrl.u32 s8, $0x3  }
0xe: {  	s11 =	sshrl.u32 s12, $0x3;
	s12 =	simm.s32 $0x2;
	s8 =	sadd.s32 s8, s5  }
0xf: {  	s5 =	sadd.s32 $0x11000, s6;
	s6 =	sor.u32 $0x1C02, s31;
	s7 =	sadd.s32 $0x91600, s8  }
0x10: {  	s8 =	smax.u32 s9, $0x1;
	s9 =	sadd.s32 $0x7200, s10;
	s10 =	sadd.s32 $0x87800, s10  }
.LBB2_1:
0x11: {  	[spmem:s11], [sflag:s6] =	dma.local [hbm:s5], $0x2780  }
0x12: {  	_ =	swait.ge [sflag:s12], $0x2780  }
0x13: {  	[sflag:s12] =	ssyncset.done $0x0  }
0x14: {  	[sflag:s12] =	ssyncadd.s32 $0xFFFFD880  }
0x15: {  	s17 =	sadd.s32 $0x0, s10;
	[bflag:$0x0] =	sbarrier.arrive $0xFFFF  }
0x16: {  	[tilespmem:s4], [sflag:$0x2] =	stream.linear.gather [hbm4b:s17+s4], $0x80, $0x38;
	[tilespmem:$0x17D00] =	vst v63  }
0x17: {  	_ =	swait.ge [sflag:s12], $0x80  }
0x18: {  	[sflag:s12] =	ssyncset.done $0x0  }
0x19: {  	s31 =	sadd.s32 $0x0, s9;
	[sflag:s12] =	ssyncadd.s32 $0xFFFFFF80  }
0x1a: {  	[tilespmem:s13], [sflag:$0x2] =	stream.linear.gather [hbm4b:s31+s4], $0x80, $0x38;
	[tilespmem:$0x17D00] =	vst v63  }
0x1b: {  	_ =	swait.ge [sflag:s12], $0x80  }
0x1c: {  	[sflag:s12] =	ssyncset.done $0x0  }
0x1d: {  	[sflag:s12] =	ssyncadd.s32 $0xFFFFFF80  }
0x1e: {  	[tilespmem:s14], [sflag:$0x1] =	stream.indirect.gather [hbm4b:s2+s13], $0x80, s4, s13, $0xb8;
	[tilespmem:$0x17D00] =	vst v63  }
0x1f: {  	_ =	swait.ge [sflag:s15], $0x4000  }
0x20: {  	[sflag:s15] =	ssyncset.done $0x0  }
0x21: {  	[sflag:s15] =	ssyncadd.s32 $0xFFFFC000  }
0x22: {  	[spmem:s3] =	stream.indirect.scatter.add.f32 [tilespmem:s14], [sflag:$0x2], $0x80, s13, s13, $0xb8;
	[tilespmem:$0x17D00] =	vst v63  }
0x23: {  	_ =	swait.ge [sflag:s12], $0x4000  }
0x24: {  	s18 =	simm.s32 $0x20;
	s17 =	simm.s32 $0x10;
	[sflag:s12] =	ssyncset.done $0x0  }
.LBB2_2:
0x25: {  	s19 =	sadd.s32 s17, s10  }
0x26: {  	[sflag:s12] =	ssyncadd.s32 $0xFFFFC000;
	s20 =	smov.u32 s18;
	s21 =	sadd.s32 $0x10, s18  }
0x27: {  	[tilespmem:s4], [sflag:$0x2] =	stream.linear.gather [hbm4b:s19+s4], $0x80, $0x38;
	[tilespmem:$0x17D00] =	vst v63  }
0x28: {  	p0 =	sne.s32 s18, $0x4E0;
	_ =	swait.ge [sflag:s12], $0x80  }
0x29: {  	[sflag:s12] =	ssyncset.done $0x0  }
0x2a: {  	s18 =	sadd.s32 s17, s9;
	s17 =	smov.u32 s20;
	[sflag:s12] =	ssyncadd.s32 $0xFFFFFF80  }
0x2b: {  	[tilespmem:s13], [sflag:$0x2] =	stream.linear.gather [hbm4b:s18+s4], $0x80, $0x38;
	[tilespmem:$0x17D00] =	vst v63  }
0x2c: {  	_ =	swait.ge [sflag:s12], $0x80  }
0x2d: {  	[sflag:s12] =	ssyncset.done $0x0  }
0x2e: {  	[sflag:s12] =	ssyncadd.s32 $0xFFFFFF80  }
0x2f: {  	[tilespmem:s14], [sflag:$0x1] =	stream.indirect.gather [hbm4b:s2+s13], $0x80, s4, s13, $0xb8;
	[tilespmem:$0x17D00] =	vst v63  }
0x30: {  	_ =	swait.ge [sflag:s15], $0x4000  }
.Ltmp0:
0x31: {  	[sflag:s15] =	ssyncset.done $0x0;
	(pc) =	sbr.rel @p0 .LBB2_2-.Ltmp0, $4  }
0x32: {  	[sflag:s15] =	ssyncadd.s32 $0xFFFFC000  }
0x33: {  	[spmem:s3] =	stream.indirect.scatter.add.f32 [tilespmem:s14], [sflag:$0x2], $0x80, s13, s13, $0xb8;
	[tilespmem:$0x17D00] =	vst v63  }
0x34: {  	_ =	swait.ge [sflag:s12], $0x4000  }
0x35: {  	s18 =	smov.u32 s21;
	[sflag:s12] =	ssyncset.done $0x0  }
0x36: {  	s18 =	sadd.s32 s17, s10;
	[sflag:s12] =	ssyncadd.s32 $0xFFFFC000  }
0x37: {  	[tilespmem:s4], [sflag:$0x2] =	stream.linear.gather [hbm4b:s18+s4], $0x80, $0x38;
	[tilespmem:$0x17D00] =	vst v63  }
0x38: {  	_ =	swait.ge [sflag:s12], $0x80  }
0x39: {  	[sflag:s12] =	ssyncset.done $0x0  }
0x3a: {  	s31 =	sadd.s32 s17, s9;
	[sflag:s12] =	ssyncadd.s32 $0xFFFFFF80  }
0x3b: {  	[tilespmem:s13], [sflag:$0x2] =	stream.linear.gather [hbm4b:s31+s4], $0x80, $0x38;
	[tilespmem:$0x17D00] =	vst v63  }
0x3c: {  	_ =	swait.ge [sflag:s12], $0x80  }
0x3d: {  	[sflag:s12] =	ssyncset.done $0x0  }
0x3e: {  	[sflag:s12] =	ssyncadd.s32 $0xFFFFFF80  }
0x3f: {  	[tilespmem:s14], [sflag:$0x1] =	stream.indirect.gather [hbm4b:s2+s13], $0x80, s4, s13, $0xb8;
	[tilespmem:$0x17D00] =	vst v63  }
0x40: {  	_ =	swait.ge [sflag:s15], $0x4000  }
0x41: {  	[sflag:s15] =	ssyncset.done $0x0  }
0x42: {  	[sflag:s15] =	ssyncadd.s32 $0xFFFFC000  }
0x43: {  	[spmem:s3] =	stream.indirect.scatter.add.f32 [tilespmem:s14], [sflag:$0x2], $0x80, s13, s13, $0xb8;
	[tilespmem:$0x17D00] =	vst v63  }
0x44: {  	_ =	swait.ge [sflag:s12], $0x4000  }
0x45: {  	s16 =	sadd.s32 $0x1, s16;
	[sflag:s12] =	ssyncset.done $0x0  }
0x46: {  	p0 =	sne.s32 s16, s8;
	[sflag:s12] =	ssyncadd.s32 $0xFFFFC000  }
.Ltmp1:
0x47: {  	[bflag:$0x0] =	sbarrier.arrive $0xFFFF;
	(pc) =	sbr.rel @p0 .LBB2_1-.Ltmp1, $4  }
0x48: {  	[hbm:s7], [sflag:s6] =	dma.local [spmem:s11], $0x2780  }
0x49: {  	_ =	swait.ge [sflag:s12], $0x2780  }
0x4a: {  	[sflag:s12] =	ssyncset.done $0x0  }
0x4b: {  	[sflag:s12] =	ssyncadd.s32 $0xFFFFD880  }
0x4c: {  	_ =	sfence.sel $0x180000  }
0x4d: {  	[bflag:$0x0] =	sbarrier.arrive $0xFFFF  }
0x4e: {  	p0 =	sne.s32 s1, $0x0;
	_ =	strace $0x9000005C  }
0x4f: {  	s0 =	sadd.s32 @!p0 $0x100000, s0;
	[bflag:$0x2] =	sbarrier.arrive $0xFFFF  }
0x50: {  	[sflag:s0] =	ssyncadd.tile.s32 @!p0 $0x1;
	_ =	shalt  }
.Lfunc_end2:
_tile_overlayer_lowered:
.L_overlay_start_2:
0x51: {  	(tag) =	ssettag $0x2  }
0x52: {  	s0 =	rddreg [dreg:$0x0];
	s2 =	stileid.u32  }
0x53: {  	s1 =	rddreg [dreg:$0x1];
	p0 =	sne.s32 s2, $0x0  }
0x54: {  	s3 =	rddreg [dreg:$0x2];
	[bflag:$0x3] =	sbarrier.arrive $0xFFFF;
	s2 =	simm.s32 @!p0 $0x1C02  }
0x55: {  	[timem:s3], [sflag:s2] =	dma.local @!p0 [hbm:s0], s1  }
0x56: {  	s0 =	simm.s32 @!p0 $0x2  }
0x57: {  	_ =	swait.ge @!p0 [sflag:s0], s1  }
0x58: {  	s1 =	ssub.s32 @!p0 $0x0, s1;
	[sflag:s0] =	ssyncset.done @!p0 $0x0  }
0x59: {  	[sflag:s0] =	ssyncadd.s32 @!p0 s1  }
0x5a: {  	[bflag:$0x3] =	sbarrier.arrive $0xFFFF  }
0x5b: {  	_ =	shalt  }

</sc_bundles>
